<compile_context>
chip_gen: v7x
topology: tpu7x:2x2x1
jax: 0.10.2.dev20260603
libtpu: 0.0.44.dev20260713+nightly
codegen_flags: <defaults>
</compile_context>

<pallas_src>
import functools

import jax
import jax.numpy as jnp
from jax import lax
from jax.experimental import pallas as pl
from jax.experimental.pallas import tpu as pltpu
from jax.experimental.pallas import tpu_sc as plsc

N = 10000
NPAD = 10240
ROWS = NPAD // 16
E = 320000
EPAD = 327680
K = 128
NBS = EPAD // 32 // K
NBF = EPAD // 16 // K
G = 16
D0, D1, D2, DOUT = 128, 256, 128, 10
F32 = jnp.float32

def _mesh():
    return plsc.VectorSubcoreMesh(
        core_axis_name="c", subcore_axis_name="s", num_cores=2,
        num_subcores=16)



def _sc_deg(dst_p, z128, ones128):

    @functools.partial(
        pl.kernel,
        out_type=jax.ShapeDtypeStruct((2 * NPAD, 128), F32),
        mesh=_mesh(),
        scratch_types=[
            pltpu.VMEM((NBS, K), jnp.int32),
            pltpu.VMEM((K, 128), F32),
            pltpu.VMEM_SHARED((NPAD, 128), F32),
        ],
    )
    def k(dst_hbm, z_hbm, ones_hbm, out_hbm, dstbuf, onesbuf, acc):
        cid = lax.axis_index("c")
        sid = lax.axis_index("s")
        row_lo = sid * ROWS
        pltpu.sync_copy(z_hbm, acc.at[pl.ds(row_lo, ROWS)])
        pltpu.sync_copy(ones_hbm, onesbuf)
        bbase = (cid * 16 + sid) * NBS
        pltpu.sync_copy(dst_hbm.at[pl.ds(bbase, NBS)], dstbuf)
        plsc.subcore_barrier()

        def body(j, carry):
            pltpu.sync_copy(onesbuf, acc.at[dstbuf.at[j]], add=True)
            return carry

        lax.fori_loop(0, NBS, body, 0)
        plsc.subcore_barrier()
        pltpu.sync_copy(acc.at[pl.ds(row_lo, ROWS)],
                        out_hbm.at[pl.ds(cid * NPAD + row_lo, ROWS)])

    return k(dst_p, z128, ones128)


def _sc_agg(t0, t1, src_p, dst_p, z128, split_edges, dtype=F32):
    nb = NBS if split_edges else NBF
    CH = 16
    nch = nb // CH

    @functools.partial(
        pl.kernel,
        out_type=jax.ShapeDtypeStruct((2 * NPAD, 128), dtype),
        mesh=_mesh(),
        scratch_types=[
            pltpu.VMEM((CH, K), jnp.int32),
            pltpu.VMEM((CH, K), jnp.int32),
            pltpu.VMEM((K, 128), dtype),
            pltpu.VMEM((K, 128), dtype),
            pltpu.VMEM_SHARED((NPAD, 128), dtype),
            pltpu.SemaphoreType.DMA,
            pltpu.SemaphoreType.DMA,
            pltpu.SemaphoreType.DMA,
            pltpu.SemaphoreType.DMA,
        ],
    )
    def k(t0_hbm, t1_hbm, src_hbm, dst_hbm, z_hbm, out_hbm,
          srcbuf, dstbuf, rows0, rows1, acc, sem0, sem1, ssem0, ssem1):
        cid = lax.axis_index("c")
        sid = lax.axis_index("s")
        row_lo = sid * ROWS
        pltpu.sync_copy(z_hbm, acc.at[pl.ds(row_lo, ROWS)])
        if split_edges:
            bbase = (cid * 16 + sid) * nb
        else:
            bbase = sid * nb
        plsc.subcore_barrier()

        def gather(j, buf, sem):
            @pl.when(cid == 0)
            def _():
                pltpu.async_copy(t0_hbm.at[srcbuf.at[j]], buf, sem)

            @pl.when(cid == 1)
            def _():
                pltpu.async_copy(t1_hbm.at[srcbuf.at[j]], buf, sem)

        def wait(buf, sem):
            pltpu.make_async_copy(t0_hbm.at[pl.ds(0, K)], buf, sem).wait()

        def swait(buf, sem):
            pltpu.make_async_copy(buf, acc.at[pl.ds(0, K)], sem).wait()

        def chunk(c, carry):
            pltpu.sync_copy(src_hbm.at[pl.ds(bbase + c * CH, CH)], srcbuf)
            pltpu.sync_copy(dst_hbm.at[pl.ds(bbase + c * CH, CH)], dstbuf)
            gather(0, rows0, sem0)

            def body(j2, carry2):
                j = 2 * j2

                @pl.when(j2 > 0)
                def _():
                    swait(rows1, ssem1)

                gather(j + 1, rows1, sem1)
                wait(rows0, sem0)
                pltpu.async_copy(rows0, acc.at[dstbuf.at[j]], ssem0,
                                 add=True)

                @pl.when(j2 + 1 < CH // 2)
                def _():
                    swait(rows0, ssem0)
                    gather(j + 2, rows0, sem0)

                wait(rows1, sem1)
                pltpu.async_copy(rows1, acc.at[dstbuf.at[j + 1]], ssem1,
                                 add=True)
                return carry2

            lax.fori_loop(0, CH // 2, body, 0)
            swait(rows0, ssem0)
            swait(rows1, ssem1)
            return carry

        lax.fori_loop(0, nch, chunk, 0)
        plsc.subcore_barrier()
        pltpu.sync_copy(acc.at[pl.ds(row_lo, ROWS)],
                        out_hbm.at[pl.ds(cid * NPAD + row_lo, ROWS)])

    return k(t0, t1, src_p, dst_p, z128)



_NBLK = NPAD // ROWS


def _tc_prep(degp, x_p):
    def body(d0, d1, x_ref, dinv_ref, u_ref, u2_ref):
        deg = d0[:, 0:1] + d1[:, 0:1] + 2.0
        dinv = lax.rsqrt(deg)
        dinv_ref[...] = dinv
        u = dinv * x_ref[...]
        u_ref[...] = u
        u2_ref[...] = u

    return pl.pallas_call(
        body,
        grid=(_NBLK,),
        in_specs=[
            pl.BlockSpec((ROWS, 128), lambda i: (i, 0)),
            pl.BlockSpec((ROWS, 128), lambda i: (_NBLK + i, 0)),
            pl.BlockSpec((ROWS, 128), lambda i: (i, 0)),
        ],
        out_specs=[
            pl.BlockSpec((ROWS, 1), lambda i: (i, 0)),
            pl.BlockSpec((ROWS, 128), lambda i: (i, 0)),
            pl.BlockSpec((ROWS, 128), lambda i: (i, 0)),
        ],
        out_shape=[
            jax.ShapeDtypeStruct((NPAD, 1), F32),
            jax.ShapeDtypeStruct((NPAD, 128), F32),
            jax.ShapeDtypeStruct((NPAD, 128), F32),
        ],
    )(degp, degp, x_p)


def _tc_mid(agg1, u, dinv, W_a1, b_a1, W_x1, b_x1, W_a2, W_x2):
    def body(p0, p1, u_ref, dinv_ref, wa1, ba1, wx1, bx1, wa2, wx2,
             ua_ref, ux_ref):
        dv = dinv_ref[...]
        px = dv * (p0[...] + p1[...] + 2.0 * u_ref[...])
        a1 = jnp.maximum(
            jnp.dot(px, wa1[...], preferred_element_type=F32) + ba1[...], 0.0)
        x1 = jnp.maximum(
            jnp.dot(px, wx1[...], preferred_element_type=F32) + bx1[...], 0.0)
        ua_ref[...] = dv * jnp.dot(a1, wa2[...], preferred_element_type=F32)
        ux_ref[...] = dv * jnp.dot(x1, wx2[...], preferred_element_type=F32)

    full = lambda s: pl.BlockSpec(s, lambda i: tuple(0 for _ in s))
    return pl.pallas_call(
        body,
        grid=(_NBLK,),
        in_specs=[
            pl.BlockSpec((ROWS, 128), lambda i: (i, 0)),
            pl.BlockSpec((ROWS, 128), lambda i: (_NBLK + i, 0)),
            pl.BlockSpec((ROWS, 128), lambda i: (i, 0)),
            pl.BlockSpec((ROWS, 1), lambda i: (i, 0)),
            full((D0, D1)), full((1, D1)), full((D0, D1)), full((1, D1)),
            full((D1, D2)), full((D1, D2)),
        ],
        out_specs=[
            pl.BlockSpec((ROWS, 128), lambda i: (i, 0)),
            pl.BlockSpec((ROWS, 128), lambda i: (i, 0)),
        ],
        out_shape=[
            jax.ShapeDtypeStruct((NPAD, 128), F32),
            jax.ShapeDtypeStruct((NPAD, 128), F32),
        ],
    )(agg1, agg1, u, dinv, W_a1, b_a1.reshape(1, D1), W_x1,
      b_x1.reshape(1, D1), W_a2, W_x2)


def _tc_f1(agg2, ua, ux, dinv, b_a2, b_x2):
    def body(q0, q1, ua_ref, ux_ref, dinv_ref, ba2, bx2,
             a2_ref, x2_ref, cmax_ref):
        i = pl.program_id(0)
        dv = dinv_ref[...]
        a2 = dv * (q0[...] + 2.0 * ua_ref[...]) + ba2[...]
        x2 = jnp.maximum(dv * (q1[...] + 2.0 * ux_ref[...]) + bx2[...], 0.0)
        rid = i * ROWS + lax.broadcasted_iota(jnp.int32, (ROWS, 1), 0)
        a2 = jnp.where(rid < N, a2, -1e30)
        a2_ref[...] = a2
        x2_ref[...] = x2

        @pl.when(i == 0)
        def _():
            cmax_ref[...] = jnp.full((8, 128), -1e30, F32)

        bm = jnp.max(a2, axis=0, keepdims=True)
        cmax_ref[0:1, :] = jnp.maximum(cmax_ref[0:1, :], bm)

    full = lambda s: pl.BlockSpec(s, lambda i: tuple(0 for _ in s))
    return pl.pallas_call(
        body,
        grid=(_NBLK,),
        in_specs=[
            pl.BlockSpec((ROWS, 128), lambda i: (i, 0)),
            pl.BlockSpec((ROWS, 128), lambda i: (_NBLK + i, 0)),
            pl.BlockSpec((ROWS, 128), lambda i: (i, 0)),
            pl.BlockSpec((ROWS, 128), lambda i: (i, 0)),
            pl.BlockSpec((ROWS, 1), lambda i: (i, 0)),
            full((1, D2)), full((1, D2)),
        ],
        out_specs=[
            pl.BlockSpec((ROWS, 128), lambda i: (i, 0)),
            pl.BlockSpec((ROWS, 128), lambda i: (i, 0)),
            full((8, 128)),
        ],
        out_shape=[
            jax.ShapeDtypeStruct((NPAD, 128), F32),
            jax.ShapeDtypeStruct((NPAD, 128), F32),
            jax.ShapeDtypeStruct((8, 128), F32),
        ],
    )(agg2, agg2, ua, ux, dinv, b_a2.reshape(1, D2), b_x2.reshape(1, D2))


def _tc_f2(a2, x2, cmax, batch_p):

    def body(a2_ref, x2_ref, cmax_ref, bat_ref, ct_out, cg_out, rt_out,
             Ct, Cg, SgT):
        i = pl.program_id(0)

        @pl.when(i == 0)
        def _():
            Ct[...] = jnp.zeros((128, 128), F32)
            Cg[...] = jnp.zeros((G, 128, 128), F32)
            SgT[...] = jnp.zeros((128, G), F32)

        U = jnp.exp(a2_ref[...] - cmax_ref[0:1, :])
        x2b = x2_ref[...]
        Ct[...] = Ct[...] + lax.dot_general(
            U, x2b, (((0,), (0,)), ((), ())), preferred_element_type=F32)
        oh = (bat_ref[...] ==
              lax.broadcasted_iota(jnp.int32, (1, G), 1)).astype(F32)
        SgT[...] = SgT[...] + lax.dot_general(
            U, oh, (((0,), (0,)), ((), ())), preferred_element_type=F32)
        for g in range(G):
            Ug = U * oh[:, g:g + 1]
            Cg[g] = Cg[g] + lax.dot_general(
                Ug, x2b, (((0,), (0,)), ((), ())), preferred_element_type=F32)

        @pl.when(i == _NBLK - 1)
        def _():
            st = jnp.sum(SgT[...], axis=1, keepdims=True)
            rt_out[...] = 1.0 / (st - SgT[...])
            ct_out[...] = Ct[...]
            cg_out[...] = Cg[...]

    full = lambda s: pl.BlockSpec(s, lambda i: tuple(0 for _ in s))
    return pl.pallas_call(
        body,
        grid=(_NBLK,),
        in_specs=[
            pl.BlockSpec((ROWS, 128), lambda i: (i, 0)),
            pl.BlockSpec((ROWS, 128), lambda i: (i, 0)),
            full((8, 128)),
            pl.BlockSpec((ROWS, 1), lambda i: (i, 0)),
        ],
        out_specs=[full((128, 128)), full((G, 128, 128)), full((128, G))],
        out_shape=[
            jax.ShapeDtypeStruct((128, 128), F32),
            jax.ShapeDtypeStruct((G, 128, 128), F32),
            jax.ShapeDtypeStruct((128, G), F32),
        ],
        scratch_shapes=[
            pltpu.VMEM((128, 128), F32),
            pltpu.VMEM((G, 128, 128), F32),
            pltpu.VMEM((128, G), F32),
        ],
    )(a2, x2, cmax, batch_p)


_F3C = 8


def _tc_f3(Ct, Cg, RT, WL3, b_lin):

    def body(ct_ref, cg_ref, rt_ref, wl3, blin, out_ref, acc):
        i = pl.program_id(0)

        @pl.when(i == 0)
        def _():
            acc[...] = jnp.zeros((G, DOUT), F32)

        eye = (lax.broadcasted_iota(jnp.int32, (G, G), 0) ==
               lax.broadcasted_iota(jnp.int32, (G, G), 1)).astype(F32)
        for j in range(_F3C):
            ct_i = ct_ref[j:j + 1, :]
            cg_i = jnp.reshape(cg_ref[:, j, :], (G, 128))
            d_col = lax.dot_general(
                eye, rt_ref[j:j + 1, :], (((1,), (1,)), ((), ())),
                preferred_element_type=F32)
            h_i = (ct_i - cg_i) * d_col
            w_i = jnp.reshape(wl3[j, :, :], (128, DOUT))
            acc[...] = acc[...] + jnp.dot(h_i, w_i,
                                          preferred_element_type=F32)

        @pl.when(i == (128 // _F3C) - 1)
        def _():
            o = acc[...] + blin[...]
            m = jnp.max(o, axis=1, keepdims=True)
            e = jnp.exp(o - m)
            out_ref[...] = e / jnp.sum(e, axis=1, keepdims=True)

    full = lambda s: pl.BlockSpec(s, lambda i: tuple(0 for _ in s))
    return pl.pallas_call(
        body,
        grid=(128 // _F3C,),
        in_specs=[
            pl.BlockSpec((_F3C, 128), lambda i: (i, 0)),
            pl.BlockSpec((G, _F3C, 128), lambda i: (0, i, 0)),
            pl.BlockSpec((_F3C, G), lambda i: (i, 0)),
            pl.BlockSpec((_F3C, 128, DOUT), lambda i: (i, 0, 0)),
            full((1, DOUT)),
        ],
        out_specs=full((G, DOUT)),
        out_shape=jax.ShapeDtypeStruct((G, DOUT), F32),
        scratch_shapes=[pltpu.VMEM((G, DOUT), F32)],
    )(Ct, Cg, RT, WL3, b_lin.reshape(1, DOUT))



def kernel(x, edge_index, batch, num_graphs, W_a1, b_a1, W_a2, b_a2,
           W_x1, b_x1, W_x2, b_x2, W_lin, b_lin):
    del num_graphs
    src = edge_index[0].astype(jnp.int32)
    dst = edge_index[1].astype(jnp.int32)
    pad_e = EPAD - E
    src_p = jnp.concatenate(
        [src, jnp.zeros((pad_e,), jnp.int32)]).reshape(EPAD // K, K)
    dst_p = jnp.concatenate(
        [dst, jnp.full((pad_e,), N, jnp.int32)]).reshape(EPAD // K, K)
    x_p = jnp.pad(x, ((0, NPAD - N), (0, 0)))
    batch_p = jnp.pad(batch.astype(jnp.int32), (0, NPAD - N),
                      constant_values=G).reshape(NPAD, 1)
    z128 = jnp.zeros((ROWS, 128), F32)
    ones128 = jnp.ones((K, 128), F32)

    degp = _sc_deg(dst_p, z128, ones128)
    dinv, u, u2 = _tc_prep(degp, x_p)
    agg1 = _sc_agg(u, u2, src_p, dst_p, z128, split_edges=True)
    ua, ux = _tc_mid(agg1, u, dinv, W_a1, b_a1, W_x1, b_x1, W_a2, W_x2)
    agg2 = _sc_agg(ua, ux, src_p, dst_p, z128, split_edges=False)
    a2, x2, cmax = _tc_f1(agg2, ua, ux, dinv, b_a2, b_x2)
    Ct, Cg, RT = _tc_f2(a2, x2, cmax, batch_p)
    out = _tc_f3(Ct, Cg, RT, W_lin.reshape(128, 128, DOUT), b_lin)
    return out

# --- scband reference (transcript-rebuilt; emitter-appended) ---
"""Pipeline reference for scband-pi-net-90134183673912 (READ-ONLY COPY).

The authoritative reference and input builder live on the scoring server;
editing this copy changes nothing except your own understanding.
"""

import jax, jax.numpy as jnp
import numpy as np

N = 10000
E = 320000
D0, D1, D2, DOUT = 128, 256, 128, 10
G = 16


def add_self_loops(ei, n):
    loop = jnp.arange(n, dtype=ei.dtype)
    return jnp.concatenate([ei, jnp.stack([loop, loop])], axis=1)


def gcn_conv(x, ei, W, b):
    # Faithful GCNConv: internally adds self-loops (in addition to the ones the
    # outer forward already added), symmetric deg^-1/2 normalization, scatter-add.
    n = x.shape[0]
    ei2 = add_self_loops(ei, n)
    src, dst = ei2[0], ei2[1]
    xw = x @ W
    deg = jnp.zeros((n,), xw.dtype).at[dst].add(1.0)
    dinv = jnp.where(deg > 0, jax.lax.rsqrt(jnp.maximum(deg, 1e-12)), 0.0)
    norm = dinv[src] * dinv[dst]
    out = jnp.zeros_like(xw).at[dst].add(norm[:, None] * xw[src])
    return out + b


def setup_inputs(seed: int = 0) -> dict:
    key = jax.random.key(seed)
    ks = jax.random.split(key, 14)
    x = jax.random.normal(ks[0], (N, D0), dtype=jnp.float32)
    edge_index = jax.random.randint(ks[1], (2, E), 0, N, dtype=jnp.int32)
    batch = jnp.sort(jax.random.randint(ks[2], (N,), 0, G, dtype=jnp.int32))
    s = 0.05
    W_a1 = jax.random.normal(ks[3], (D0, D1), dtype=jnp.float32) * s
    b_a1 = jnp.zeros((D1,), dtype=jnp.float32)
    W_a2 = jax.random.normal(ks[4], (D1, D2), dtype=jnp.float32) * s
    b_a2 = jnp.zeros((D2,), dtype=jnp.float32)
    W_x1 = jax.random.normal(ks[5], (D0, D1), dtype=jnp.float32) * s
    b_x1 = jnp.zeros((D1,), dtype=jnp.float32)
    W_x2 = jax.random.normal(ks[6], (D1, D2), dtype=jnp.float32) * s
    b_x2 = jnp.zeros((D2,), dtype=jnp.float32)
    W_lin = jax.random.normal(ks[7], (D2 * D2, DOUT), dtype=jnp.float32) * 0.01
    b_lin = jnp.zeros((DOUT,), dtype=jnp.float32)
    return {
        "x": x, "edge_index": edge_index, "batch": batch, "num_graphs": G,
        "W_a1": W_a1, "b_a1": b_a1, "W_a2": W_a2, "b_a2": b_a2,
        "W_x1": W_x1, "b_x1": b_x1, "W_x2": W_x2, "b_x2": b_x2,
        "W_lin": W_lin, "b_lin": b_lin,
    }


def reference(x, edge_index, batch, num_graphs, W_a1, b_a1, W_a2, b_a2,
              W_x1, b_x1, W_x2, b_x2, W_lin, b_lin):
    ei = add_self_loops(edge_index, x.shape[0])  # forward-level add_self_loops
    a_1 = jax.nn.relu(gcn_conv(x, ei, W_a1, b_a1))
    a_2 = gcn_conv(a_1, ei, W_a2, b_a2)
    x_1 = jax.nn.relu(gcn_conv(x, ei, W_x1, b_x1))
    x_2 = jax.nn.relu(gcn_conv(x_1, ei, W_x2, b_x2))
    num_graphs = jnp.asarray(num_graphs, batch.dtype)
    outs = []
    for g in range(G):
        # x_2[~(batch==g)] / a_2[~(batch==g)] with softmax over remaining nodes:
        # math-equivalent to masking graph-g columns to -1e30 before softmax
        # (those columns get weight 0, so their x rows contribute nothing).
        gg = g + 0 * num_graphs
        neg = jnp.where(batch == gg, -1e30, 0.0).astype(x.dtype)
        a = jax.nn.softmax(a_2.T + neg[None, :], axis=-1)
        h = a @ x_2
        o = h.reshape(1, -1) @ W_lin + b_lin
        outs.append(o)
    batch_out = jnp.concatenate(outs, axis=0)
    return jax.nn.softmax(batch_out, axis=-1)

if __name__ == "__main__":
    import jax
    _d = setup_inputs()
    print(jax.jit(kernel)(*tuple(_d.values())))

</pallas_src>

<mosaic_0001>
#map = affine_map<(d0, d1) -> (0, 0)>
module attributes {stable_mosaic.version = 14 : i64} {
  func.func @k(%arg0: i32, %arg1: i32, %arg2: memref<10240x128xf32, #tpu.memory_space<hbm>>, %arg3: memref<10240x128xf32, #tpu.memory_space<hbm>>, %arg4: memref<2560x128xi32, #tpu.memory_space<hbm>>, %arg5: memref<2560x128xi32, #tpu.memory_space<hbm>>, %arg6: memref<640x128xf32, #tpu.memory_space<hbm>>, %arg7: memref<20480x128xf32, #tpu.memory_space<hbm>>, %arg8: memref<16x128xi32, #tpu.memory_space<vmem>>, %arg9: memref<16x128xi32, #tpu.memory_space<vmem>>, %arg10: memref<128x128xf32, #tpu.memory_space<vmem>>, %arg11: memref<128x128xf32, #tpu.memory_space<vmem>>, %arg12: memref<10240x128xf32, #tpu.memory_space<vmem_shared>>, %arg13: memref<!tpu.dma_semaphore, #tpu.memory_space<semaphore_mem>>, %arg14: memref<!tpu.dma_semaphore, #tpu.memory_space<semaphore_mem>>, %arg15: memref<!tpu.dma_semaphore, #tpu.memory_space<semaphore_mem>>, %arg16: memref<!tpu.dma_semaphore, #tpu.memory_space<semaphore_mem>>) attributes {dimension_semantics = [#tpu.dimension_semantics<core_parallel>, #tpu.dimension_semantics<subcore_parallel>], iteration_bounds = array<i64: 2, 16>, scalar_prefetch = 0 : i64, scratch_operands = 9 : i64, tpu.core_type = #tpu.core_type<sc_vector_subcore>, window_params = [{transform_indices = #map}, {transform_indices = #map}, {transform_indices = #map}, {transform_indices = #map}, {transform_indices = #map}, {transform_indices = #map}]} {
    %mul3A = arith.constant 640 : i32
    %mul3A_0 = arith.muli %arg1, %mul3A : i32
    "tpu.region"() ({
      %run_scoped3A = tpu.sem_alloc : memref<!tpu.dma_semaphore, #tpu.memory_space<semaphore_mem>>
      %dma_start3A = arith.constant 0 : i32
      %dma_start3A_14 = tpu.memref_slice %arg12[%mul3A_0, %dma_start3A] : memref<10240x128xf32, #tpu.memory_space<vmem_shared>> -> memref<640x128xf32, #tpu.memory_space<vmem_shared>>
      tpu.enqueue_dma source(%arg6 : memref<640x128xf32, #tpu.memory_space<hbm>>) target(%dma_start3A_14 : memref<640x128xf32, #tpu.memory_space<vmem_shared>>) target_semaphore(%run_scoped3A : memref<!tpu.dma_semaphore, #tpu.memory_space<semaphore_mem>>)
      %dma_wait3A = arith.constant 0 : i32
      %dma_wait3A_15 = tpu.memref_slice %arg12[%mul3A_0, %dma_wait3A] : memref<10240x128xf32, #tpu.memory_space<vmem_shared>> -> memref<640x128xf32, #tpu.memory_space<vmem_shared>>
      tpu.wait_dma2 semaphore(%run_scoped3A : memref<!tpu.dma_semaphore, #tpu.memory_space<semaphore_mem>>) src(%arg6 : memref<640x128xf32, #tpu.memory_space<hbm>>) dst(%dma_wait3A_15 : memref<640x128xf32, #tpu.memory_space<vmem_shared>>)
      tpu.yield
    }) : () -> ()
    %mul3A_1 = arith.constant 16 : i32
    %mul3A_2 = arith.muli %arg0, %mul3A_1 : i32
    %add3A = arith.addi %mul3A_2, %arg1 : i32
    %mul3A_3 = arith.constant 80 : i32
    %mul3A_4 = arith.muli %add3A, %mul3A_3 : i32
    %barrier3A = arith.constant 0 : index
    tpu.barrier barrier_id(%barrier3A)
    %scan3A = arith.constant 0 : i32
    %scan3A_5 = arith.constant 0 : i32
    %scan3A_6 = arith.constant 5 : i32
    %scan3A_7 = arith.addi %scan3A_5, %scan3A_6 : i32
    %scan3A_8 = arith.constant 1 : i32
    scf.for %scan3A_14 = %scan3A_5 to %scan3A_7 step %scan3A_8  : i32 {
      %mul3A_15 = arith.constant 16 : i32
      %mul3A_16 = arith.muli %scan3A_14, %mul3A_15 : i32
      %add3A_17 = arith.addi %mul3A_4, %mul3A_16 : i32
      "tpu.region"() ({
        %run_scoped3A = tpu.sem_alloc : memref<!tpu.dma_semaphore, #tpu.memory_space<semaphore_mem>>
        %dma_start3A = arith.constant 0 : i32
        %dma_start3A_45 = tpu.memref_slice %arg4[%add3A_17, %dma_start3A] : memref<2560x128xi32, #tpu.memory_space<hbm>> -> memref<16x128xi32, #tpu.memory_space<hbm>>
        %dma_start3A_46 = arith.constant 0 : i32
        %dma_start3A_47 = tpu.memref_slice %arg4[%add3A_17, %dma_start3A_46] : memref<2560x128xi32, #tpu.memory_space<hbm>> -> memref<16x128xi32, #tpu.memory_space<hbm>>
        tpu.enqueue_dma source(%dma_start3A_47 : memref<16x128xi32, #tpu.memory_space<hbm>>) target(%arg8 : memref<16x128xi32, #tpu.memory_space<vmem>>) target_semaphore(%run_scoped3A : memref<!tpu.dma_semaphore, #tpu.memory_space<semaphore_mem>>)
        %dma_wait3A_48 = arith.constant 0 : i32
        %dma_wait3A_49 = tpu.memref_slice %arg4[%add3A_17, %dma_wait3A_48] : memref<2560x128xi32, #tpu.memory_space<hbm>> -> memref<16x128xi32, #tpu.memory_space<hbm>>
        %dma_wait3A_50 = arith.constant 0 : i32
        %dma_wait3A_51 = tpu.memref_slice %arg4[%add3A_17, %dma_wait3A_50] : memref<2560x128xi32, #tpu.memory_space<hbm>> -> memref<16x128xi32, #tpu.memory_space<hbm>>
        tpu.wait_dma2 semaphore(%run_scoped3A : memref<!tpu.dma_semaphore, #tpu.memory_space<semaphore_mem>>) src(%dma_wait3A_51 : memref<16x128xi32, #tpu.memory_space<hbm>>) dst(%arg8 : memref<16x128xi32, #tpu.memory_space<vmem>>)
        tpu.yield
      }) : () -> ()
      %mul3A_18 = arith.constant 16 : i32
      %mul3A_19 = arith.muli %scan3A_14, %mul3A_18 : i32
      %add3A_20 = arith.addi %mul3A_4, %mul3A_19 : i32
      "tpu.region"() ({
        %run_scoped3A = tpu.sem_alloc : memref<!tpu.dma_semaphore, #tpu.memory_space<semaphore_mem>>
        %dma_start3A = arith.constant 0 : i32
        %dma_start3A_45 = tpu.memref_slice %arg5[%add3A_20, %dma_start3A] : memref<2560x128xi32, #tpu.memory_space<hbm>> -> memref<16x128xi32, #tpu.memory_space<hbm>>
        %dma_start3A_46 = arith.constant 0 : i32
        %dma_start3A_47 = tpu.memref_slice %arg5[%add3A_20, %dma_start3A_46] : memref<2560x128xi32, #tpu.memory_space<hbm>> -> memref<16x128xi32, #tpu.memory_space<hbm>>
        tpu.enqueue_dma source(%dma_start3A_47 : memref<16x128xi32, #tpu.memory_space<hbm>>) target(%arg9 : memref<16x128xi32, #tpu.memory_space<vmem>>) target_semaphore(%run_scoped3A : memref<!tpu.dma_semaphore, #tpu.memory_space<semaphore_mem>>)
        %dma_wait3A_48 = arith.constant 0 : i32
        %dma_wait3A_49 = tpu.memref_slice %arg5[%add3A_20, %dma_wait3A_48] : memref<2560x128xi32, #tpu.memory_space<hbm>> -> memref<16x128xi32, #tpu.memory_space<hbm>>
        %dma_wait3A_50 = arith.constant 0 : i32
        %dma_wait3A_51 = tpu.memref_slice %arg5[%add3A_20, %dma_wait3A_50] : memref<2560x128xi32, #tpu.memory_space<hbm>> -> memref<16x128xi32, #tpu.memory_space<hbm>>
        tpu.wait_dma2 semaphore(%run_scoped3A : memref<!tpu.dma_semaphore, #tpu.memory_space<semaphore_mem>>) src(%dma_wait3A_51 : memref<16x128xi32, #tpu.memory_space<hbm>>) dst(%arg9 : memref<16x128xi32, #tpu.memory_space<vmem>>)
        tpu.yield
      }) : () -> ()
      %eq3A = arith.constant 0 : i32
      %eq3A_21 = arith.cmpi eq, %arg0, %eq3A : i32
      %convert_element_type3A = arith.extui %eq3A_21 : i1 to i32
      %cond3A = arith.constant 0 : i32
      %cond3A_22 = arith.cmpi ne, %convert_element_type3A, %cond3A : i32
      scf.if %cond3A_22 {
        %dma_start3A = arith.constant 0 : i32
        %dma_start3A_45 = arith.constant 0 : i32
        %dma_start3A_46 = tpu.memref_slice %arg8[%dma_start3A, %dma_start3A_45] : memref<16x128xi32, #tpu.memory_space<vmem>> -> memref<1x128xi32, #tpu.memory_space<vmem>>
        %dma_start3A_47 = tpu.memref_squeeze %dma_start3A_46 : memref<1x128xi32, #tpu.memory_space<vmem>> -> memref<128xi32, #tpu.memory_space<vmem>>
        %dma_start3A_48 = arith.constant 0 : i32
        %dma_start3A_49 = arith.constant 0 : i32
        %dma_start3A_50 = tpu.memref_slice %arg2[%dma_start3A_48, %dma_start3A_49] : memref<10240x128xf32, #tpu.memory_space<hbm>> -> memref<10240x128xf32, #tpu.memory_space<hbm>>
        tpu.enqueue_indirect_dma source(%dma_start3A_50 : memref<10240x128xf32, #tpu.memory_space<hbm>>) target(%arg10 : memref<128x128xf32, #tpu.memory_space<vmem>>) offsets(%dma_start3A_47 : memref<128xi32, #tpu.memory_space<vmem>>) semaphore(%arg13 : memref<!tpu.dma_semaphore, #tpu.memory_space<semaphore_mem>>)
      } else {
      }
      %eq3A_23 = arith.constant 1 : i32
      %eq3A_24 = arith.cmpi eq, %arg0, %eq3A_23 : i32
      %convert_element_type3A_25 = arith.extui %eq3A_24 : i1 to i32
      %cond3A_26 = arith.constant 0 : i32
      %cond3A_27 = arith.cmpi ne, %convert_element_type3A_25, %cond3A_26 : i32
      scf.if %cond3A_27 {
        %dma_start3A = arith.constant 0 : i32
        %dma_start3A_45 = arith.constant 0 : i32
        %dma_start3A_46 = tpu.memref_slice %arg8[%dma_start3A, %dma_start3A_45] : memref<16x128xi32, #tpu.memory_space<vmem>> -> memref<1x128xi32, #tpu.memory_space<vmem>>
        %dma_start3A_47 = tpu.memref_squeeze %dma_start3A_46 : memref<1x128xi32, #tpu.memory_space<vmem>> -> memref<128xi32, #tpu.memory_space<vmem>>
        %dma_start3A_48 = arith.constant 0 : i32
        %dma_start3A_49 = arith.constant 0 : i32
        %dma_start3A_50 = tpu.memref_slice %arg3[%dma_start3A_48, %dma_start3A_49] : memref<10240x128xf32, #tpu.memory_space<hbm>> -> memref<10240x128xf32, #tpu.memory_space<hbm>>
        tpu.enqueue_indirect_dma source(%dma_start3A_50 : memref<10240x128xf32, #tpu.memory_space<hbm>>) target(%arg10 : memref<128x128xf32, #tpu.memory_space<vmem>>) offsets(%dma_start3A_47 : memref<128xi32, #tpu.memory_space<vmem>>) semaphore(%arg13 : memref<!tpu.dma_semaphore, #tpu.memory_space<semaphore_mem>>)
      } else {
      }
      %scan3A_28 = arith.constant 0 : i32
      %scan3A_29 = arith.constant 0 : i32
      %scan3A_30 = arith.constant 8 : i32
      %scan3A_31 = arith.addi %scan3A_29, %scan3A_30 : i32
      %scan3A_32 = arith.constant 1 : i32
      scf.for %scan3A_45 = %scan3A_29 to %scan3A_31 step %scan3A_32  : i32 {
        %mul3A_46 = arith.constant 2 : i32
        %mul3A_47 = arith.muli %mul3A_46, %scan3A_45 : i32
        %gt3A = arith.constant 0 : i32
        %gt3A_48 = arith.cmpi sgt, %scan3A_45, %gt3A : i32
        %convert_element_type3A_49 = arith.extui %gt3A_48 : i1 to i32
        %cond3A_50 = arith.constant 0 : i32
        %cond3A_51 = arith.cmpi ne, %convert_element_type3A_49, %cond3A_50 : i32
        scf.if %cond3A_51 {
          %dma_wait3A_95 = arith.constant 0 : i32
          %dma_wait3A_96 = arith.constant 0 : i32
          %dma_wait3A_97 = tpu.memref_slice %arg12[%dma_wait3A_95, %dma_wait3A_96] : memref<10240x128xf32, #tpu.memory_space<vmem_shared>> -> memref<128x128xf32, #tpu.memory_space<vmem_shared>>
          %dma_wait3A_98 = arith.constant 0 : i32
          %dma_wait3A_99 = arith.constant 0 : i32
          %dma_wait3A_100 = tpu.memref_slice %arg12[%dma_wait3A_98, %dma_wait3A_99] : memref<10240x128xf32, #tpu.memory_space<vmem_shared>> -> memref<128x128xf32, #tpu.memory_space<vmem_shared>>
          tpu.wait_dma2 semaphore(%arg16 : memref<!tpu.dma_semaphore, #tpu.memory_space<semaphore_mem>>) src(%arg11 : memref<128x128xf32, #tpu.memory_space<vmem>>) dst(%dma_wait3A_100 : memref<128x128xf32, #tpu.memory_space<vmem_shared>>)
        } else {
        }
        %add3A_52 = arith.constant 1 : i32
        %add3A_53 = arith.addi %mul3A_47, %add3A_52 : i32
        %eq3A_54 = arith.constant 0 : i32
        %eq3A_55 = arith.cmpi eq, %arg0, %eq3A_54 : i32
        %convert_element_type3A_56 = arith.extui %eq3A_55 : i1 to i32
        %cond3A_57 = arith.constant 0 : i32
        %cond3A_58 = arith.cmpi ne, %convert_element_type3A_56, %cond3A_57 : i32
        scf.if %cond3A_58 {
          %dma_start3A_95 = arith.constant 0 : i32
          %dma_start3A_96 = tpu.memref_slice %arg8[%add3A_53, %dma_start3A_95] : memref<16x128xi32, #tpu.memory_space<vmem>> -> memref<1x128xi32, #tpu.memory_space<vmem>>
          %dma_start3A_97 = tpu.memref_squeeze %dma_start3A_96 : memref<1x128xi32, #tpu.memory_space<vmem>> -> memref<128xi32, #tpu.memory_space<vmem>>
          %dma_start3A_98 = arith.constant 0 : i32
          %dma_start3A_99 = arith.constant 0 : i32
          %dma_start3A_100 = tpu.memref_slice %arg2[%dma_start3A_98, %dma_start3A_99] : memref<10240x128xf32, #tpu.memory_space<hbm>> -> memref<10240x128xf32, #tpu.memory_space<hbm>>
          tpu.enqueue_indirect_dma source(%dma_start3A_100 : memref<10240x128xf32, #tpu.memory_space<hbm>>) target(%arg11 : memref<128x128xf32, #tpu.memory_space<vmem>>) offsets(%dma_start3A_97 : memref<128xi32, #tpu.memory_space<vmem>>) semaphore(%arg14 : memref<!tpu.dma_semaphore, #tpu.memory_space<semaphore_mem>>)
        } else {
        }
        %eq3A_59 = arith.constant 1 : i32
        %eq3A_60 = arith.cmpi eq, %arg0, %eq3A_59 : i32
        %convert_element_type3A_61 = arith.extui %eq3A_60 : i1 to i32
        %cond3A_62 = arith.constant 0 : i32
        %cond3A_63 = arith.cmpi ne, %convert_element_type3A_61, %cond3A_62 : i32
        scf.if %cond3A_63 {
          %dma_start3A_95 = arith.constant 0 : i32
          %dma_start3A_96 = tpu.memref_slice %arg8[%add3A_53, %dma_start3A_95] : memref<16x128xi32, #tpu.memory_space<vmem>> -> memref<1x128xi32, #tpu.memory_space<vmem>>
          %dma_start3A_97 = tpu.memref_squeeze %dma_start3A_96 : memref<1x128xi32, #tpu.memory_space<vmem>> -> memref<128xi32, #tpu.memory_space<vmem>>
          %dma_start3A_98 = arith.constant 0 : i32
          %dma_start3A_99 = arith.constant 0 : i32
          %dma_start3A_100 = tpu.memref_slice %arg3[%dma_start3A_98, %dma_start3A_99] : memref<10240x128xf32, #tpu.memory_space<hbm>> -> memref<10240x128xf32, #tpu.memory_space<hbm>>
          tpu.enqueue_indirect_dma source(%dma_start3A_100 : memref<10240x128xf32, #tpu.memory_space<hbm>>) target(%arg11 : memref<128x128xf32, #tpu.memory_space<vmem>>) offsets(%dma_start3A_97 : memref<128xi32, #tpu.memory_space<vmem>>) semaphore(%arg14 : memref<!tpu.dma_semaphore, #tpu.memory_space<semaphore_mem>>)
        } else {
        }
        %dma_wait3A_64 = arith.constant 0 : i32
        %dma_wait3A_65 = arith.constant 0 : i32
        %dma_wait3A_66 = tpu.memref_slice %arg2[%dma_wait3A_64, %dma_wait3A_65] : memref<10240x128xf32, #tpu.memory_space<hbm>> -> memref<128x128xf32, #tpu.memory_space<hbm>>
        %dma_wait3A_67 = arith.constant 0 : i32
        %dma_wait3A_68 = arith.constant 0 : i32
        %dma_wait3A_69 = tpu.memref_slice %arg2[%dma_wait3A_67, %dma_wait3A_68] : memref<10240x128xf32, #tpu.memory_space<hbm>> -> memref<128x128xf32, #tpu.memory_space<hbm>>
        tpu.wait_dma2 semaphore(%arg13 : memref<!tpu.dma_semaphore, #tpu.memory_space<semaphore_mem>>) src(%dma_wait3A_69 : memref<128x128xf32, #tpu.memory_space<hbm>>) dst(%arg10 : memref<128x128xf32, #tpu.memory_space<vmem>>)
        %dma_start3A = arith.constant 0 : i32
        %dma_start3A_70 = tpu.memref_slice %arg9[%mul3A_47, %dma_start3A] : memref<16x128xi32, #tpu.memory_space<vmem>> -> memref<1x128xi32, #tpu.memory_space<vmem>>
        %dma_start3A_71 = tpu.memref_squeeze %dma_start3A_70 : memref<1x128xi32, #tpu.memory_space<vmem>> -> memref<128xi32, #tpu.memory_space<vmem>>
        %dma_start3A_72 = arith.constant 0 : i32
        %dma_start3A_73 = arith.constant 0 : i32
        %dma_start3A_74 = tpu.memref_slice %arg12[%dma_start3A_72, %dma_start3A_73] : memref<10240x128xf32, #tpu.memory_space<vmem_shared>> -> memref<10240x128xf32, #tpu.memory_space<vmem_shared>>
        tpu.enqueue_indirect_dma source(%arg10 : memref<128x128xf32, #tpu.memory_space<vmem>>) target(%dma_start3A_74 : memref<10240x128xf32, #tpu.memory_space<vmem_shared>>) offsets(%dma_start3A_71 : memref<128xi32, #tpu.memory_space<vmem>>) semaphore(%arg15 : memref<!tpu.dma_semaphore, #tpu.memory_space<semaphore_mem>>) {add = true}
        %add3A_75 = arith.constant 1 : i32
        %add3A_76 = arith.addi %scan3A_45, %add3A_75 : i32
        %lt3A = arith.constant 8 : i32
        %lt3A_77 = arith.cmpi slt, %add3A_76, %lt3A : i32
        %convert_element_type3A_78 = arith.extui %lt3A_77 : i1 to i32
        %cond3A_79 = arith.constant 0 : i32
        %cond3A_80 = arith.cmpi ne, %convert_element_type3A_78, %cond3A_79 : i32
        scf.if %cond3A_80 {
          %dma_wait3A_95 = arith.constant 0 : i32
          %dma_wait3A_96 = arith.constant 0 : i32
          %dma_wait3A_97 = tpu.memref_slice %arg12[%dma_wait3A_95, %dma_wait3A_96] : memref<10240x128xf32, #tpu.memory_space<vmem_shared>> -> memref<128x128xf32, #tpu.memory_space<vmem_shared>>
          %dma_wait3A_98 = arith.constant 0 : i32
          %dma_wait3A_99 = arith.constant 0 : i32
          %dma_wait3A_100 = tpu.memref_slice %arg12[%dma_wait3A_98, %dma_wait3A_99] : memref<10240x128xf32, #tpu.memory_space<vmem_shared>> -> memref<128x128xf32, #tpu.memory_space<vmem_shared>>
          tpu.wait_dma2 semaphore(%arg15 : memref<!tpu.dma_semaphore, #tpu.memory_space<semaphore_mem>>) src(%arg10 : memref<128x128xf32, #tpu.memory_space<vmem>>) dst(%dma_wait3A_100 : memref<128x128xf32, #tpu.memory_space<vmem_shared>>)
          %add3A_101 = arith.constant 2 : i32
          %add3A_102 = arith.addi %mul3A_47, %add3A_101 : i32
          %eq3A_103 = arith.constant 0 : i32
          %eq3A_104 = arith.cmpi eq, %arg0, %eq3A_103 : i32
          %convert_element_type3A_105 = arith.extui %eq3A_104 : i1 to i32
          %cond3A_106 = arith.constant 0 : i32
          %cond3A_107 = arith.cmpi ne, %convert_element_type3A_105, %cond3A_106 : i32
          scf.if %cond3A_107 {
            %dma_start3A_113 = arith.constant 0 : i32
            %dma_start3A_114 = tpu.memref_slice %arg8[%add3A_102, %dma_start3A_113] : memref<16x128xi32, #tpu.memory_space<vmem>> -> memref<1x128xi32, #tpu.memory_space<vmem>>
            %dma_start3A_115 = tpu.memref_squeeze %dma_start3A_114 : memref<1x128xi32, #tpu.memory_space<vmem>> -> memref<128xi32, #tpu.memory_space<vmem>>
            %dma_start3A_116 = arith.constant 0 : i32
            %dma_start3A_117 = arith.constant 0 : i32
            %dma_start3A_118 = tpu.memref_slice %arg2[%dma_start3A_116, %dma_start3A_117] : memref<10240x128xf32, #tpu.memory_space<hbm>> -> memref<10240x128xf32, #tpu.memory_space<hbm>>
            tpu.enqueue_indirect_dma source(%dma_start3A_118 : memref<10240x128xf32, #tpu.memory_space<hbm>>) target(%arg10 : memref<128x128xf32, #tpu.memory_space<vmem>>) offsets(%dma_start3A_115 : memref<128xi32, #tpu.memory_space<vmem>>) semaphore(%arg13 : memref<!tpu.dma_semaphore, #tpu.memory_space<semaphore_mem>>)
          } else {
          }
          %eq3A_108 = arith.constant 1 : i32
          %eq3A_109 = arith.cmpi eq, %arg0, %eq3A_108 : i32
          %convert_element_type3A_110 = arith.extui %eq3A_109 : i1 to i32
          %cond3A_111 = arith.constant 0 : i32
          %cond3A_112 = arith.cmpi ne, %convert_element_type3A_110, %cond3A_111 : i32
          scf.if %cond3A_112 {
            %dma_start3A_113 = arith.constant 0 : i32
            %dma_start3A_114 = tpu.memref_slice %arg8[%add3A_102, %dma_start3A_113] : memref<16x128xi32, #tpu.memory_space<vmem>> -> memref<1x128xi32, #tpu.memory_space<vmem>>
            %dma_start3A_115 = tpu.memref_squeeze %dma_start3A_114 : memref<1x128xi32, #tpu.memory_space<vmem>> -> memref<128xi32, #tpu.memory_space<vmem>>
            %dma_start3A_116 = arith.constant 0 : i32
            %dma_start3A_117 = arith.constant 0 : i32
            %dma_start3A_118 = tpu.memref_slice %arg3[%dma_start3A_116, %dma_start3A_117] : memref<10240x128xf32, #tpu.memory_space<hbm>> -> memref<10240x128xf32, #tpu.memory_space<hbm>>
            tpu.enqueue_indirect_dma source(%dma_start3A_118 : memref<10240x128xf32, #tpu.memory_space<hbm>>) target(%arg10 : memref<128x128xf32, #tpu.memory_space<vmem>>) offsets(%dma_start3A_115 : memref<128xi32, #tpu.memory_space<vmem>>) semaphore(%arg13 : memref<!tpu.dma_semaphore, #tpu.memory_space<semaphore_mem>>)
          } else {
          }
        } else {
        }
        %dma_wait3A_81 = arith.constant 0 : i32
        %dma_wait3A_82 = arith.constant 0 : i32
        %dma_wait3A_83 = tpu.memref_slice %arg2[%dma_wait3A_81, %dma_wait3A_82] : memref<10240x128xf32, #tpu.memory_space<hbm>> -> memref<128x128xf32, #tpu.memory_space<hbm>>
        %dma_wait3A_84 = arith.constant 0 : i32
        %dma_wait3A_85 = arith.constant 0 : i32
        %dma_wait3A_86 = tpu.memref_slice %arg2[%dma_wait3A_84, %dma_wait3A_85] : memref<10240x128xf32, #tpu.memory_space<hbm>> -> memref<128x128xf32, #tpu.memory_space<hbm>>
        tpu.wait_dma2 semaphore(%arg14 : memref<!tpu.dma_semaphore, #tpu.memory_space<semaphore_mem>>) src(%dma_wait3A_86 : memref<128x128xf32, #tpu.memory_space<hbm>>) dst(%arg11 : memref<128x128xf32, #tpu.memory_space<vmem>>)
        %add3A_87 = arith.constant 1 : i32
        %add3A_88 = arith.addi %mul3A_47, %add3A_87 : i32
        %dma_start3A_89 = arith.constant 0 : i32
        %dma_start3A_90 = tpu.memref_slice %arg9[%add3A_88, %dma_start3A_89] : memref<16x128xi32, #tpu.memory_space<vmem>> -> memref<1x128xi32, #tpu.memory_space<vmem>>
        %dma_start3A_91 = tpu.memref_squeeze %dma_start3A_90 : memref<1x128xi32, #tpu.memory_space<vmem>> -> memref<128xi32, #tpu.memory_space<vmem>>
        %dma_start3A_92 = arith.constant 0 : i32
        %dma_start3A_93 = arith.constant 0 : i32
        %dma_start3A_94 = tpu.memref_slice %arg12[%dma_start3A_92, %dma_start3A_93] : memref<10240x128xf32, #tpu.memory_space<vmem_shared>> -> memref<10240x128xf32, #tpu.memory_space<vmem_shared>>
        tpu.enqueue_indirect_dma source(%arg11 : memref<128x128xf32, #tpu.memory_space<vmem>>) target(%dma_start3A_94 : memref<10240x128xf32, #tpu.memory_space<vmem_shared>>) offsets(%dma_start3A_91 : memref<128xi32, #tpu.memory_space<vmem>>) semaphore(%arg16 : memref<!tpu.dma_semaphore, #tpu.memory_space<semaphore_mem>>) {add = true}
      }
      %scan3A_33 = arith.constant 8 : i32
      %dma_wait3A = arith.constant 0 : i32
      %dma_wait3A_34 = arith.constant 0 : i32
      %dma_wait3A_35 = tpu.memref_slice %arg12[%dma_wait3A, %dma_wait3A_34] : memref<10240x128xf32, #tpu.memory_space<vmem_shared>> -> memref<128x128xf32, #tpu.memory_space<vmem_shared>>
      %dma_wait3A_36 = arith.constant 0 : i32
      %dma_wait3A_37 = arith.constant 0 : i32
      %dma_wait3A_38 = tpu.memref_slice %arg12[%dma_wait3A_36, %dma_wait3A_37] : memref<10240x128xf32, #tpu.memory_space<vmem_shared>> -> memref<128x128xf32, #tpu.memory_space<vmem_shared>>
      tpu.wait_dma2 semaphore(%arg15 : memref<!tpu.dma_semaphore, #tpu.memory_space<semaphore_mem>>) src(%arg10 : memref<128x128xf32, #tpu.memory_space<vmem>>) dst(%dma_wait3A_38 : memref<128x128xf32, #tpu.memory_space<vmem_shared>>)
      %dma_wait3A_39 = arith.constant 0 : i32
      %dma_wait3A_40 = arith.constant 0 : i32
      %dma_wait3A_41 = tpu.memref_slice %arg12[%dma_wait3A_39, %dma_wait3A_40] : memref<10240x128xf32, #tpu.memory_space<vmem_shared>> -> memref<128x128xf32, #tpu.memory_space<vmem_shared>>
      %dma_wait3A_42 = arith.constant 0 : i32
      %dma_wait3A_43 = arith.constant 0 : i32
      %dma_wait3A_44 = tpu.memref_slice %arg12[%dma_wait3A_42, %dma_wait3A_43] : memref<10240x128xf32, #tpu.memory_space<vmem_shared>> -> memref<128x128xf32, #tpu.memory_space<vmem_shared>>
      tpu.wait_dma2 semaphore(%arg16 : memref<!tpu.dma_semaphore, #tpu.memory_space<semaphore_mem>>) src(%arg11 : memref<128x128xf32, #tpu.memory_space<vmem>>) dst(%dma_wait3A_44 : memref<128x128xf32, #tpu.memory_space<vmem_shared>>)
    }
    %scan3A_9 = arith.constant 5 : i32
    %barrier3A_10 = arith.constant 0 : index
    tpu.barrier barrier_id(%barrier3A_10)
    %mul3A_11 = arith.constant 10240 : i32
    %mul3A_12 = arith.muli %arg0, %mul3A_11 : i32
    %add3A_13 = arith.addi %mul3A_12, %mul3A_0 : i32
    "tpu.region"() ({
      %run_scoped3A = tpu.sem_alloc : memref<!tpu.dma_semaphore, #tpu.memory_space<semaphore_mem>>
      %dma_start3A = arith.constant 0 : i32
      %dma_start3A_14 = tpu.memref_slice %arg7[%add3A_13, %dma_start3A] : memref<20480x128xf32, #tpu.memory_space<hbm>> -> memref<640x128xf32, #tpu.memory_space<hbm>>
      %dma_start3A_15 = arith.constant 0 : i32
      %dma_start3A_16 = tpu.memref_slice %arg12[%mul3A_0, %dma_start3A_15] : memref<10240x128xf32, #tpu.memory_space<vmem_shared>> -> memref<640x128xf32, #tpu.memory_space<vmem_shared>>
      tpu.enqueue_dma source(%dma_start3A_16 : memref<640x128xf32, #tpu.memory_space<vmem_shared>>) target(%dma_start3A_14 : memref<640x128xf32, #tpu.memory_space<hbm>>) target_semaphore(%run_scoped3A : memref<!tpu.dma_semaphore, #tpu.memory_space<semaphore_mem>>)
      %dma_wait3A = arith.constant 0 : i32
      %dma_wait3A_17 = tpu.memref_slice %arg7[%add3A_13, %dma_wait3A] : memref<20480x128xf32, #tpu.memory_space<hbm>> -> memref<640x128xf32, #tpu.memory_space<hbm>>
      %dma_wait3A_18 = arith.constant 0 : i32
      %dma_wait3A_19 = tpu.memref_slice %arg12[%mul3A_0, %dma_wait3A_18] : memref<10240x128xf32, #tpu.memory_space<vmem_shared>> -> memref<640x128xf32, #tpu.memory_space<vmem_shared>>
      tpu.wait_dma2 semaphore(%run_scoped3A : memref<!tpu.dma_semaphore, #tpu.memory_space<semaphore_mem>>) src(%dma_wait3A_19 : memref<640x128xf32, #tpu.memory_space<vmem_shared>>) dst(%dma_wait3A_17 : memref<640x128xf32, #tpu.memory_space<hbm>>)
      tpu.yield
    }) : () -> ()
    return
  }
}

#map = affine_map<(d0, d1) -> (0, 0)>
module attributes {stable_mosaic.version = 14 : i64} {
  func.func @k(%arg0: i32, %arg1: i32, %arg2: memref<2560x128xi32, #tpu.memory_space<hbm>>, %arg3: memref<640x128xf32, #tpu.memory_space<hbm>>, %arg4: memref<128x128xf32, #tpu.memory_space<hbm>>, %arg5: memref<20480x128xf32, #tpu.memory_space<hbm>>, %arg6: memref<80x128xi32, #tpu.memory_space<vmem>>, %arg7: memref<128x128xf32, #tpu.memory_space<vmem>>, %arg8: memref<10240x128xf32, #tpu.memory_space<vmem_shared>>) attributes {dimension_semantics = [#tpu.dimension_semantics<core_parallel>, #tpu.dimension_semantics<subcore_parallel>], iteration_bounds = array<i64: 2, 16>, scalar_prefetch = 0 : i64, scratch_operands = 3 : i64, tpu.core_type = #tpu.core_type<sc_vector_subcore>, window_params = [{transform_indices = #map}, {transform_indices = #map}, {transform_indices = #map}, {transform_indices = #map}]} {
    %mul3A = arith.constant 640 : i32
    %mul3A_0 = arith.muli %arg1, %mul3A : i32
    "tpu.region"() ({
      %run_scoped3A = tpu.sem_alloc : memref<!tpu.dma_semaphore, #tpu.memory_space<semaphore_mem>>
      %dma_start3A = arith.constant 0 : i32
      %dma_start3A_14 = tpu.memref_slice %arg8[%mul3A_0, %dma_start3A] : memref<10240x128xf32, #tpu.memory_space<vmem_shared>> -> memref<640x128xf32, #tpu.memory_space<vmem_shared>>
      tpu.enqueue_dma source(%arg3 : memref<640x128xf32, #tpu.memory_space<hbm>>) target(%dma_start3A_14 : memref<640x128xf32, #tpu.memory_space<vmem_shared>>) target_semaphore(%run_scoped3A : memref<!tpu.dma_semaphore, #tpu.memory_space<semaphore_mem>>)
      %dma_wait3A = arith.constant 0 : i32
      %dma_wait3A_15 = tpu.memref_slice %arg8[%mul3A_0, %dma_wait3A] : memref<10240x128xf32, #tpu.memory_space<vmem_shared>> -> memref<640x128xf32, #tpu.memory_space<vmem_shared>>
      tpu.wait_dma2 semaphore(%run_scoped3A : memref<!tpu.dma_semaphore, #tpu.memory_space<semaphore_mem>>) src(%arg3 : memref<640x128xf32, #tpu.memory_space<hbm>>) dst(%dma_wait3A_15 : memref<640x128xf32, #tpu.memory_space<vmem_shared>>)
      tpu.yield
    }) : () -> ()
    "tpu.region"() ({
      %run_scoped3A = tpu.sem_alloc : memref<!tpu.dma_semaphore, #tpu.memory_space<semaphore_mem>>
      tpu.enqueue_dma source(%arg4 : memref<128x128xf32, #tpu.memory_space<hbm>>) target(%arg7 : memref<128x128xf32, #tpu.memory_space<vmem>>) target_semaphore(%run_scoped3A : memref<!tpu.dma_semaphore, #tpu.memory_space<semaphore_mem>>)
      tpu.wait_dma2 semaphore(%run_scoped3A : memref<!tpu.dma_semaphore, #tpu.memory_space<semaphore_mem>>) src(%arg4 : memref<128x128xf32, #tpu.memory_space<hbm>>) dst(%arg7 : memref<128x128xf32, #tpu.memory_space<vmem>>)
      tpu.yield
    }) : () -> ()
    %mul3A_1 = arith.constant 16 : i32
    %mul3A_2 = arith.muli %arg0, %mul3A_1 : i32
    %add3A = arith.addi %mul3A_2, %arg1 : i32
    %mul3A_3 = arith.constant 80 : i32
    %mul3A_4 = arith.muli %add3A, %mul3A_3 : i32
    "tpu.region"() ({
      %run_scoped3A = tpu.sem_alloc : memref<!tpu.dma_semaphore, #tpu.memory_space<semaphore_mem>>
      %dma_start3A = arith.constant 0 : i32
      %dma_start3A_14 = tpu.memref_slice %arg2[%mul3A_4, %dma_start3A] : memref<2560x128xi32, #tpu.memory_space<hbm>> -> memref<80x128xi32, #tpu.memory_space<hbm>>
      %dma_start3A_15 = arith.constant 0 : i32
      %dma_start3A_16 = tpu.memref_slice %arg2[%mul3A_4, %dma_start3A_15] : memref<2560x128xi32, #tpu.memory_space<hbm>> -> memref<80x128xi32, #tpu.memory_space<hbm>>
      tpu.enqueue_dma source(%dma_start3A_16 : memref<80x128xi32, #tpu.memory_space<hbm>>) target(%arg6 : memref<80x128xi32, #tpu.memory_space<vmem>>) target_semaphore(%run_scoped3A : memref<!tpu.dma_semaphore, #tpu.memory_space<semaphore_mem>>)
      %dma_wait3A = arith.constant 0 : i32
      %dma_wait3A_17 = tpu.memref_slice %arg2[%mul3A_4, %dma_wait3A] : memref<2560x128xi32, #tpu.memory_space<hbm>> -> memref<80x128xi32, #tpu.memory_space<hbm>>
      %dma_wait3A_18 = arith.constant 0 : i32
      %dma_wait3A_19 = tpu.memref_slice %arg2[%mul3A_4, %dma_wait3A_18] : memref<2560x128xi32, #tpu.memory_space<hbm>> -> memref<80x128xi32, #tpu.memory_space<hbm>>
      tpu.wait_dma2 semaphore(%run_scoped3A : memref<!tpu.dma_semaphore, #tpu.memory_space<semaphore_mem>>) src(%dma_wait3A_19 : memref<80x128xi32, #tpu.memory_space<hbm>>) dst(%arg6 : memref<80x128xi32, #tpu.memory_space<vmem>>)
      tpu.yield
    }) : () -> ()
    %barrier3A = arith.constant 0 : index
    tpu.barrier barrier_id(%barrier3A)
    %scan3A = arith.constant 0 : i32
    %scan3A_5 = arith.constant 0 : i32
    %scan3A_6 = arith.constant 80 : i32
    %scan3A_7 = arith.addi %scan3A_5, %scan3A_6 : i32
    %scan3A_8 = arith.constant 1 : i32
    scf.for %scan3A_14 = %scan3A_5 to %scan3A_7 step %scan3A_8  : i32 {
      "tpu.region"() ({
        %run_scoped3A = tpu.sem_alloc : memref<!tpu.dma_semaphore, #tpu.memory_space<semaphore_mem>>
        %dma_start3A = arith.constant 0 : i32
        %dma_start3A_15 = tpu.memref_slice %arg6[%scan3A_14, %dma_start3A] : memref<80x128xi32, #tpu.memory_space<vmem>> -> memref<1x128xi32, #tpu.memory_space<vmem>>
        %dma_start3A_16 = tpu.memref_squeeze %dma_start3A_15 : memref<1x128xi32, #tpu.memory_space<vmem>> -> memref<128xi32, #tpu.memory_space<vmem>>
        %dma_start3A_17 = arith.constant 0 : i32
        %dma_start3A_18 = arith.constant 0 : i32
        %dma_start3A_19 = tpu.memref_slice %arg8[%dma_start3A_17, %dma_start3A_18] : memref<10240x128xf32, #tpu.memory_space<vmem_shared>> -> memref<10240x128xf32, #tpu.memory_space<vmem_shared>>
        tpu.enqueue_indirect_dma source(%arg7 : memref<128x128xf32, #tpu.memory_space<vmem>>) target(%dma_start3A_19 : memref<10240x128xf32, #tpu.memory_space<vmem_shared>>) offsets(%dma_start3A_16 : memref<128xi32, #tpu.memory_space<vmem>>) semaphore(%run_scoped3A : memref<!tpu.dma_semaphore, #tpu.memory_space<semaphore_mem>>) {add = true}
        %dma_wait3A = arith.constant 0 : i32
        %dma_wait3A_20 = tpu.memref_slice %arg6[%scan3A_14, %dma_wait3A] : memref<80x128xi32, #tpu.memory_space<vmem>> -> memref<1x128xi32, #tpu.memory_space<vmem>>
        %dma_wait3A_21 = tpu.memref_squeeze %dma_wait3A_20 : memref<1x128xi32, #tpu.memory_space<vmem>> -> memref<128xi32, #tpu.memory_space<vmem>>
        %dma_wait3A_22 = arith.constant 0 : i32
        %dma_wait3A_23 = arith.constant 0 : i32
        %dma_wait3A_24 = tpu.memref_slice %arg8[%dma_wait3A_22, %dma_wait3A_23] : memref<10240x128xf32, #tpu.memory_space<vmem_shared>> -> memref<10240x128xf32, #tpu.memory_space<vmem_shared>>
        tpu.wait_indirect_dma semaphore(%run_scoped3A : memref<!tpu.dma_semaphore, #tpu.memory_space<semaphore_mem>>) src(%arg7 : memref<128x128xf32, #tpu.memory_space<vmem>>) dst(%dma_wait3A_24 : memref<10240x128xf32, #tpu.memory_space<vmem_shared>>)
        tpu.yield
      }) : () -> ()
    }
    %scan3A_9 = arith.constant 80 : i32
    %barrier3A_10 = arith.constant 0 : index
    tpu.barrier barrier_id(%barrier3A_10)
    %mul3A_11 = arith.constant 10240 : i32
    %mul3A_12 = arith.muli %arg0, %mul3A_11 : i32
    %add3A_13 = arith.addi %mul3A_12, %mul3A_0 : i32
    "tpu.region"() ({
      %run_scoped3A = tpu.sem_alloc : memref<!tpu.dma_semaphore, #tpu.memory_space<semaphore_mem>>
      %dma_start3A = arith.constant 0 : i32
      %dma_start3A_14 = tpu.memref_slice %arg5[%add3A_13, %dma_start3A] : memref<20480x128xf32, #tpu.memory_space<hbm>> -> memref<640x128xf32, #tpu.memory_space<hbm>>
      %dma_start3A_15 = arith.constant 0 : i32
      %dma_start3A_16 = tpu.memref_slice %arg8[%mul3A_0, %dma_start3A_15] : memref<10240x128xf32, #tpu.memory_space<vmem_shared>> -> memref<640x128xf32, #tpu.memory_space<vmem_shared>>
      tpu.enqueue_dma source(%dma_start3A_16 : memref<640x128xf32, #tpu.memory_space<vmem_shared>>) target(%dma_start3A_14 : memref<640x128xf32, #tpu.memory_space<hbm>>) target_semaphore(%run_scoped3A : memref<!tpu.dma_semaphore, #tpu.memory_space<semaphore_mem>>)
      %dma_wait3A = arith.constant 0 : i32
      %dma_wait3A_17 = tpu.memref_slice %arg5[%add3A_13, %dma_wait3A] : memref<20480x128xf32, #tpu.memory_space<hbm>> -> memref<640x128xf32, #tpu.memory_space<hbm>>
      %dma_wait3A_18 = arith.constant 0 : i32
      %dma_wait3A_19 = tpu.memref_slice %arg8[%mul3A_0, %dma_wait3A_18] : memref<10240x128xf32, #tpu.memory_space<vmem_shared>> -> memref<640x128xf32, #tpu.memory_space<vmem_shared>>
      tpu.wait_dma2 semaphore(%run_scoped3A : memref<!tpu.dma_semaphore, #tpu.memory_space<semaphore_mem>>) src(%dma_wait3A_19 : memref<640x128xf32, #tpu.memory_space<vmem_shared>>) dst(%dma_wait3A_17 : memref<640x128xf32, #tpu.memory_space<hbm>>)
      tpu.yield
    }) : () -> ()
    return
  }
}

#map = affine_map<(d0, d1) -> (0, 0)>
module attributes {stable_mosaic.version = 14 : i64} {
  func.func @k(%arg0: i32, %arg1: i32, %arg2: memref<10240x128xf32, #tpu.memory_space<hbm>>, %arg3: memref<10240x128xf32, #tpu.memory_space<hbm>>, %arg4: memref<2560x128xi32, #tpu.memory_space<hbm>>, %arg5: memref<2560x128xi32, #tpu.memory_space<hbm>>, %arg6: memref<640x128xf32, #tpu.memory_space<hbm>>, %arg7: memref<20480x128xf32, #tpu.memory_space<hbm>>, %arg8: memref<16x128xi32, #tpu.memory_space<vmem>>, %arg9: memref<16x128xi32, #tpu.memory_space<vmem>>, %arg10: memref<128x128xf32, #tpu.memory_space<vmem>>, %arg11: memref<128x128xf32, #tpu.memory_space<vmem>>, %arg12: memref<10240x128xf32, #tpu.memory_space<vmem_shared>>, %arg13: memref<!tpu.dma_semaphore, #tpu.memory_space<semaphore_mem>>, %arg14: memref<!tpu.dma_semaphore, #tpu.memory_space<semaphore_mem>>, %arg15: memref<!tpu.dma_semaphore, #tpu.memory_space<semaphore_mem>>, %arg16: memref<!tpu.dma_semaphore, #tpu.memory_space<semaphore_mem>>) attributes {dimension_semantics = [#tpu.dimension_semantics<core_parallel>, #tpu.dimension_semantics<subcore_parallel>], iteration_bounds = array<i64: 2, 16>, scalar_prefetch = 0 : i64, scratch_operands = 9 : i64, tpu.core_type = #tpu.core_type<sc_vector_subcore>, window_params = [{transform_indices = #map}, {transform_indices = #map}, {transform_indices = #map}, {transform_indices = #map}, {transform_indices = #map}, {transform_indices = #map}]} {
    %mul3A = arith.constant 640 : i32
    %mul3A_0 = arith.muli %arg1, %mul3A : i32
    "tpu.region"() ({
      %run_scoped3A = tpu.sem_alloc : memref<!tpu.dma_semaphore, #tpu.memory_space<semaphore_mem>>
      %dma_start3A = arith.constant 0 : i32
      %dma_start3A_11 = tpu.memref_slice %arg12[%mul3A_0, %dma_start3A] : memref<10240x128xf32, #tpu.memory_space<vmem_shared>> -> memref<640x128xf32, #tpu.memory_space<vmem_shared>>
      tpu.enqueue_dma source(%arg6 : memref<640x128xf32, #tpu.memory_space<hbm>>) target(%dma_start3A_11 : memref<640x128xf32, #tpu.memory_space<vmem_shared>>) target_semaphore(%run_scoped3A : memref<!tpu.dma_semaphore, #tpu.memory_space<semaphore_mem>>)
      %dma_wait3A = arith.constant 0 : i32
      %dma_wait3A_12 = tpu.memref_slice %arg12[%mul3A_0, %dma_wait3A] : memref<10240x128xf32, #tpu.memory_space<vmem_shared>> -> memref<640x128xf32, #tpu.memory_space<vmem_shared>>
      tpu.wait_dma2 semaphore(%run_scoped3A : memref<!tpu.dma_semaphore, #tpu.memory_space<semaphore_mem>>) src(%arg6 : memref<640x128xf32, #tpu.memory_space<hbm>>) dst(%dma_wait3A_12 : memref<640x128xf32, #tpu.memory_space<vmem_shared>>)
      tpu.yield
    }) : () -> ()
    %mul3A_1 = arith.constant 160 : i32
    %mul3A_2 = arith.muli %arg1, %mul3A_1 : i32
    %barrier3A = arith.constant 0 : index
    tpu.barrier barrier_id(%barrier3A)
    %scan3A = arith.constant 0 : i32
    %scan3A_3 = arith.constant 0 : i32
    %scan3A_4 = arith.constant 10 : i32
    %scan3A_5 = arith.addi %scan3A_3, %scan3A_4 : i32
    %scan3A_6 = arith.constant 1 : i32
    scf.for %scan3A_11 = %scan3A_3 to %scan3A_5 step %scan3A_6  : i32 {
      %mul3A_12 = arith.constant 16 : i32
      %mul3A_13 = arith.muli %scan3A_11, %mul3A_12 : i32
      %add3A_14 = arith.addi %mul3A_2, %mul3A_13 : i32
      "tpu.region"() ({
        %run_scoped3A = tpu.sem_alloc : memref<!tpu.dma_semaphore, #tpu.memory_space<semaphore_mem>>
        %dma_start3A = arith.constant 0 : i32
        %dma_start3A_42 = tpu.memref_slice %arg4[%add3A_14, %dma_start3A] : memref<2560x128xi32, #tpu.memory_space<hbm>> -> memref<16x128xi32, #tpu.memory_space<hbm>>
        %dma_start3A_43 = arith.constant 0 : i32
        %dma_start3A_44 = tpu.memref_slice %arg4[%add3A_14, %dma_start3A_43] : memref<2560x128xi32, #tpu.memory_space<hbm>> -> memref<16x128xi32, #tpu.memory_space<hbm>>
        tpu.enqueue_dma source(%dma_start3A_44 : memref<16x128xi32, #tpu.memory_space<hbm>>) target(%arg8 : memref<16x128xi32, #tpu.memory_space<vmem>>) target_semaphore(%run_scoped3A : memref<!tpu.dma_semaphore, #tpu.memory_space<semaphore_mem>>)
        %dma_wait3A_45 = arith.constant 0 : i32
        %dma_wait3A_46 = tpu.memref_slice %arg4[%add3A_14, %dma_wait3A_45] : memref<2560x128xi32, #tpu.memory_space<hbm>> -> memref<16x128xi32, #tpu.memory_space<hbm>>
        %dma_wait3A_47 = arith.constant 0 : i32
        %dma_wait3A_48 = tpu.memref_slice %arg4[%add3A_14, %dma_wait3A_47] : memref<2560x128xi32, #tpu.memory_space<hbm>> -> memref<16x128xi32, #tpu.memory_space<hbm>>
        tpu.wait_dma2 semaphore(%run_scoped3A : memref<!tpu.dma_semaphore, #tpu.memory_space<semaphore_mem>>) src(%dma_wait3A_48 : memref<16x128xi32, #tpu.memory_space<hbm>>) dst(%arg8 : memref<16x128xi32, #tpu.memory_space<vmem>>)
        tpu.yield
      }) : () -> ()
      %mul3A_15 = arith.constant 16 : i32
      %mul3A_16 = arith.muli %scan3A_11, %mul3A_15 : i32
      %add3A_17 = arith.addi %mul3A_2, %mul3A_16 : i32
      "tpu.region"() ({
        %run_scoped3A = tpu.sem_alloc : memref<!tpu.dma_semaphore, #tpu.memory_space<semaphore_mem>>
        %dma_start3A = arith.constant 0 : i32
        %dma_start3A_42 = tpu.memref_slice %arg5[%add3A_17, %dma_start3A] : memref<2560x128xi32, #tpu.memory_space<hbm>> -> memref<16x128xi32, #tpu.memory_space<hbm>>
        %dma_start3A_43 = arith.constant 0 : i32
        %dma_start3A_44 = tpu.memref_slice %arg5[%add3A_17, %dma_start3A_43] : memref<2560x128xi32, #tpu.memory_space<hbm>> -> memref<16x128xi32, #tpu.memory_space<hbm>>
        tpu.enqueue_dma source(%dma_start3A_44 : memref<16x128xi32, #tpu.memory_space<hbm>>) target(%arg9 : memref<16x128xi32, #tpu.memory_space<vmem>>) target_semaphore(%run_scoped3A : memref<!tpu.dma_semaphore, #tpu.memory_space<semaphore_mem>>)
        %dma_wait3A_45 = arith.constant 0 : i32
        %dma_wait3A_46 = tpu.memref_slice %arg5[%add3A_17, %dma_wait3A_45] : memref<2560x128xi32, #tpu.memory_space<hbm>> -> memref<16x128xi32, #tpu.memory_space<hbm>>
        %dma_wait3A_47 = arith.constant 0 : i32
        %dma_wait3A_48 = tpu.memref_slice %arg5[%add3A_17, %dma_wait3A_47] : memref<2560x128xi32, #tpu.memory_space<hbm>> -> memref<16x128xi32, #tpu.memory_space<hbm>>
        tpu.wait_dma2 semaphore(%run_scoped3A : memref<!tpu.dma_semaphore, #tpu.memory_space<semaphore_mem>>) src(%dma_wait3A_48 : memref<16x128xi32, #tpu.memory_space<hbm>>) dst(%arg9 : memref<16x128xi32, #tpu.memory_space<vmem>>)
        tpu.yield
      }) : () -> ()
      %eq3A = arith.constant 0 : i32
      %eq3A_18 = arith.cmpi eq, %arg0, %eq3A : i32
      %convert_element_type3A = arith.extui %eq3A_18 : i1 to i32
      %cond3A = arith.constant 0 : i32
      %cond3A_19 = arith.cmpi ne, %convert_element_type3A, %cond3A : i32
      scf.if %cond3A_19 {
        %dma_start3A = arith.constant 0 : i32
        %dma_start3A_42 = arith.constant 0 : i32
        %dma_start3A_43 = tpu.memref_slice %arg8[%dma_start3A, %dma_start3A_42] : memref<16x128xi32, #tpu.memory_space<vmem>> -> memref<1x128xi32, #tpu.memory_space<vmem>>
        %dma_start3A_44 = tpu.memref_squeeze %dma_start3A_43 : memref<1x128xi32, #tpu.memory_space<vmem>> -> memref<128xi32, #tpu.memory_space<vmem>>
        %dma_start3A_45 = arith.constant 0 : i32
        %dma_start3A_46 = arith.constant 0 : i32
        %dma_start3A_47 = tpu.memref_slice %arg2[%dma_start3A_45, %dma_start3A_46] : memref<10240x128xf32, #tpu.memory_space<hbm>> -> memref<10240x128xf32, #tpu.memory_space<hbm>>
        tpu.enqueue_indirect_dma source(%dma_start3A_47 : memref<10240x128xf32, #tpu.memory_space<hbm>>) target(%arg10 : memref<128x128xf32, #tpu.memory_space<vmem>>) offsets(%dma_start3A_44 : memref<128xi32, #tpu.memory_space<vmem>>) semaphore(%arg13 : memref<!tpu.dma_semaphore, #tpu.memory_space<semaphore_mem>>)
      } else {
      }
      %eq3A_20 = arith.constant 1 : i32
      %eq3A_21 = arith.cmpi eq, %arg0, %eq3A_20 : i32
      %convert_element_type3A_22 = arith.extui %eq3A_21 : i1 to i32
      %cond3A_23 = arith.constant 0 : i32
      %cond3A_24 = arith.cmpi ne, %convert_element_type3A_22, %cond3A_23 : i32
      scf.if %cond3A_24 {
        %dma_start3A = arith.constant 0 : i32
        %dma_start3A_42 = arith.constant 0 : i32
        %dma_start3A_43 = tpu.memref_slice %arg8[%dma_start3A, %dma_start3A_42] : memref<16x128xi32, #tpu.memory_space<vmem>> -> memref<1x128xi32, #tpu.memory_space<vmem>>
        %dma_start3A_44 = tpu.memref_squeeze %dma_start3A_43 : memref<1x128xi32, #tpu.memory_space<vmem>> -> memref<128xi32, #tpu.memory_space<vmem>>
        %dma_start3A_45 = arith.constant 0 : i32
        %dma_start3A_46 = arith.constant 0 : i32
        %dma_start3A_47 = tpu.memref_slice %arg3[%dma_start3A_45, %dma_start3A_46] : memref<10240x128xf32, #tpu.memory_space<hbm>> -> memref<10240x128xf32, #tpu.memory_space<hbm>>
        tpu.enqueue_indirect_dma source(%dma_start3A_47 : memref<10240x128xf32, #tpu.memory_space<hbm>>) target(%arg10 : memref<128x128xf32, #tpu.memory_space<vmem>>) offsets(%dma_start3A_44 : memref<128xi32, #tpu.memory_space<vmem>>) semaphore(%arg13 : memref<!tpu.dma_semaphore, #tpu.memory_space<semaphore_mem>>)
      } else {
      }
      %scan3A_25 = arith.constant 0 : i32
      %scan3A_26 = arith.constant 0 : i32
      %scan3A_27 = arith.constant 8 : i32
      %scan3A_28 = arith.addi %scan3A_26, %scan3A_27 : i32
      %scan3A_29 = arith.constant 1 : i32
      scf.for %scan3A_42 = %scan3A_26 to %scan3A_28 step %scan3A_29  : i32 {
        %mul3A_43 = arith.constant 2 : i32
        %mul3A_44 = arith.muli %mul3A_43, %scan3A_42 : i32
        %gt3A = arith.constant 0 : i32
        %gt3A_45 = arith.cmpi sgt, %scan3A_42, %gt3A : i32
        %convert_element_type3A_46 = arith.extui %gt3A_45 : i1 to i32
        %cond3A_47 = arith.constant 0 : i32
        %cond3A_48 = arith.cmpi ne, %convert_element_type3A_46, %cond3A_47 : i32
        scf.if %cond3A_48 {
          %dma_wait3A_92 = arith.constant 0 : i32
          %dma_wait3A_93 = arith.constant 0 : i32
          %dma_wait3A_94 = tpu.memref_slice %arg12[%dma_wait3A_92, %dma_wait3A_93] : memref<10240x128xf32, #tpu.memory_space<vmem_shared>> -> memref<128x128xf32, #tpu.memory_space<vmem_shared>>
          %dma_wait3A_95 = arith.constant 0 : i32
          %dma_wait3A_96 = arith.constant 0 : i32
          %dma_wait3A_97 = tpu.memref_slice %arg12[%dma_wait3A_95, %dma_wait3A_96] : memref<10240x128xf32, #tpu.memory_space<vmem_shared>> -> memref<128x128xf32, #tpu.memory_space<vmem_shared>>
          tpu.wait_dma2 semaphore(%arg16 : memref<!tpu.dma_semaphore, #tpu.memory_space<semaphore_mem>>) src(%arg11 : memref<128x128xf32, #tpu.memory_space<vmem>>) dst(%dma_wait3A_97 : memref<128x128xf32, #tpu.memory_space<vmem_shared>>)
        } else {
        }
        %add3A_49 = arith.constant 1 : i32
        %add3A_50 = arith.addi %mul3A_44, %add3A_49 : i32
        %eq3A_51 = arith.constant 0 : i32
        %eq3A_52 = arith.cmpi eq, %arg0, %eq3A_51 : i32
        %convert_element_type3A_53 = arith.extui %eq3A_52 : i1 to i32
        %cond3A_54 = arith.constant 0 : i32
        %cond3A_55 = arith.cmpi ne, %convert_element_type3A_53, %cond3A_54 : i32
        scf.if %cond3A_55 {
          %dma_start3A_92 = arith.constant 0 : i32
          %dma_start3A_93 = tpu.memref_slice %arg8[%add3A_50, %dma_start3A_92] : memref<16x128xi32, #tpu.memory_space<vmem>> -> memref<1x128xi32, #tpu.memory_space<vmem>>
          %dma_start3A_94 = tpu.memref_squeeze %dma_start3A_93 : memref<1x128xi32, #tpu.memory_space<vmem>> -> memref<128xi32, #tpu.memory_space<vmem>>
          %dma_start3A_95 = arith.constant 0 : i32
          %dma_start3A_96 = arith.constant 0 : i32
          %dma_start3A_97 = tpu.memref_slice %arg2[%dma_start3A_95, %dma_start3A_96] : memref<10240x128xf32, #tpu.memory_space<hbm>> -> memref<10240x128xf32, #tpu.memory_space<hbm>>
          tpu.enqueue_indirect_dma source(%dma_start3A_97 : memref<10240x128xf32, #tpu.memory_space<hbm>>) target(%arg11 : memref<128x128xf32, #tpu.memory_space<vmem>>) offsets(%dma_start3A_94 : memref<128xi32, #tpu.memory_space<vmem>>) semaphore(%arg14 : memref<!tpu.dma_semaphore, #tpu.memory_space<semaphore_mem>>)
        } else {
        }
        %eq3A_56 = arith.constant 1 : i32
        %eq3A_57 = arith.cmpi eq, %arg0, %eq3A_56 : i32
        %convert_element_type3A_58 = arith.extui %eq3A_57 : i1 to i32
        %cond3A_59 = arith.constant 0 : i32
        %cond3A_60 = arith.cmpi ne, %convert_element_type3A_58, %cond3A_59 : i32
        scf.if %cond3A_60 {
          %dma_start3A_92 = arith.constant 0 : i32
          %dma_start3A_93 = tpu.memref_slice %arg8[%add3A_50, %dma_start3A_92] : memref<16x128xi32, #tpu.memory_space<vmem>> -> memref<1x128xi32, #tpu.memory_space<vmem>>
          %dma_start3A_94 = tpu.memref_squeeze %dma_start3A_93 : memref<1x128xi32, #tpu.memory_space<vmem>> -> memref<128xi32, #tpu.memory_space<vmem>>
          %dma_start3A_95 = arith.constant 0 : i32
          %dma_start3A_96 = arith.constant 0 : i32
          %dma_start3A_97 = tpu.memref_slice %arg3[%dma_start3A_95, %dma_start3A_96] : memref<10240x128xf32, #tpu.memory_space<hbm>> -> memref<10240x128xf32, #tpu.memory_space<hbm>>
          tpu.enqueue_indirect_dma source(%dma_start3A_97 : memref<10240x128xf32, #tpu.memory_space<hbm>>) target(%arg11 : memref<128x128xf32, #tpu.memory_space<vmem>>) offsets(%dma_start3A_94 : memref<128xi32, #tpu.memory_space<vmem>>) semaphore(%arg14 : memref<!tpu.dma_semaphore, #tpu.memory_space<semaphore_mem>>)
        } else {
        }
        %dma_wait3A_61 = arith.constant 0 : i32
        %dma_wait3A_62 = arith.constant 0 : i32
        %dma_wait3A_63 = tpu.memref_slice %arg2[%dma_wait3A_61, %dma_wait3A_62] : memref<10240x128xf32, #tpu.memory_space<hbm>> -> memref<128x128xf32, #tpu.memory_space<hbm>>
        %dma_wait3A_64 = arith.constant 0 : i32
        %dma_wait3A_65 = arith.constant 0 : i32
        %dma_wait3A_66 = tpu.memref_slice %arg2[%dma_wait3A_64, %dma_wait3A_65] : memref<10240x128xf32, #tpu.memory_space<hbm>> -> memref<128x128xf32, #tpu.memory_space<hbm>>
        tpu.wait_dma2 semaphore(%arg13 : memref<!tpu.dma_semaphore, #tpu.memory_space<semaphore_mem>>) src(%dma_wait3A_66 : memref<128x128xf32, #tpu.memory_space<hbm>>) dst(%arg10 : memref<128x128xf32, #tpu.memory_space<vmem>>)
        %dma_start3A = arith.constant 0 : i32
        %dma_start3A_67 = tpu.memref_slice %arg9[%mul3A_44, %dma_start3A] : memref<16x128xi32, #tpu.memory_space<vmem>> -> memref<1x128xi32, #tpu.memory_space<vmem>>
        %dma_start3A_68 = tpu.memref_squeeze %dma_start3A_67 : memref<1x128xi32, #tpu.memory_space<vmem>> -> memref<128xi32, #tpu.memory_space<vmem>>
        %dma_start3A_69 = arith.constant 0 : i32
        %dma_start3A_70 = arith.constant 0 : i32
        %dma_start3A_71 = tpu.memref_slice %arg12[%dma_start3A_69, %dma_start3A_70] : memref<10240x128xf32, #tpu.memory_space<vmem_shared>> -> memref<10240x128xf32, #tpu.memory_space<vmem_shared>>
        tpu.enqueue_indirect_dma source(%arg10 : memref<128x128xf32, #tpu.memory_space<vmem>>) target(%dma_start3A_71 : memref<10240x128xf32, #tpu.memory_space<vmem_shared>>) offsets(%dma_start3A_68 : memref<128xi32, #tpu.memory_space<vmem>>) semaphore(%arg15 : memref<!tpu.dma_semaphore, #tpu.memory_space<semaphore_mem>>) {add = true}
        %add3A_72 = arith.constant 1 : i32
        %add3A_73 = arith.addi %scan3A_42, %add3A_72 : i32
        %lt3A = arith.constant 8 : i32
        %lt3A_74 = arith.cmpi slt, %add3A_73, %lt3A : i32
        %convert_element_type3A_75 = arith.extui %lt3A_74 : i1 to i32
        %cond3A_76 = arith.constant 0 : i32
        %cond3A_77 = arith.cmpi ne, %convert_element_type3A_75, %cond3A_76 : i32
        scf.if %cond3A_77 {
          %dma_wait3A_92 = arith.constant 0 : i32
          %dma_wait3A_93 = arith.constant 0 : i32
          %dma_wait3A_94 = tpu.memref_slice %arg12[%dma_wait3A_92, %dma_wait3A_93] : memref<10240x128xf32, #tpu.memory_space<vmem_shared>> -> memref<128x128xf32, #tpu.memory_space<vmem_shared>>
          %dma_wait3A_95 = arith.constant 0 : i32
          %dma_wait3A_96 = arith.constant 0 : i32
          %dma_wait3A_97 = tpu.memref_slice %arg12[%dma_wait3A_95, %dma_wait3A_96] : memref<10240x128xf32, #tpu.memory_space<vmem_shared>> -> memref<128x128xf32, #tpu.memory_space<vmem_shared>>
          tpu.wait_dma2 semaphore(%arg15 : memref<!tpu.dma_semaphore, #tpu.memory_space<semaphore_mem>>) src(%arg10 : memref<128x128xf32, #tpu.memory_space<vmem>>) dst(%dma_wait3A_97 : memref<128x128xf32, #tpu.memory_space<vmem_shared>>)
          %add3A_98 = arith.constant 2 : i32
          %add3A_99 = arith.addi %mul3A_44, %add3A_98 : i32
          %eq3A_100 = arith.constant 0 : i32
          %eq3A_101 = arith.cmpi eq, %arg0, %eq3A_100 : i32
          %convert_element_type3A_102 = arith.extui %eq3A_101 : i1 to i32
          %cond3A_103 = arith.constant 0 : i32
          %cond3A_104 = arith.cmpi ne, %convert_element_type3A_102, %cond3A_103 : i32
          scf.if %cond3A_104 {
            %dma_start3A_110 = arith.constant 0 : i32
            %dma_start3A_111 = tpu.memref_slice %arg8[%add3A_99, %dma_start3A_110] : memref<16x128xi32, #tpu.memory_space<vmem>> -> memref<1x128xi32, #tpu.memory_space<vmem>>
            %dma_start3A_112 = tpu.memref_squeeze %dma_start3A_111 : memref<1x128xi32, #tpu.memory_space<vmem>> -> memref<128xi32, #tpu.memory_space<vmem>>
            %dma_start3A_113 = arith.constant 0 : i32
            %dma_start3A_114 = arith.constant 0 : i32
            %dma_start3A_115 = tpu.memref_slice %arg2[%dma_start3A_113, %dma_start3A_114] : memref<10240x128xf32, #tpu.memory_space<hbm>> -> memref<10240x128xf32, #tpu.memory_space<hbm>>
            tpu.enqueue_indirect_dma source(%dma_start3A_115 : memref<10240x128xf32, #tpu.memory_space<hbm>>) target(%arg10 : memref<128x128xf32, #tpu.memory_space<vmem>>) offsets(%dma_start3A_112 : memref<128xi32, #tpu.memory_space<vmem>>) semaphore(%arg13 : memref<!tpu.dma_semaphore, #tpu.memory_space<semaphore_mem>>)
          } else {
          }
          %eq3A_105 = arith.constant 1 : i32
          %eq3A_106 = arith.cmpi eq, %arg0, %eq3A_105 : i32
          %convert_element_type3A_107 = arith.extui %eq3A_106 : i1 to i32
          %cond3A_108 = arith.constant 0 : i32
          %cond3A_109 = arith.cmpi ne, %convert_element_type3A_107, %cond3A_108 : i32
          scf.if %cond3A_109 {
            %dma_start3A_110 = arith.constant 0 : i32
            %dma_start3A_111 = tpu.memref_slice %arg8[%add3A_99, %dma_start3A_110] : memref<16x128xi32, #tpu.memory_space<vmem>> -> memref<1x128xi32, #tpu.memory_space<vmem>>
            %dma_start3A_112 = tpu.memref_squeeze %dma_start3A_111 : memref<1x128xi32, #tpu.memory_space<vmem>> -> memref<128xi32, #tpu.memory_space<vmem>>
            %dma_start3A_113 = arith.constant 0 : i32
            %dma_start3A_114 = arith.constant 0 : i32
            %dma_start3A_115 = tpu.memref_slice %arg3[%dma_start3A_113, %dma_start3A_114] : memref<10240x128xf32, #tpu.memory_space<hbm>> -> memref<10240x128xf32, #tpu.memory_space<hbm>>
            tpu.enqueue_indirect_dma source(%dma_start3A_115 : memref<10240x128xf32, #tpu.memory_space<hbm>>) target(%arg10 : memref<128x128xf32, #tpu.memory_space<vmem>>) offsets(%dma_start3A_112 : memref<128xi32, #tpu.memory_space<vmem>>) semaphore(%arg13 : memref<!tpu.dma_semaphore, #tpu.memory_space<semaphore_mem>>)
          } else {
          }
        } else {
        }
        %dma_wait3A_78 = arith.constant 0 : i32
        %dma_wait3A_79 = arith.constant 0 : i32
        %dma_wait3A_80 = tpu.memref_slice %arg2[%dma_wait3A_78, %dma_wait3A_79] : memref<10240x128xf32, #tpu.memory_space<hbm>> -> memref<128x128xf32, #tpu.memory_space<hbm>>
        %dma_wait3A_81 = arith.constant 0 : i32
        %dma_wait3A_82 = arith.constant 0 : i32
        %dma_wait3A_83 = tpu.memref_slice %arg2[%dma_wait3A_81, %dma_wait3A_82] : memref<10240x128xf32, #tpu.memory_space<hbm>> -> memref<128x128xf32, #tpu.memory_space<hbm>>
        tpu.wait_dma2 semaphore(%arg14 : memref<!tpu.dma_semaphore, #tpu.memory_space<semaphore_mem>>) src(%dma_wait3A_83 : memref<128x128xf32, #tpu.memory_space<hbm>>) dst(%arg11 : memref<128x128xf32, #tpu.memory_space<vmem>>)
        %add3A_84 = arith.constant 1 : i32
        %add3A_85 = arith.addi %mul3A_44, %add3A_84 : i32
        %dma_start3A_86 = arith.constant 0 : i32
        %dma_start3A_87 = tpu.memref_slice %arg9[%add3A_85, %dma_start3A_86] : memref<16x128xi32, #tpu.memory_space<vmem>> -> memref<1x128xi32, #tpu.memory_space<vmem>>
        %dma_start3A_88 = tpu.memref_squeeze %dma_start3A_87 : memref<1x128xi32, #tpu.memory_space<vmem>> -> memref<128xi32, #tpu.memory_space<vmem>>
        %dma_start3A_89 = arith.constant 0 : i32
        %dma_start3A_90 = arith.constant 0 : i32
        %dma_start3A_91 = tpu.memref_slice %arg12[%dma_start3A_89, %dma_start3A_90] : memref<10240x128xf32, #tpu.memory_space<vmem_shared>> -> memref<10240x128xf32, #tpu.memory_space<vmem_shared>>
        tpu.enqueue_indirect_dma source(%arg11 : memref<128x128xf32, #tpu.memory_space<vmem>>) target(%dma_start3A_91 : memref<10240x128xf32, #tpu.memory_space<vmem_shared>>) offsets(%dma_start3A_88 : memref<128xi32, #tpu.memory_space<vmem>>) semaphore(%arg16 : memref<!tpu.dma_semaphore, #tpu.memory_space<semaphore_mem>>) {add = true}
      }
      %scan3A_30 = arith.constant 8 : i32
      %dma_wait3A = arith.constant 0 : i32
      %dma_wait3A_31 = arith.constant 0 : i32
      %dma_wait3A_32 = tpu.memref_slice %arg12[%dma_wait3A, %dma_wait3A_31] : memref<10240x128xf32, #tpu.memory_space<vmem_shared>> -> memref<128x128xf32, #tpu.memory_space<vmem_shared>>
      %dma_wait3A_33 = arith.constant 0 : i32
      %dma_wait3A_34 = arith.constant 0 : i32
      %dma_wait3A_35 = tpu.memref_slice %arg12[%dma_wait3A_33, %dma_wait3A_34] : memref<10240x128xf32, #tpu.memory_space<vmem_shared>> -> memref<128x128xf32, #tpu.memory_space<vmem_shared>>
      tpu.wait_dma2 semaphore(%arg15 : memref<!tpu.dma_semaphore, #tpu.memory_space<semaphore_mem>>) src(%arg10 : memref<128x128xf32, #tpu.memory_space<vmem>>) dst(%dma_wait3A_35 : memref<128x128xf32, #tpu.memory_space<vmem_shared>>)
      %dma_wait3A_36 = arith.constant 0 : i32
      %dma_wait3A_37 = arith.constant 0 : i32
      %dma_wait3A_38 = tpu.memref_slice %arg12[%dma_wait3A_36, %dma_wait3A_37] : memref<10240x128xf32, #tpu.memory_space<vmem_shared>> -> memref<128x128xf32, #tpu.memory_space<vmem_shared>>
      %dma_wait3A_39 = arith.constant 0 : i32
      %dma_wait3A_40 = arith.constant 0 : i32
      %dma_wait3A_41 = tpu.memref_slice %arg12[%dma_wait3A_39, %dma_wait3A_40] : memref<10240x128xf32, #tpu.memory_space<vmem_shared>> -> memref<128x128xf32, #tpu.memory_space<vmem_shared>>
      tpu.wait_dma2 semaphore(%arg16 : memref<!tpu.dma_semaphore, #tpu.memory_space<semaphore_mem>>) src(%arg11 : memref<128x128xf32, #tpu.memory_space<vmem>>) dst(%dma_wait3A_41 : memref<128x128xf32, #tpu.memory_space<vmem_shared>>)
    }
    %scan3A_7 = arith.constant 10 : i32
    %barrier3A_8 = arith.constant 0 : index
    tpu.barrier barrier_id(%barrier3A_8)
    %mul3A_9 = arith.constant 10240 : i32
    %mul3A_10 = arith.muli %arg0, %mul3A_9 : i32
    %add3A = arith.addi %mul3A_10, %mul3A_0 : i32
    "tpu.region"() ({
      %run_scoped3A = tpu.sem_alloc : memref<!tpu.dma_semaphore, #tpu.memory_space<semaphore_mem>>
      %dma_start3A = arith.constant 0 : i32
      %dma_start3A_11 = tpu.memref_slice %arg7[%add3A, %dma_start3A] : memref<20480x128xf32, #tpu.memory_space<hbm>> -> memref<640x128xf32, #tpu.memory_space<hbm>>
      %dma_start3A_12 = arith.constant 0 : i32
      %dma_start3A_13 = tpu.memref_slice %arg12[%mul3A_0, %dma_start3A_12] : memref<10240x128xf32, #tpu.memory_space<vmem_shared>> -> memref<640x128xf32, #tpu.memory_space<vmem_shared>>
      tpu.enqueue_dma source(%dma_start3A_13 : memref<640x128xf32, #tpu.memory_space<vmem_shared>>) target(%dma_start3A_11 : memref<640x128xf32, #tpu.memory_space<hbm>>) target_semaphore(%run_scoped3A : memref<!tpu.dma_semaphore, #tpu.memory_space<semaphore_mem>>)
      %dma_wait3A = arith.constant 0 : i32
      %dma_wait3A_14 = tpu.memref_slice %arg7[%add3A, %dma_wait3A] : memref<20480x128xf32, #tpu.memory_space<hbm>> -> memref<640x128xf32, #tpu.memory_space<hbm>>
      %dma_wait3A_15 = arith.constant 0 : i32
      %dma_wait3A_16 = tpu.memref_slice %arg12[%mul3A_0, %dma_wait3A_15] : memref<10240x128xf32, #tpu.memory_space<vmem_shared>> -> memref<640x128xf32, #tpu.memory_space<vmem_shared>>
      tpu.wait_dma2 semaphore(%run_scoped3A : memref<!tpu.dma_semaphore, #tpu.memory_space<semaphore_mem>>) src(%dma_wait3A_16 : memref<640x128xf32, #tpu.memory_space<vmem_shared>>) dst(%dma_wait3A_14 : memref<640x128xf32, #tpu.memory_space<hbm>>)
      tpu.yield
    }) : () -> ()
    return
  }
}

module attributes {stable_mosaic.version = 14 : i64} {
  func.func @body(%arg0: i32, %arg1: memref<640x128xf32, #tpu.memory_space<vmem>>, %arg2: memref<640x128xf32, #tpu.memory_space<vmem>>, %arg3: memref<640x128xf32, #tpu.memory_space<vmem>>, %arg4: memref<640x1xf32, #tpu.memory_space<vmem>>, %arg5: memref<640x128xf32, #tpu.memory_space<vmem>>, %arg6: memref<640x128xf32, #tpu.memory_space<vmem>>) attributes {dimension_semantics = [#tpu.dimension_semantics<arbitrary>], iteration_bounds = array<i64: 16>, scalar_prefetch = 0 : i64, scratch_operands = 0 : i64, tpu.core_type = #tpu.core_type<tc>, window_params = [{transform_indices = @transform_0, window_bounds = array<i64: 640, 128>}, {transform_indices = @transform_1, window_bounds = array<i64: 640, 128>}, {transform_indices = @transform_2, window_bounds = array<i64: 640, 128>}, {transform_indices = @transform_3, window_bounds = array<i64: 640, 1>}, {transform_indices = @transform_4, window_bounds = array<i64: 640, 128>}, {transform_indices = @transform_5, window_bounds = array<i64: 640, 128>}]} {
    %get3A = arith.constant 0 : index
    %get3A_0 = arith.constant 0 : index
    %get3A_1 = vector.load %arg1[%get3A, %get3A_0] : memref<640x128xf32, #tpu.memory_space<vmem>>, vector<640x1xf32>
    %get3A_2 = arith.constant 0 : index
    %get3A_3 = arith.constant 0 : index
    %get3A_4 = vector.load %arg2[%get3A_2, %get3A_3] : memref<640x128xf32, #tpu.memory_space<vmem>>, vector<640x1xf32>
    %add3A = arith.addf %get3A_1, %get3A_4 : vector<640x1xf32>
    %add3A_5 = arith.constant 2.000000e+00 : f32
    %add3A_6 = vector.broadcast %add3A_5 : f32 to vector<640x1xf32>
    %add3A_7 = arith.addf %add3A, %add3A_6 : vector<640x1xf32>
    %rsqrt3A = math.rsqrt %add3A_7 : vector<640x1xf32>
    %swap3A = arith.constant 0 : index
    %swap3A_8 = arith.constant 0 : index
    %swap3A_9 = vector.load %arg4[%swap3A, %swap3A_8] : memref<640x1xf32, #tpu.memory_space<vmem>>, vector<640x1xf32>
    tpu.vector_store %arg4[%swap3A, %swap3A_8], %rsqrt3A {strides = array<i32>} : memref<640x1xf32, #tpu.memory_space<vmem>>, vector<640x1xf32>,
    %get3A_10 = arith.constant 0 : index
    %get3A_11 = arith.constant 0 : index
    %get3A_12 = vector.load %arg3[%get3A_10, %get3A_11] : memref<640x128xf32, #tpu.memory_space<vmem>>, vector<640x128xf32>
    %mul3A = vector.broadcast %rsqrt3A : vector<640x1xf32> to vector<640x128xf32>
    %mul3A_13 = arith.mulf %mul3A, %get3A_12 : vector<640x128xf32>
    %swap3A_14 = arith.constant 0 : index
    %swap3A_15 = arith.constant 0 : index
    %swap3A_16 = vector.load %arg5[%swap3A_14, %swap3A_15] : memref<640x128xf32, #tpu.memory_space<vmem>>, vector<640x128xf32>
    tpu.vector_store %arg5[%swap3A_14, %swap3A_15], %mul3A_13 {strides = array<i32>} : memref<640x128xf32, #tpu.memory_space<vmem>>, vector<640x128xf32>,
    %swap3A_17 = arith.constant 0 : index
    %swap3A_18 = arith.constant 0 : index
    %swap3A_19 = vector.load %arg6[%swap3A_17, %swap3A_18] : memref<640x128xf32, #tpu.memory_space<vmem>>, vector<640x128xf32>
    tpu.vector_store %arg6[%swap3A_17, %swap3A_18], %mul3A_13 {strides = array<i32>} : memref<640x128xf32, #tpu.memory_space<vmem>>, vector<640x128xf32>,
    return
  }
  func.func @transform_0(%arg0: i32) -> (i32, i32) {
    %c0_i32 = arith.constant 0 : i32
    %c0_i32_0 = arith.constant 0 : i32
    return %arg0, %c0_i32 : i32, i32
  }
  func.func @transform_1(%arg0: i32) -> (i32, i32) {
    %add3A = arith.constant 16 : i32
    %add3A_0 = arith.addi %add3A, %arg0 : i32
    %c0_i32 = arith.constant 0 : i32
    %c0_i32_1 = arith.constant 0 : i32
    return %add3A_0, %c0_i32 : i32, i32
  }
  func.func @transform_2(%arg0: i32) -> (i32, i32) {
    %c0_i32 = arith.constant 0 : i32
    %c0_i32_0 = arith.constant 0 : i32
    return %arg0, %c0_i32 : i32, i32
  }
  func.func @transform_3(%arg0: i32) -> (i32, i32) {
    %c0_i32 = arith.constant 0 : i32
    %c0_i32_0 = arith.constant 0 : i32
    return %arg0, %c0_i32 : i32, i32
  }
  func.func @transform_4(%arg0: i32) -> (i32, i32) {
    %c0_i32 = arith.constant 0 : i32
    %c0_i32_0 = arith.constant 0 : i32
    return %arg0, %c0_i32 : i32, i32
  }
  func.func @transform_5(%arg0: i32) -> (i32, i32) {
    %c0_i32 = arith.constant 0 : i32
    %c0_i32_0 = arith.constant 0 : i32
    return %arg0, %c0_i32 : i32, i32
  }
}

module attributes {stable_mosaic.version = 14 : i64} {
  func.func @body(%arg0: i32, %arg1: memref<640x128xf32, #tpu.memory_space<vmem>>, %arg2: memref<640x128xf32, #tpu.memory_space<vmem>>, %arg3: memref<640x128xf32, #tpu.memory_space<vmem>>, %arg4: memref<640x1xf32, #tpu.memory_space<vmem>>, %arg5: memref<128x256xf32, #tpu.memory_space<vmem>>, %arg6: memref<1x256xf32, #tpu.memory_space<vmem>>, %arg7: memref<128x256xf32, #tpu.memory_space<vmem>>, %arg8: memref<1x256xf32, #tpu.memory_space<vmem>>, %arg9: memref<256x128xf32, #tpu.memory_space<vmem>>, %arg10: memref<256x128xf32, #tpu.memory_space<vmem>>, %arg11: memref<640x128xf32, #tpu.memory_space<vmem>>, %arg12: memref<640x128xf32, #tpu.memory_space<vmem>>) attributes {dimension_semantics = [#tpu.dimension_semantics<arbitrary>], iteration_bounds = array<i64: 16>, scalar_prefetch = 0 : i64, scratch_operands = 0 : i64, tpu.core_type = #tpu.core_type<tc>, window_params = [{transform_indices = @transform_0, window_bounds = array<i64: 640, 128>}, {transform_indices = @transform_1, window_bounds = array<i64: 640, 128>}, {transform_indices = @transform_2, window_bounds = array<i64: 640, 128>}, {transform_indices = @transform_3, window_bounds = array<i64: 640, 1>}, {pipeline_mode = #tpu.pipeline_mode<synchronous>, transform_indices = @transform_4, window_bounds = array<i64: 128, 256>}, {pipeline_mode = #tpu.pipeline_mode<synchronous>, transform_indices = @transform_5, window_bounds = array<i64: 1, 256>}, {pipeline_mode = #tpu.pipeline_mode<synchronous>, transform_indices = @transform_6, window_bounds = array<i64: 128, 256>}, {pipeline_mode = #tpu.pipeline_mode<synchronous>, transform_indices = @transform_7, window_bounds = array<i64: 1, 256>}, {pipeline_mode = #tpu.pipeline_mode<synchronous>, transform_indices = @transform_8, window_bounds = array<i64: 256, 128>}, {pipeline_mode = #tpu.pipeline_mode<synchronous>, transform_indices = @transform_9, window_bounds = array<i64: 256, 128>}, {transform_indices = @transform_10, window_bounds = array<i64: 640, 128>}, {transform_indices = @transform_11, window_bounds = array<i64: 640, 128>}]} {
    %get3A = arith.constant 0 : index
    %get3A_0 = arith.constant 0 : index
    %get3A_1 = vector.load %arg4[%get3A, %get3A_0] : memref<640x1xf32, #tpu.memory_space<vmem>>, vector<640x1xf32>
    %get3A_2 = arith.constant 0 : index
    %get3A_3 = arith.constant 0 : index
    %get3A_4 = vector.load %arg1[%get3A_2, %get3A_3] : memref<640x128xf32, #tpu.memory_space<vmem>>, vector<640x128xf32>
    %get3A_5 = arith.constant 0 : index
    %get3A_6 = arith.constant 0 : index
    %get3A_7 = vector.load %arg2[%get3A_5, %get3A_6] : memref<640x128xf32, #tpu.memory_space<vmem>>, vector<640x128xf32>
    %add3A = arith.addf %get3A_4, %get3A_7 : vector<640x128xf32>
    %get3A_8 = arith.constant 0 : index
    %get3A_9 = arith.constant 0 : index
    %get3A_10 = vector.load %arg3[%get3A_8, %get3A_9] : memref<640x128xf32, #tpu.memory_space<vmem>>, vector<640x128xf32>
    %mul3A = arith.constant 2.000000e+00 : f32
    %mul3A_11 = vector.broadcast %mul3A : f32 to vector<640x128xf32>
    %mul3A_12 = arith.mulf %mul3A_11, %get3A_10 : vector<640x128xf32>
    %add3A_13 = arith.addf %add3A, %mul3A_12 : vector<640x128xf32>
    %mul3A_14 = vector.broadcast %get3A_1 : vector<640x1xf32> to vector<640x128xf32>
    %mul3A_15 = arith.mulf %mul3A_14, %add3A_13 : vector<640x128xf32>
    %get3A_16 = arith.constant 0 : index
    %get3A_17 = arith.constant 0 : index
    %get3A_18 = vector.load %arg5[%get3A_16, %get3A_17] : memref<128x256xf32, #tpu.memory_space<vmem>>, vector<128x256xf32>
    %dot_general3A = arith.constant dense<0.000000e+00> : vector<640x256xf32>
    %dot_general3A_19 = tpu.matmul %mul3A_15, %get3A_18, %dot_general3A {dimension_numbers = #tpu.dot_dimension_numbers<[1], [0], [0], [1], [0, 0, 1, 1], [], []>, transpose_lhs_hint = false} : vector<640x128xf32>, vector<128x256xf32>, vector<640x256xf32> -> vector<640x256xf32>
    %get3A_20 = arith.constant 0 : index
    %get3A_21 = arith.constant 0 : index
    %get3A_22 = vector.load %arg6[%get3A_20, %get3A_21] : memref<1x256xf32, #tpu.memory_space<vmem>>, vector<1x256xf32>
    %add3A_23 = vector.broadcast %get3A_22 : vector<1x256xf32> to vector<640x256xf32>
    %add3A_24 = arith.addf %dot_general3A_19, %add3A_23 : vector<640x256xf32>
    %max3A = arith.constant 0.000000e+00 : f32
    %max3A_25 = vector.broadcast %max3A : f32 to vector<640x256xf32>
    %max3A_26 = arith.maximumf %add3A_24, %max3A_25 : vector<640x256xf32>
    %get3A_27 = arith.constant 0 : index
    %get3A_28 = arith.constant 0 : index
    %get3A_29 = vector.load %arg7[%get3A_27, %get3A_28] : memref<128x256xf32, #tpu.memory_space<vmem>>, vector<128x256xf32>
    %dot_general3A_30 = arith.constant dense<0.000000e+00> : vector<640x256xf32>
    %dot_general3A_31 = tpu.matmul %mul3A_15, %get3A_29, %dot_general3A_30 {dimension_numbers = #tpu.dot_dimension_numbers<[1], [0], [0], [1], [0, 0, 1, 1], [], []>, transpose_lhs_hint = false} : vector<640x128xf32>, vector<128x256xf32>, vector<640x256xf32> -> vector<640x256xf32>
    %get3A_32 = arith.constant 0 : index
    %get3A_33 = arith.constant 0 : index
    %get3A_34 = vector.load %arg8[%get3A_32, %get3A_33] : memref<1x256xf32, #tpu.memory_space<vmem>>, vector<1x256xf32>
    %add3A_35 = vector.broadcast %get3A_34 : vector<1x256xf32> to vector<640x256xf32>
    %add3A_36 = arith.addf %dot_general3A_31, %add3A_35 : vector<640x256xf32>
    %max3A_37 = arith.constant 0.000000e+00 : f32
    %max3A_38 = vector.broadcast %max3A_37 : f32 to vector<640x256xf32>
    %max3A_39 = arith.maximumf %add3A_36, %max3A_38 : vector<640x256xf32>
    %get3A_40 = arith.constant 0 : index
    %get3A_41 = arith.constant 0 : index
    %get3A_42 = vector.load %arg9[%get3A_40, %get3A_41] : memref<256x128xf32, #tpu.memory_space<vmem>>, vector<256x128xf32>
    %dot_general3A_43 = arith.constant dense<0.000000e+00> : vector<640x128xf32>
    %dot_general3A_44 = tpu.matmul %max3A_26, %get3A_42, %dot_general3A_43 {dimension_numbers = #tpu.dot_dimension_numbers<[1], [0], [0], [1], [0, 0, 1, 1], [], []>, transpose_lhs_hint = false} : vector<640x256xf32>, vector<256x128xf32>, vector<640x128xf32> -> vector<640x128xf32>
    %mul3A_45 = vector.broadcast %get3A_1 : vector<640x1xf32> to vector<640x128xf32>
    %mul3A_46 = arith.mulf %mul3A_45, %dot_general3A_44 : vector<640x128xf32>
    %swap3A = arith.constant 0 : index
    %swap3A_47 = arith.constant 0 : index
    %swap3A_48 = vector.load %arg11[%swap3A, %swap3A_47] : memref<640x128xf32, #tpu.memory_space<vmem>>, vector<640x128xf32>
    tpu.vector_store %arg11[%swap3A, %swap3A_47], %mul3A_46 {strides = array<i32>} : memref<640x128xf32, #tpu.memory_space<vmem>>, vector<640x128xf32>,
    %get3A_49 = arith.constant 0 : index
    %get3A_50 = arith.constant 0 : index
    %get3A_51 = vector.load %arg10[%get3A_49, %get3A_50] : memref<256x128xf32, #tpu.memory_space<vmem>>, vector<256x128xf32>
    %dot_general3A_52 = arith.constant dense<0.000000e+00> : vector<640x128xf32>
    %dot_general3A_53 = tpu.matmul %max3A_39, %get3A_51, %dot_general3A_52 {dimension_numbers = #tpu.dot_dimension_numbers<[1], [0], [0], [1], [0, 0, 1, 1], [], []>, transpose_lhs_hint = false} : vector<640x256xf32>, vector<256x128xf32>, vector<640x128xf32> -> vector<640x128xf32>
    %mul3A_54 = vector.broadcast %get3A_1 : vector<640x1xf32> to vector<640x128xf32>
    %mul3A_55 = arith.mulf %mul3A_54, %dot_general3A_53 : vector<640x128xf32>
    %swap3A_56 = arith.constant 0 : index
    %swap3A_57 = arith.constant 0 : index
    %swap3A_58 = vector.load %arg12[%swap3A_56, %swap3A_57] : memref<640x128xf32, #tpu.memory_space<vmem>>, vector<640x128xf32>
    tpu.vector_store %arg12[%swap3A_56, %swap3A_57], %mul3A_55 {strides = array<i32>} : memref<640x128xf32, #tpu.memory_space<vmem>>, vector<640x128xf32>,
    return
  }
  func.func @transform_0(%arg0: i32) -> (i32, i32) {
    %c0_i32 = arith.constant 0 : i32
    %c0_i32_0 = arith.constant 0 : i32
    return %arg0, %c0_i32 : i32, i32
  }
  func.func @transform_1(%arg0: i32) -> (i32, i32) {
    %add3A = arith.constant 16 : i32
    %add3A_0 = arith.addi %add3A, %arg0 : i32
    %c0_i32 = arith.constant 0 : i32
    %c0_i32_1 = arith.constant 0 : i32
    return %add3A_0, %c0_i32 : i32, i32
  }
  func.func @transform_2(%arg0: i32) -> (i32, i32) {
    %c0_i32 = arith.constant 0 : i32
    %c0_i32_0 = arith.constant 0 : i32
    return %arg0, %c0_i32 : i32, i32
  }
  func.func @transform_3(%arg0: i32) -> (i32, i32) {
    %c0_i32 = arith.constant 0 : i32
    %c0_i32_0 = arith.constant 0 : i32
    return %arg0, %c0_i32 : i32, i32
  }
  func.func @transform_4(%arg0: i32) -> (i32, i32) {
    %c0_i32 = arith.constant 0 : i32
    %c0_i32_0 = arith.constant 0 : i32
    %c0_i32_1 = arith.constant 0 : i32
    return %c0_i32, %c0_i32_0 : i32, i32
  }
  func.func @transform_5(%arg0: i32) -> (i32, i32) {
    %c0_i32 = arith.constant 0 : i32
    %c0_i32_0 = arith.constant 0 : i32
    %c0_i32_1 = arith.constant 0 : i32
    return %c0_i32, %c0_i32_0 : i32, i32
  }
  func.func @transform_6(%arg0: i32) -> (i32, i32) {
    %c0_i32 = arith.constant 0 : i32
    %c0_i32_0 = arith.constant 0 : i32
    %c0_i32_1 = arith.constant 0 : i32
    return %c0_i32, %c0_i32_0 : i32, i32
  }
  func.func @transform_7(%arg0: i32) -> (i32, i32) {
    %c0_i32 = arith.constant 0 : i32
    %c0_i32_0 = arith.constant 0 : i32
    %c0_i32_1 = arith.constant 0 : i32
    return %c0_i32, %c0_i32_0 : i32, i32
  }
  func.func @transform_8(%arg0: i32) -> (i32, i32) {
    %c0_i32 = arith.constant 0 : i32
    %c0_i32_0 = arith.constant 0 : i32
    %c0_i32_1 = arith.constant 0 : i32
    return %c0_i32, %c0_i32_0 : i32, i32
  }
  func.func @transform_9(%arg0: i32) -> (i32, i32) {
    %c0_i32 = arith.constant 0 : i32
    %c0_i32_0 = arith.constant 0 : i32
    %c0_i32_1 = arith.constant 0 : i32
    return %c0_i32, %c0_i32_0 : i32, i32
  }
  func.func @transform_10(%arg0: i32) -> (i32, i32) {
    %c0_i32 = arith.constant 0 : i32
    %c0_i32_0 = arith.constant 0 : i32
    return %arg0, %c0_i32 : i32, i32
  }
  func.func @transform_11(%arg0: i32) -> (i32, i32) {
    %c0_i32 = arith.constant 0 : i32
    %c0_i32_0 = arith.constant 0 : i32
    return %arg0, %c0_i32 : i32, i32
  }
}

module attributes {stable_mosaic.version = 14 : i64} {
  func.func @body(%arg0: i32, %arg1: memref<640x128xf32, #tpu.memory_space<vmem>>, %arg2: memref<640x128xf32, #tpu.memory_space<vmem>>, %arg3: memref<640x128xf32, #tpu.memory_space<vmem>>, %arg4: memref<640x128xf32, #tpu.memory_space<vmem>>, %arg5: memref<640x1xf32, #tpu.memory_space<vmem>>, %arg6: memref<1x128xf32, #tpu.memory_space<vmem>>, %arg7: memref<1x128xf32, #tpu.memory_space<vmem>>, %arg8: memref<640x128xf32, #tpu.memory_space<vmem>>, %arg9: memref<640x128xf32, #tpu.memory_space<vmem>>, %arg10: memref<8x128xf32, #tpu.memory_space<vmem>>) attributes {dimension_semantics = [#tpu.dimension_semantics<arbitrary>], iteration_bounds = array<i64: 16>, scalar_prefetch = 0 : i64, scratch_operands = 0 : i64, tpu.core_type = #tpu.core_type<tc>, window_params = [{transform_indices = @transform_0, window_bounds = array<i64: 640, 128>}, {transform_indices = @transform_1, window_bounds = array<i64: 640, 128>}, {transform_indices = @transform_2, window_bounds = array<i64: 640, 128>}, {transform_indices = @transform_3, window_bounds = array<i64: 640, 128>}, {transform_indices = @transform_4, window_bounds = array<i64: 640, 1>}, {pipeline_mode = #tpu.pipeline_mode<synchronous>, transform_indices = @transform_5, window_bounds = array<i64: 1, 128>}, {pipeline_mode = #tpu.pipeline_mode<synchronous>, transform_indices = @transform_6, window_bounds = array<i64: 1, 128>}, {transform_indices = @transform_7, window_bounds = array<i64: 640, 128>}, {transform_indices = @transform_8, window_bounds = array<i64: 640, 128>}, {pipeline_mode = #tpu.pipeline_mode<synchronous>, transform_indices = @transform_9, window_bounds = array<i64: 8, 128>}]} {
    %get3A = arith.constant 0 : index
    %get3A_0 = arith.constant 0 : index
    %get3A_1 = vector.load %arg5[%get3A, %get3A_0] : memref<640x1xf32, #tpu.memory_space<vmem>>, vector<640x1xf32>
    %get3A_2 = arith.constant 0 : index
    %get3A_3 = arith.constant 0 : index
    %get3A_4 = vector.load %arg1[%get3A_2, %get3A_3] : memref<640x128xf32, #tpu.memory_space<vmem>>, vector<640x128xf32>
    %get3A_5 = arith.constant 0 : index
    %get3A_6 = arith.constant 0 : index
    %get3A_7 = vector.load %arg3[%get3A_5, %get3A_6] : memref<640x128xf32, #tpu.memory_space<vmem>>, vector<640x128xf32>
    %mul3A = arith.constant 2.000000e+00 : f32
    %mul3A_8 = vector.broadcast %mul3A : f32 to vector<640x128xf32>
    %mul3A_9 = arith.mulf %mul3A_8, %get3A_7 : vector<640x128xf32>
    %add3A = arith.addf %get3A_4, %mul3A_9 : vector<640x128xf32>
    %mul3A_10 = vector.broadcast %get3A_1 : vector<640x1xf32> to vector<640x128xf32>
    %mul3A_11 = arith.mulf %mul3A_10, %add3A : vector<640x128xf32>
    %get3A_12 = arith.constant 0 : index
    %get3A_13 = arith.constant 0 : index
    %get3A_14 = vector.load %arg6[%get3A_12, %get3A_13] : memref<1x128xf32, #tpu.memory_space<vmem>>, vector<1x128xf32>
    %add3A_15 = vector.broadcast %get3A_14 : vector<1x128xf32> to vector<640x128xf32>
    %add3A_16 = arith.addf %mul3A_11, %add3A_15 : vector<640x128xf32>
    %get3A_17 = arith.constant 0 : index
    %get3A_18 = arith.constant 0 : index
    %get3A_19 = vector.load %arg2[%get3A_17, %get3A_18] : memref<640x128xf32, #tpu.memory_space<vmem>>, vector<640x128xf32>
    %get3A_20 = arith.constant 0 : index
    %get3A_21 = arith.constant 0 : index
    %get3A_22 = vector.load %arg4[%get3A_20, %get3A_21] : memref<640x128xf32, #tpu.memory_space<vmem>>, vector<640x128xf32>
    %mul3A_23 = arith.constant 2.000000e+00 : f32
    %mul3A_24 = vector.broadcast %mul3A_23 : f32 to vector<640x128xf32>
    %mul3A_25 = arith.mulf %mul3A_24, %get3A_22 : vector<640x128xf32>
    %add3A_26 = arith.addf %get3A_19, %mul3A_25 : vector<640x128xf32>
    %mul3A_27 = vector.broadcast %get3A_1 : vector<640x1xf32> to vector<640x128xf32>
    %mul3A_28 = arith.mulf %mul3A_27, %add3A_26 : vector<640x128xf32>
    %get3A_29 = arith.constant 0 : index
    %get3A_30 = arith.constant 0 : index
    %get3A_31 = vector.load %arg7[%get3A_29, %get3A_30] : memref<1x128xf32, #tpu.memory_space<vmem>>, vector<1x128xf32>
    %add3A_32 = vector.broadcast %get3A_31 : vector<1x128xf32> to vector<640x128xf32>
    %add3A_33 = arith.addf %mul3A_28, %add3A_32 : vector<640x128xf32>
    %max3A = arith.constant 0.000000e+00 : f32
    %max3A_34 = vector.broadcast %max3A : f32 to vector<640x128xf32>
    %max3A_35 = arith.maximumf %add3A_33, %max3A_34 : vector<640x128xf32>
    %mul3A_36 = arith.constant 640 : i32
    %mul3A_37 = arith.muli %arg0, %mul3A_36 : i32
    %iota3A = tpu.iota {dimensions = array<i32: 0>} : vector<640x1xi32>
    %add3A_38 = vector.broadcast %mul3A_37 : i32 to vector<640x1xi32>
    %add3A_39 = arith.addi %add3A_38, %iota3A : vector<640x1xi32>
    %lt3A = arith.constant 10000 : i32
    %lt3A_40 = vector.broadcast %lt3A : i32 to vector<640x1xi32>
    %lt3A_41 = arith.cmpi slt, %add3A_39, %lt3A_40 : vector<640x1xi32>
    %jit3A = arith.constant -1.000000e+30 : f32
    %broadcast_in_dim3A = vector.shape_cast %lt3A_41 : vector<640x1xi1> to vector<640x1xi1>
    %broadcast_in_dim3A_42 = vector.broadcast %broadcast_in_dim3A : vector<640x1xi1> to vector<640x128xi1>
    %broadcast_in_dim3A_43 = vector.broadcast %jit3A : f32 to vector<640x128xf32>
    %select_n3A = arith.select %broadcast_in_dim3A_42, %add3A_16, %broadcast_in_dim3A_43 : vector<640x128xi1>, vector<640x128xf32>
    %swap3A = arith.constant 0 : index
    %swap3A_44 = arith.constant 0 : index
    %swap3A_45 = vector.load %arg8[%swap3A, %swap3A_44] : memref<640x128xf32, #tpu.memory_space<vmem>>, vector<640x128xf32>
    tpu.vector_store %arg8[%swap3A, %swap3A_44], %select_n3A {strides = array<i32>} : memref<640x128xf32, #tpu.memory_space<vmem>>, vector<640x128xf32>,
    %swap3A_46 = arith.constant 0 : index
    %swap3A_47 = arith.constant 0 : index
    %swap3A_48 = vector.load %arg9[%swap3A_46, %swap3A_47] : memref<640x128xf32, #tpu.memory_space<vmem>>, vector<640x128xf32>
    tpu.vector_store %arg9[%swap3A_46, %swap3A_47], %max3A_35 {strides = array<i32>} : memref<640x128xf32, #tpu.memory_space<vmem>>, vector<640x128xf32>,
    %eq3A = arith.constant 0 : i32
    %eq3A_49 = arith.cmpi eq, %arg0, %eq3A : i32
    %convert_element_type3A = arith.extui %eq3A_49 : i1 to i32
    %cond3A = arith.constant 0 : i32
    %cond3A_50 = arith.cmpi ne, %convert_element_type3A, %cond3A : i32
    scf.if %cond3A_50 {
      %broadcast_in_dim3A_60 = arith.constant -1.000000e+30 : f32
      %broadcast_in_dim3A_61 = vector.broadcast %broadcast_in_dim3A_60 : f32 to vector<8x128xf32>
      %swap3A_62 = arith.constant 0 : index
      %swap3A_63 = arith.constant 0 : index
      %swap3A_64 = vector.load %arg10[%swap3A_62, %swap3A_63] : memref<8x128xf32, #tpu.memory_space<vmem>>, vector<8x128xf32>
      tpu.vector_store %arg10[%swap3A_62, %swap3A_63], %broadcast_in_dim3A_61 {strides = array<i32>} : memref<8x128xf32, #tpu.memory_space<vmem>>, vector<8x128xf32>,
    } else {
    }
    %reduce_max3A = arith.constant dense<0xFF800000> : vector<128xf32>
    %reduce_max3A_51 = vector.multi_reduction <maximumf>, %select_n3A, %reduce_max3A [0] : vector<640x128xf32> to vector<128xf32>
    %broadcast_in_dim3A_52 = vector.shape_cast %reduce_max3A_51 : vector<128xf32> to vector<1x128xf32>
    %get3A_53 = arith.constant 0 : index
    %get3A_54 = arith.constant 0 : index
    %get3A_55 = vector.load %arg10[%get3A_53, %get3A_54] : memref<8x128xf32, #tpu.memory_space<vmem>>, vector<1x128xf32>
    %max3A_56 = arith.maximumf %get3A_55, %broadcast_in_dim3A_52 : vector<1x128xf32>
    %swap3A_57 = arith.constant 0 : index
    %swap3A_58 = arith.constant 0 : index
    %swap3A_59 = vector.load %arg10[%swap3A_57, %swap3A_58] : memref<8x128xf32, #tpu.memory_space<vmem>>, vector<1x128xf32>
    tpu.vector_store %arg10[%swap3A_57, %swap3A_58], %max3A_56 {strides = array<i32>} : memref<8x128xf32, #tpu.memory_space<vmem>>, vector<1x128xf32>,
    return
  }
  func.func @transform_0(%arg0: i32) -> (i32, i32) {
    %c0_i32 = arith.constant 0 : i32
    %c0_i32_0 = arith.constant 0 : i32
    return %arg0, %c0_i32 : i32, i32
  }
  func.func @transform_1(%arg0: i32) -> (i32, i32) {
    %add3A = arith.constant 16 : i32
    %add3A_0 = arith.addi %add3A, %arg0 : i32
    %c0_i32 = arith.constant 0 : i32
    %c0_i32_1 = arith.constant 0 : i32
    return %add3A_0, %c0_i32 : i32, i32
  }
  func.func @transform_2(%arg0: i32) -> (i32, i32) {
    %c0_i32 = arith.constant 0 : i32
    %c0_i32_0 = arith.constant 0 : i32
    return %arg0, %c0_i32 : i32, i32
  }
  func.func @transform_3(%arg0: i32) -> (i32, i32) {
    %c0_i32 = arith.constant 0 : i32
    %c0_i32_0 = arith.constant 0 : i32
    return %arg0, %c0_i32 : i32, i32
  }
  func.func @transform_4(%arg0: i32) -> (i32, i32) {
    %c0_i32 = arith.constant 0 : i32
    %c0_i32_0 = arith.constant 0 : i32
    return %arg0, %c0_i32 : i32, i32
  }
  func.func @transform_5(%arg0: i32) -> (i32, i32) {
    %c0_i32 = arith.constant 0 : i32
    %c0_i32_0 = arith.constant 0 : i32
    %c0_i32_1 = arith.constant 0 : i32
    return %c0_i32, %c0_i32_0 : i32, i32
  }
  func.func @transform_6(%arg0: i32) -> (i32, i32) {
    %c0_i32 = arith.constant 0 : i32
    %c0_i32_0 = arith.constant 0 : i32
    %c0_i32_1 = arith.constant 0 : i32
    return %c0_i32, %c0_i32_0 : i32, i32
  }
  func.func @transform_7(%arg0: i32) -> (i32, i32) {
    %c0_i32 = arith.constant 0 : i32
    %c0_i32_0 = arith.constant 0 : i32
    return %arg0, %c0_i32 : i32, i32
  }
  func.func @transform_8(%arg0: i32) -> (i32, i32) {
    %c0_i32 = arith.constant 0 : i32
    %c0_i32_0 = arith.constant 0 : i32
    return %arg0, %c0_i32 : i32, i32
  }
  func.func @transform_9(%arg0: i32) -> (i32, i32) {
    %c0_i32 = arith.constant 0 : i32
    %c0_i32_0 = arith.constant 0 : i32
    %c0_i32_1 = arith.constant 0 : i32
    return %c0_i32, %c0_i32_0 : i32, i32
  }
}

module attributes {stable_mosaic.version = 14 : i64} {
  func.func @body(%arg0: i32, %arg1: memref<640x128xf32, #tpu.memory_space<vmem>>, %arg2: memref<640x128xf32, #tpu.memory_space<vmem>>, %arg3: memref<8x128xf32, #tpu.memory_space<vmem>>, %arg4: memref<640x1xi32, #tpu.memory_space<vmem>>, %arg5: memref<128x128xf32, #tpu.memory_space<vmem>>, %arg6: memref<16x128x128xf32, #tpu.memory_space<vmem>>, %arg7: memref<128x16xf32, #tpu.memory_space<vmem>>, %arg8: memref<128x128xf32, #tpu.memory_space<vmem>>, %arg9: memref<16x128x128xf32, #tpu.memory_space<vmem>>, %arg10: memref<128x16xf32, #tpu.memory_space<vmem>>) attributes {dimension_semantics = [#tpu.dimension_semantics<arbitrary>], iteration_bounds = array<i64: 16>, scalar_prefetch = 0 : i64, scratch_operands = 3 : i64, tpu.core_type = #tpu.core_type<tc>, window_params = [{transform_indices = @transform_0, window_bounds = array<i64: 640, 128>}, {transform_indices = @transform_1, window_bounds = array<i64: 640, 128>}, {pipeline_mode = #tpu.pipeline_mode<synchronous>, transform_indices = @transform_2, window_bounds = array<i64: 8, 128>}, {transform_indices = @transform_3, window_bounds = array<i64: 640, 1>}, {pipeline_mode = #tpu.pipeline_mode<synchronous>, transform_indices = @transform_4, window_bounds = array<i64: 128, 128>}, {pipeline_mode = #tpu.pipeline_mode<synchronous>, transform_indices = @transform_5, window_bounds = array<i64: 16, 128, 128>}, {pipeline_mode = #tpu.pipeline_mode<synchronous>, transform_indices = @transform_6, window_bounds = array<i64: 128, 16>}]} {
    %eq3A = arith.constant 0 : i32
    %eq3A_0 = arith.cmpi eq, %arg0, %eq3A : i32
    %convert_element_type3A = arith.extui %eq3A_0 : i1 to i32
    %cond3A = arith.constant 0 : i32
    %cond3A_1 = arith.cmpi ne, %convert_element_type3A, %cond3A : i32
    scf.if %cond3A_1 {
      %broadcast_in_dim3A = arith.constant 0.000000e+00 : f32
      %broadcast_in_dim3A_309 = vector.broadcast %broadcast_in_dim3A : f32 to vector<128x128xf32>
      %swap3A_310 = arith.constant 0 : index
      %swap3A_311 = arith.constant 0 : index
      %swap3A_312 = vector.load %arg8[%swap3A_310, %swap3A_311] : memref<128x128xf32, #tpu.memory_space<vmem>>, vector<128x128xf32>
      tpu.vector_store %arg8[%swap3A_310, %swap3A_311], %broadcast_in_dim3A_309 {strides = array<i32>} : memref<128x128xf32, #tpu.memory_space<vmem>>, vector<128x128xf32>,
      %broadcast_in_dim3A_313 = arith.constant 0.000000e+00 : f32
      %broadcast_in_dim3A_314 = vector.broadcast %broadcast_in_dim3A_313 : f32 to vector<16x128x128xf32>
      %swap3A_315 = arith.constant 0 : index
      %swap3A_316 = arith.constant 0 : index
      %swap3A_317 = arith.constant 0 : index
      %swap3A_318 = vector.load %arg9[%swap3A_315, %swap3A_316, %swap3A_317] : memref<16x128x128xf32, #tpu.memory_space<vmem>>, vector<16x128x128xf32>
      tpu.vector_store %arg9[%swap3A_315, %swap3A_316, %swap3A_317], %broadcast_in_dim3A_314 {strides = array<i32>} : memref<16x128x128xf32, #tpu.memory_space<vmem>>, vector<16x128x128xf32>,
      %broadcast_in_dim3A_319 = arith.constant 0.000000e+00 : f32
      %broadcast_in_dim3A_320 = vector.broadcast %broadcast_in_dim3A_319 : f32 to vector<128x16xf32>
      %swap3A_321 = arith.constant 0 : index
      %swap3A_322 = arith.constant 0 : index
      %swap3A_323 = vector.load %arg10[%swap3A_321, %swap3A_322] : memref<128x16xf32, #tpu.memory_space<vmem>>, vector<128x16xf32>
      tpu.vector_store %arg10[%swap3A_321, %swap3A_322], %broadcast_in_dim3A_320 {strides = array<i32>} : memref<128x16xf32, #tpu.memory_space<vmem>>, vector<128x16xf32>,
    } else {
    }
    %get3A = arith.constant 0 : index
    %get3A_2 = arith.constant 0 : index
    %get3A_3 = vector.load %arg1[%get3A, %get3A_2] : memref<640x128xf32, #tpu.memory_space<vmem>>, vector<640x128xf32>
    %get3A_4 = arith.constant 0 : index
    %get3A_5 = arith.constant 0 : index
    %get3A_6 = vector.load %arg3[%get3A_4, %get3A_5] : memref<8x128xf32, #tpu.memory_space<vmem>>, vector<1x128xf32>
    %sub3A = vector.broadcast %get3A_6 : vector<1x128xf32> to vector<640x128xf32>
    %sub3A_7 = arith.subf %get3A_3, %sub3A : vector<640x128xf32>
    %exp3A = math.exp %sub3A_7 : vector<640x128xf32>
    %get3A_8 = arith.constant 0 : index
    %get3A_9 = arith.constant 0 : index
    %get3A_10 = vector.load %arg2[%get3A_8, %get3A_9] : memref<640x128xf32, #tpu.memory_space<vmem>>, vector<640x128xf32>
    %get3A_11 = arith.constant 0 : index
    %get3A_12 = arith.constant 0 : index
    %get3A_13 = vector.load %arg8[%get3A_11, %get3A_12] : memref<128x128xf32, #tpu.memory_space<vmem>>, vector<128x128xf32>
    %dot_general3A = arith.constant dense<0.000000e+00> : vector<128x128xf32>
    %dot_general3A_14 = tpu.matmul %exp3A, %get3A_10, %dot_general3A {dimension_numbers = #tpu.dot_dimension_numbers<[0], [0], [1], [1], [0, 1, 1, 1], [], []>, transpose_lhs_hint = false} : vector<640x128xf32>, vector<640x128xf32>, vector<128x128xf32> -> vector<128x128xf32>
    %add3A = arith.addf %get3A_13, %dot_general3A_14 : vector<128x128xf32>
    %swap3A = arith.constant 0 : index
    %swap3A_15 = arith.constant 0 : index
    %swap3A_16 = vector.load %arg8[%swap3A, %swap3A_15] : memref<128x128xf32, #tpu.memory_space<vmem>>, vector<128x128xf32>
    tpu.vector_store %arg8[%swap3A, %swap3A_15], %add3A {strides = array<i32>} : memref<128x128xf32, #tpu.memory_space<vmem>>, vector<128x128xf32>,
    %get3A_17 = arith.constant 0 : index
    %get3A_18 = arith.constant 0 : index
    %get3A_19 = vector.load %arg4[%get3A_17, %get3A_18] : memref<640x1xi32, #tpu.memory_space<vmem>>, vector<640x1xi32>
    %iota3A = tpu.iota {dimensions = array<i32: 1>} : vector<1x16xi32>
    %eq3A_20 = vector.broadcast %get3A_19 : vector<640x1xi32> to vector<640x16xi32>
    %eq3A_21 = vector.broadcast %iota3A : vector<1x16xi32> to vector<640x16xi32>
    %eq3A_22 = arith.cmpi eq, %eq3A_20, %eq3A_21 : vector<640x16xi32>
    %convert_element_type3A_23 = arith.extui %eq3A_22 : vector<640x16xi1> to vector<640x16xi32>
    %convert_element_type3A_24 = arith.sitofp %convert_element_type3A_23 : vector<640x16xi32> to vector<640x16xf32>
    %get3A_25 = arith.constant 0 : index
    %get3A_26 = arith.constant 0 : index
    %get3A_27 = vector.load %arg10[%get3A_25, %get3A_26] : memref<128x16xf32, #tpu.memory_space<vmem>>, vector<128x16xf32>
    %dot_general3A_28 = arith.constant dense<0.000000e+00> : vector<128x16xf32>
    %dot_general3A_29 = tpu.matmul %exp3A, %convert_element_type3A_24, %dot_general3A_28 {dimension_numbers = #tpu.dot_dimension_numbers<[0], [0], [1], [1], [0, 1, 1, 1], [], []>, transpose_lhs_hint = false} : vector<640x128xf32>, vector<640x16xf32>, vector<128x16xf32> -> vector<128x16xf32>
    %add3A_30 = arith.addf %get3A_27, %dot_general3A_29 : vector<128x16xf32>
    %swap3A_31 = arith.constant 0 : index
    %swap3A_32 = arith.constant 0 : index
    %swap3A_33 = vector.load %arg10[%swap3A_31, %swap3A_32] : memref<128x16xf32, #tpu.memory_space<vmem>>, vector<128x16xf32>
    tpu.vector_store %arg10[%swap3A_31, %swap3A_32], %add3A_30 {strides = array<i32>} : memref<128x16xf32, #tpu.memory_space<vmem>>, vector<128x16xf32>,
    %slice3A = vector.extract_strided_slice %convert_element_type3A_24 {offsets = [0, 0], sizes = [640, 1], strides = [1, 1]} : vector<640x16xf32> to vector<640x1xf32>
    %mul3A = vector.broadcast %slice3A : vector<640x1xf32> to vector<640x128xf32>
    %mul3A_34 = arith.mulf %exp3A, %mul3A : vector<640x128xf32>
    %get3A_35 = arith.constant 0 : index
    %get3A_36 = arith.constant 0 : index
    %get3A_37 = arith.constant 0 : index
    %get3A_38 = vector.load %arg9[%get3A_35, %get3A_36, %get3A_37] : memref<16x128x128xf32, #tpu.memory_space<vmem>>, vector<1x128x128xf32>
    %get3A_39 = vector.shape_cast %get3A_38 : vector<1x128x128xf32> to vector<128x128xf32>
    %dot_general3A_40 = arith.constant dense<0.000000e+00> : vector<128x128xf32>
    %dot_general3A_41 = tpu.matmul %mul3A_34, %get3A_10, %dot_general3A_40 {dimension_numbers = #tpu.dot_dimension_numbers<[0], [0], [1], [1], [0, 1, 1, 1], [], []>, transpose_lhs_hint = false} : vector<640x128xf32>, vector<640x128xf32>, vector<128x128xf32> -> vector<128x128xf32>
    %add3A_42 = arith.addf %get3A_39, %dot_general3A_41 : vector<128x128xf32>
    %swap3A_43 = arith.constant 0 : index
    %swap3A_44 = arith.constant 0 : index
    %swap3A_45 = arith.constant 0 : index
    %swap3A_46 = vector.load %arg9[%swap3A_43, %swap3A_44, %swap3A_45] : memref<16x128x128xf32, #tpu.memory_space<vmem>>, vector<1x128x128xf32>
    %swap3A_47 = vector.shape_cast %swap3A_46 : vector<1x128x128xf32> to vector<128x128xf32>
    %swap3A_48 = vector.shape_cast %add3A_42 : vector<128x128xf32> to vector<1x128x128xf32>
    tpu.vector_store %arg9[%swap3A_43, %swap3A_44, %swap3A_45], %swap3A_48 {strides = array<i32>} : memref<16x128x128xf32, #tpu.memory_space<vmem>>, vector<1x128x128xf32>,
    %slice3A_49 = vector.extract_strided_slice %convert_element_type3A_24 {offsets = [0, 1], sizes = [640, 1], strides = [1, 1]} : vector<640x16xf32> to vector<640x1xf32>
    %mul3A_50 = vector.broadcast %slice3A_49 : vector<640x1xf32> to vector<640x128xf32>
    %mul3A_51 = arith.mulf %exp3A, %mul3A_50 : vector<640x128xf32>
    %get3A_52 = arith.constant 1 : index
    %get3A_53 = arith.constant 0 : index
    %get3A_54 = arith.constant 0 : index
    %get3A_55 = vector.load %arg9[%get3A_52, %get3A_53, %get3A_54] : memref<16x128x128xf32, #tpu.memory_space<vmem>>, vector<1x128x128xf32>
    %get3A_56 = vector.shape_cast %get3A_55 : vector<1x128x128xf32> to vector<128x128xf32>
    %dot_general3A_57 = arith.constant dense<0.000000e+00> : vector<128x128xf32>
    %dot_general3A_58 = tpu.matmul %mul3A_51, %get3A_10, %dot_general3A_57 {dimension_numbers = #tpu.dot_dimension_numbers<[0], [0], [1], [1], [0, 1, 1, 1], [], []>, transpose_lhs_hint = false} : vector<640x128xf32>, vector<640x128xf32>, vector<128x128xf32> -> vector<128x128xf32>
    %add3A_59 = arith.addf %get3A_56, %dot_general3A_58 : vector<128x128xf32>
    %swap3A_60 = arith.constant 1 : index
    %swap3A_61 = arith.constant 0 : index
    %swap3A_62 = arith.constant 0 : index
    %swap3A_63 = vector.load %arg9[%swap3A_60, %swap3A_61, %swap3A_62] : memref<16x128x128xf32, #tpu.memory_space<vmem>>, vector<1x128x128xf32>
    %swap3A_64 = vector.shape_cast %swap3A_63 : vector<1x128x128xf32> to vector<128x128xf32>
    %swap3A_65 = vector.shape_cast %add3A_59 : vector<128x128xf32> to vector<1x128x128xf32>
    tpu.vector_store %arg9[%swap3A_60, %swap3A_61, %swap3A_62], %swap3A_65 {strides = array<i32>} : memref<16x128x128xf32, #tpu.memory_space<vmem>>, vector<1x128x128xf32>,
    %slice3A_66 = vector.extract_strided_slice %convert_element_type3A_24 {offsets = [0, 2], sizes = [640, 1], strides = [1, 1]} : vector<640x16xf32> to vector<640x1xf32>
    %mul3A_67 = vector.broadcast %slice3A_66 : vector<640x1xf32> to vector<640x128xf32>
    %mul3A_68 = arith.mulf %exp3A, %mul3A_67 : vector<640x128xf32>
    %get3A_69 = arith.constant 2 : index
    %get3A_70 = arith.constant 0 : index
    %get3A_71 = arith.constant 0 : index
    %get3A_72 = vector.load %arg9[%get3A_69, %get3A_70, %get3A_71] : memref<16x128x128xf32, #tpu.memory_space<vmem>>, vector<1x128x128xf32>
    %get3A_73 = vector.shape_cast %get3A_72 : vector<1x128x128xf32> to vector<128x128xf32>
    %dot_general3A_74 = arith.constant dense<0.000000e+00> : vector<128x128xf32>
    %dot_general3A_75 = tpu.matmul %mul3A_68, %get3A_10, %dot_general3A_74 {dimension_numbers = #tpu.dot_dimension_numbers<[0], [0], [1], [1], [0, 1, 1, 1], [], []>, transpose_lhs_hint = false} : vector<640x128xf32>, vector<640x128xf32>, vector<128x128xf32> -> vector<128x128xf32>
    %add3A_76 = arith.addf %get3A_73, %dot_general3A_75 : vector<128x128xf32>
    %swap3A_77 = arith.constant 2 : index
    %swap3A_78 = arith.constant 0 : index
    %swap3A_79 = arith.constant 0 : index
    %swap3A_80 = vector.load %arg9[%swap3A_77, %swap3A_78, %swap3A_79] : memref<16x128x128xf32, #tpu.memory_space<vmem>>, vector<1x128x128xf32>
    %swap3A_81 = vector.shape_cast %swap3A_80 : vector<1x128x128xf32> to vector<128x128xf32>
    %swap3A_82 = vector.shape_cast %add3A_76 : vector<128x128xf32> to vector<1x128x128xf32>
    tpu.vector_store %arg9[%swap3A_77, %swap3A_78, %swap3A_79], %swap3A_82 {strides = array<i32>} : memref<16x128x128xf32, #tpu.memory_space<vmem>>, vector<1x128x128xf32>,
    %slice3A_83 = vector.extract_strided_slice %convert_element_type3A_24 {offsets = [0, 3], sizes = [640, 1], strides = [1, 1]} : vector<640x16xf32> to vector<640x1xf32>
    %mul3A_84 = vector.broadcast %slice3A_83 : vector<640x1xf32> to vector<640x128xf32>
    %mul3A_85 = arith.mulf %exp3A, %mul3A_84 : vector<640x128xf32>
    %get3A_86 = arith.constant 3 : index
    %get3A_87 = arith.constant 0 : index
    %get3A_88 = arith.constant 0 : index
    %get3A_89 = vector.load %arg9[%get3A_86, %get3A_87, %get3A_88] : memref<16x128x128xf32, #tpu.memory_space<vmem>>, vector<1x128x128xf32>
    %get3A_90 = vector.shape_cast %get3A_89 : vector<1x128x128xf32> to vector<128x128xf32>
    %dot_general3A_91 = arith.constant dense<0.000000e+00> : vector<128x128xf32>
    %dot_general3A_92 = tpu.matmul %mul3A_85, %get3A_10, %dot_general3A_91 {dimension_numbers = #tpu.dot_dimension_numbers<[0], [0], [1], [1], [0, 1, 1, 1], [], []>, transpose_lhs_hint = false} : vector<640x128xf32>, vector<640x128xf32>, vector<128x128xf32> -> vector<128x128xf32>
    %add3A_93 = arith.addf %get3A_90, %dot_general3A_92 : vector<128x128xf32>
    %swap3A_94 = arith.constant 3 : index
    %swap3A_95 = arith.constant 0 : index
    %swap3A_96 = arith.constant 0 : index
    %swap3A_97 = vector.load %arg9[%swap3A_94, %swap3A_95, %swap3A_96] : memref<16x128x128xf32, #tpu.memory_space<vmem>>, vector<1x128x128xf32>
    %swap3A_98 = vector.shape_cast %swap3A_97 : vector<1x128x128xf32> to vector<128x128xf32>
    %swap3A_99 = vector.shape_cast %add3A_93 : vector<128x128xf32> to vector<1x128x128xf32>
    tpu.vector_store %arg9[%swap3A_94, %swap3A_95, %swap3A_96], %swap3A_99 {strides = array<i32>} : memref<16x128x128xf32, #tpu.memory_space<vmem>>, vector<1x128x128xf32>,
    %slice3A_100 = vector.extract_strided_slice %convert_element_type3A_24 {offsets = [0, 4], sizes = [640, 1], strides = [1, 1]} : vector<640x16xf32> to vector<640x1xf32>
    %mul3A_101 = vector.broadcast %slice3A_100 : vector<640x1xf32> to vector<640x128xf32>
    %mul3A_102 = arith.mulf %exp3A, %mul3A_101 : vector<640x128xf32>
    %get3A_103 = arith.constant 4 : index
    %get3A_104 = arith.constant 0 : index
    %get3A_105 = arith.constant 0 : index
    %get3A_106 = vector.load %arg9[%get3A_103, %get3A_104, %get3A_105] : memref<16x128x128xf32, #tpu.memory_space<vmem>>, vector<1x128x128xf32>
    %get3A_107 = vector.shape_cast %get3A_106 : vector<1x128x128xf32> to vector<128x128xf32>
    %dot_general3A_108 = arith.constant dense<0.000000e+00> : vector<128x128xf32>
    %dot_general3A_109 = tpu.matmul %mul3A_102, %get3A_10, %dot_general3A_108 {dimension_numbers = #tpu.dot_dimension_numbers<[0], [0], [1], [1], [0, 1, 1, 1], [], []>, transpose_lhs_hint = false} : vector<640x128xf32>, vector<640x128xf32>, vector<128x128xf32> -> vector<128x128xf32>
    %add3A_110 = arith.addf %get3A_107, %dot_general3A_109 : vector<128x128xf32>
    %swap3A_111 = arith.constant 4 : index
    %swap3A_112 = arith.constant 0 : index
    %swap3A_113 = arith.constant 0 : index
    %swap3A_114 = vector.load %arg9[%swap3A_111, %swap3A_112, %swap3A_113] : memref<16x128x128xf32, #tpu.memory_space<vmem>>, vector<1x128x128xf32>
    %swap3A_115 = vector.shape_cast %swap3A_114 : vector<1x128x128xf32> to vector<128x128xf32>
    %swap3A_116 = vector.shape_cast %add3A_110 : vector<128x128xf32> to vector<1x128x128xf32>
    tpu.vector_store %arg9[%swap3A_111, %swap3A_112, %swap3A_113], %swap3A_116 {strides = array<i32>} : memref<16x128x128xf32, #tpu.memory_space<vmem>>, vector<1x128x128xf32>,
    %slice3A_117 = vector.extract_strided_slice %convert_element_type3A_24 {offsets = [0, 5], sizes = [640, 1], strides = [1, 1]} : vector<640x16xf32> to vector<640x1xf32>
    %mul3A_118 = vector.broadcast %slice3A_117 : vector<640x1xf32> to vector<640x128xf32>
    %mul3A_119 = arith.mulf %exp3A, %mul3A_118 : vector<640x128xf32>
    %get3A_120 = arith.constant 5 : index
    %get3A_121 = arith.constant 0 : index
    %get3A_122 = arith.constant 0 : index
    %get3A_123 = vector.load %arg9[%get3A_120, %get3A_121, %get3A_122] : memref<16x128x128xf32, #tpu.memory_space<vmem>>, vector<1x128x128xf32>
    %get3A_124 = vector.shape_cast %get3A_123 : vector<1x128x128xf32> to vector<128x128xf32>
    %dot_general3A_125 = arith.constant dense<0.000000e+00> : vector<128x128xf32>
    %dot_general3A_126 = tpu.matmul %mul3A_119, %get3A_10, %dot_general3A_125 {dimension_numbers = #tpu.dot_dimension_numbers<[0], [0], [1], [1], [0, 1, 1, 1], [], []>, transpose_lhs_hint = false} : vector<640x128xf32>, vector<640x128xf32>, vector<128x128xf32> -> vector<128x128xf32>
    %add3A_127 = arith.addf %get3A_124, %dot_general3A_126 : vector<128x128xf32>
    %swap3A_128 = arith.constant 5 : index
    %swap3A_129 = arith.constant 0 : index
    %swap3A_130 = arith.constant 0 : index
    %swap3A_131 = vector.load %arg9[%swap3A_128, %swap3A_129, %swap3A_130] : memref<16x128x128xf32, #tpu.memory_space<vmem>>, vector<1x128x128xf32>
    %swap3A_132 = vector.shape_cast %swap3A_131 : vector<1x128x128xf32> to vector<128x128xf32>
    %swap3A_133 = vector.shape_cast %add3A_127 : vector<128x128xf32> to vector<1x128x128xf32>
    tpu.vector_store %arg9[%swap3A_128, %swap3A_129, %swap3A_130], %swap3A_133 {strides = array<i32>} : memref<16x128x128xf32, #tpu.memory_space<vmem>>, vector<1x128x128xf32>,
    %slice3A_134 = vector.extract_strided_slice %convert_element_type3A_24 {offsets = [0, 6], sizes = [640, 1], strides = [1, 1]} : vector<640x16xf32> to vector<640x1xf32>
    %mul3A_135 = vector.broadcast %slice3A_134 : vector<640x1xf32> to vector<640x128xf32>
    %mul3A_136 = arith.mulf %exp3A, %mul3A_135 : vector<640x128xf32>
    %get3A_137 = arith.constant 6 : index
    %get3A_138 = arith.constant 0 : index
    %get3A_139 = arith.constant 0 : index
    %get3A_140 = vector.load %arg9[%get3A_137, %get3A_138, %get3A_139] : memref<16x128x128xf32, #tpu.memory_space<vmem>>, vector<1x128x128xf32>
    %get3A_141 = vector.shape_cast %get3A_140 : vector<1x128x128xf32> to vector<128x128xf32>
    %dot_general3A_142 = arith.constant dense<0.000000e+00> : vector<128x128xf32>
    %dot_general3A_143 = tpu.matmul %mul3A_136, %get3A_10, %dot_general3A_142 {dimension_numbers = #tpu.dot_dimension_numbers<[0], [0], [1], [1], [0, 1, 1, 1], [], []>, transpose_lhs_hint = false} : vector<640x128xf32>, vector<640x128xf32>, vector<128x128xf32> -> vector<128x128xf32>
    %add3A_144 = arith.addf %get3A_141, %dot_general3A_143 : vector<128x128xf32>
    %swap3A_145 = arith.constant 6 : index
    %swap3A_146 = arith.constant 0 : index
    %swap3A_147 = arith.constant 0 : index
    %swap3A_148 = vector.load %arg9[%swap3A_145, %swap3A_146, %swap3A_147] : memref<16x128x128xf32, #tpu.memory_space<vmem>>, vector<1x128x128xf32>
    %swap3A_149 = vector.shape_cast %swap3A_148 : vector<1x128x128xf32> to vector<128x128xf32>
    %swap3A_150 = vector.shape_cast %add3A_144 : vector<128x128xf32> to vector<1x128x128xf32>
    tpu.vector_store %arg9[%swap3A_145, %swap3A_146, %swap3A_147], %swap3A_150 {strides = array<i32>} : memref<16x128x128xf32, #tpu.memory_space<vmem>>, vector<1x128x128xf32>,
    %slice3A_151 = vector.extract_strided_slice %convert_element_type3A_24 {offsets = [0, 7], sizes = [640, 1], strides = [1, 1]} : vector<640x16xf32> to vector<640x1xf32>
    %mul3A_152 = vector.broadcast %slice3A_151 : vector<640x1xf32> to vector<640x128xf32>
    %mul3A_153 = arith.mulf %exp3A, %mul3A_152 : vector<640x128xf32>
    %get3A_154 = arith.constant 7 : index
    %get3A_155 = arith.constant 0 : index
    %get3A_156 = arith.constant 0 : index
    %get3A_157 = vector.load %arg9[%get3A_154, %get3A_155, %get3A_156] : memref<16x128x128xf32, #tpu.memory_space<vmem>>, vector<1x128x128xf32>
    %get3A_158 = vector.shape_cast %get3A_157 : vector<1x128x128xf32> to vector<128x128xf32>
    %dot_general3A_159 = arith.constant dense<0.000000e+00> : vector<128x128xf32>
    %dot_general3A_160 = tpu.matmul %mul3A_153, %get3A_10, %dot_general3A_159 {dimension_numbers = #tpu.dot_dimension_numbers<[0], [0], [1], [1], [0, 1, 1, 1], [], []>, transpose_lhs_hint = false} : vector<640x128xf32>, vector<640x128xf32>, vector<128x128xf32> -> vector<128x128xf32>
    %add3A_161 = arith.addf %get3A_158, %dot_general3A_160 : vector<128x128xf32>
    %swap3A_162 = arith.constant 7 : index
    %swap3A_163 = arith.constant 0 : index
    %swap3A_164 = arith.constant 0 : index
    %swap3A_165 = vector.load %arg9[%swap3A_162, %swap3A_163, %swap3A_164] : memref<16x128x128xf32, #tpu.memory_space<vmem>>, vector<1x128x128xf32>
    %swap3A_166 = vector.shape_cast %swap3A_165 : vector<1x128x128xf32> to vector<128x128xf32>
    %swap3A_167 = vector.shape_cast %add3A_161 : vector<128x128xf32> to vector<1x128x128xf32>
    tpu.vector_store %arg9[%swap3A_162, %swap3A_163, %swap3A_164], %swap3A_167 {strides = array<i32>} : memref<16x128x128xf32, #tpu.memory_space<vmem>>, vector<1x128x128xf32>,
    %slice3A_168 = vector.extract_strided_slice %convert_element_type3A_24 {offsets = [0, 8], sizes = [640, 1], strides = [1, 1]} : vector<640x16xf32> to vector<640x1xf32>
    %mul3A_169 = vector.broadcast %slice3A_168 : vector<640x1xf32> to vector<640x128xf32>
    %mul3A_170 = arith.mulf %exp3A, %mul3A_169 : vector<640x128xf32>
    %get3A_171 = arith.constant 8 : index
    %get3A_172 = arith.constant 0 : index
    %get3A_173 = arith.constant 0 : index
    %get3A_174 = vector.load %arg9[%get3A_171, %get3A_172, %get3A_173] : memref<16x128x128xf32, #tpu.memory_space<vmem>>, vector<1x128x128xf32>
    %get3A_175 = vector.shape_cast %get3A_174 : vector<1x128x128xf32> to vector<128x128xf32>
    %dot_general3A_176 = arith.constant dense<0.000000e+00> : vector<128x128xf32>
    %dot_general3A_177 = tpu.matmul %mul3A_170, %get3A_10, %dot_general3A_176 {dimension_numbers = #tpu.dot_dimension_numbers<[0], [0], [1], [1], [0, 1, 1, 1], [], []>, transpose_lhs_hint = false} : vector<640x128xf32>, vector<640x128xf32>, vector<128x128xf32> -> vector<128x128xf32>
    %add3A_178 = arith.addf %get3A_175, %dot_general3A_177 : vector<128x128xf32>
    %swap3A_179 = arith.constant 8 : index
    %swap3A_180 = arith.constant 0 : index
    %swap3A_181 = arith.constant 0 : index
    %swap3A_182 = vector.load %arg9[%swap3A_179, %swap3A_180, %swap3A_181] : memref<16x128x128xf32, #tpu.memory_space<vmem>>, vector<1x128x128xf32>
    %swap3A_183 = vector.shape_cast %swap3A_182 : vector<1x128x128xf32> to vector<128x128xf32>
    %swap3A_184 = vector.shape_cast %add3A_178 : vector<128x128xf32> to vector<1x128x128xf32>
    tpu.vector_store %arg9[%swap3A_179, %swap3A_180, %swap3A_181], %swap3A_184 {strides = array<i32>} : memref<16x128x128xf32, #tpu.memory_space<vmem>>, vector<1x128x128xf32>,
    %slice3A_185 = vector.extract_strided_slice %convert_element_type3A_24 {offsets = [0, 9], sizes = [640, 1], strides = [1, 1]} : vector<640x16xf32> to vector<640x1xf32>
    %mul3A_186 = vector.broadcast %slice3A_185 : vector<640x1xf32> to vector<640x128xf32>
    %mul3A_187 = arith.mulf %exp3A, %mul3A_186 : vector<640x128xf32>
    %get3A_188 = arith.constant 9 : index
    %get3A_189 = arith.constant 0 : index
    %get3A_190 = arith.constant 0 : index
    %get3A_191 = vector.load %arg9[%get3A_188, %get3A_189, %get3A_190] : memref<16x128x128xf32, #tpu.memory_space<vmem>>, vector<1x128x128xf32>
    %get3A_192 = vector.shape_cast %get3A_191 : vector<1x128x128xf32> to vector<128x128xf32>
    %dot_general3A_193 = arith.constant dense<0.000000e+00> : vector<128x128xf32>
    %dot_general3A_194 = tpu.matmul %mul3A_187, %get3A_10, %dot_general3A_193 {dimension_numbers = #tpu.dot_dimension_numbers<[0], [0], [1], [1], [0, 1, 1, 1], [], []>, transpose_lhs_hint = false} : vector<640x128xf32>, vector<640x128xf32>, vector<128x128xf32> -> vector<128x128xf32>
    %add3A_195 = arith.addf %get3A_192, %dot_general3A_194 : vector<128x128xf32>
    %swap3A_196 = arith.constant 9 : index
    %swap3A_197 = arith.constant 0 : index
    %swap3A_198 = arith.constant 0 : index
    %swap3A_199 = vector.load %arg9[%swap3A_196, %swap3A_197, %swap3A_198] : memref<16x128x128xf32, #tpu.memory_space<vmem>>, vector<1x128x128xf32>
    %swap3A_200 = vector.shape_cast %swap3A_199 : vector<1x128x128xf32> to vector<128x128xf32>
    %swap3A_201 = vector.shape_cast %add3A_195 : vector<128x128xf32> to vector<1x128x128xf32>
    tpu.vector_store %arg9[%swap3A_196, %swap3A_197, %swap3A_198], %swap3A_201 {strides = array<i32>} : memref<16x128x128xf32, #tpu.memory_space<vmem>>, vector<1x128x128xf32>,
    %slice3A_202 = vector.extract_strided_slice %convert_element_type3A_24 {offsets = [0, 10], sizes = [640, 1], strides = [1, 1]} : vector<640x16xf32> to vector<640x1xf32>
    %mul3A_203 = vector.broadcast %slice3A_202 : vector<640x1xf32> to vector<640x128xf32>
    %mul3A_204 = arith.mulf %exp3A, %mul3A_203 : vector<640x128xf32>
    %get3A_205 = arith.constant 10 : index
    %get3A_206 = arith.constant 0 : index
    %get3A_207 = arith.constant 0 : index
    %get3A_208 = vector.load %arg9[%get3A_205, %get3A_206, %get3A_207] : memref<16x128x128xf32, #tpu.memory_space<vmem>>, vector<1x128x128xf32>
    %get3A_209 = vector.shape_cast %get3A_208 : vector<1x128x128xf32> to vector<128x128xf32>
    %dot_general3A_210 = arith.constant dense<0.000000e+00> : vector<128x128xf32>
    %dot_general3A_211 = tpu.matmul %mul3A_204, %get3A_10, %dot_general3A_210 {dimension_numbers = #tpu.dot_dimension_numbers<[0], [0], [1], [1], [0, 1, 1, 1], [], []>, transpose_lhs_hint = false} : vector<640x128xf32>, vector<640x128xf32>, vector<128x128xf32> -> vector<128x128xf32>
    %add3A_212 = arith.addf %get3A_209, %dot_general3A_211 : vector<128x128xf32>
    %swap3A_213 = arith.constant 10 : index
    %swap3A_214 = arith.constant 0 : index
    %swap3A_215 = arith.constant 0 : index
    %swap3A_216 = vector.load %arg9[%swap3A_213, %swap3A_214, %swap3A_215] : memref<16x128x128xf32, #tpu.memory_space<vmem>>, vector<1x128x128xf32>
    %swap3A_217 = vector.shape_cast %swap3A_216 : vector<1x128x128xf32> to vector<128x128xf32>
    %swap3A_218 = vector.shape_cast %add3A_212 : vector<128x128xf32> to vector<1x128x128xf32>
    tpu.vector_store %arg9[%swap3A_213, %swap3A_214, %swap3A_215], %swap3A_218 {strides = array<i32>} : memref<16x128x128xf32, #tpu.memory_space<vmem>>, vector<1x128x128xf32>,
    %slice3A_219 = vector.extract_strided_slice %convert_element_type3A_24 {offsets = [0, 11], sizes = [640, 1], strides = [1, 1]} : vector<640x16xf32> to vector<640x1xf32>
    %mul3A_220 = vector.broadcast %slice3A_219 : vector<640x1xf32> to vector<640x128xf32>
    %mul3A_221 = arith.mulf %exp3A, %mul3A_220 : vector<640x128xf32>
    %get3A_222 = arith.constant 11 : index
    %get3A_223 = arith.constant 0 : index
    %get3A_224 = arith.constant 0 : index
    %get3A_225 = vector.load %arg9[%get3A_222, %get3A_223, %get3A_224] : memref<16x128x128xf32, #tpu.memory_space<vmem>>, vector<1x128x128xf32>
    %get3A_226 = vector.shape_cast %get3A_225 : vector<1x128x128xf32> to vector<128x128xf32>
    %dot_general3A_227 = arith.constant dense<0.000000e+00> : vector<128x128xf32>
    %dot_general3A_228 = tpu.matmul %mul3A_221, %get3A_10, %dot_general3A_227 {dimension_numbers = #tpu.dot_dimension_numbers<[0], [0], [1], [1], [0, 1, 1, 1], [], []>, transpose_lhs_hint = false} : vector<640x128xf32>, vector<640x128xf32>, vector<128x128xf32> -> vector<128x128xf32>
    %add3A_229 = arith.addf %get3A_226, %dot_general3A_228 : vector<128x128xf32>
    %swap3A_230 = arith.constant 11 : index
    %swap3A_231 = arith.constant 0 : index
    %swap3A_232 = arith.constant 0 : index
    %swap3A_233 = vector.load %arg9[%swap3A_230, %swap3A_231, %swap3A_232] : memref<16x128x128xf32, #tpu.memory_space<vmem>>, vector<1x128x128xf32>
    %swap3A_234 = vector.shape_cast %swap3A_233 : vector<1x128x128xf32> to vector<128x128xf32>
    %swap3A_235 = vector.shape_cast %add3A_229 : vector<128x128xf32> to vector<1x128x128xf32>
    tpu.vector_store %arg9[%swap3A_230, %swap3A_231, %swap3A_232], %swap3A_235 {strides = array<i32>} : memref<16x128x128xf32, #tpu.memory_space<vmem>>, vector<1x128x128xf32>,
    %slice3A_236 = vector.extract_strided_slice %convert_element_type3A_24 {offsets = [0, 12], sizes = [640, 1], strides = [1, 1]} : vector<640x16xf32> to vector<640x1xf32>
    %mul3A_237 = vector.broadcast %slice3A_236 : vector<640x1xf32> to vector<640x128xf32>
    %mul3A_238 = arith.mulf %exp3A, %mul3A_237 : vector<640x128xf32>
    %get3A_239 = arith.constant 12 : index
    %get3A_240 = arith.constant 0 : index
    %get3A_241 = arith.constant 0 : index
    %get3A_242 = vector.load %arg9[%get3A_239, %get3A_240, %get3A_241] : memref<16x128x128xf32, #tpu.memory_space<vmem>>, vector<1x128x128xf32>
    %get3A_243 = vector.shape_cast %get3A_242 : vector<1x128x128xf32> to vector<128x128xf32>
    %dot_general3A_244 = arith.constant dense<0.000000e+00> : vector<128x128xf32>
    %dot_general3A_245 = tpu.matmul %mul3A_238, %get3A_10, %dot_general3A_244 {dimension_numbers = #tpu.dot_dimension_numbers<[0], [0], [1], [1], [0, 1, 1, 1], [], []>, transpose_lhs_hint = false} : vector<640x128xf32>, vector<640x128xf32>, vector<128x128xf32> -> vector<128x128xf32>
    %add3A_246 = arith.addf %get3A_243, %dot_general3A_245 : vector<128x128xf32>
    %swap3A_247 = arith.constant 12 : index
    %swap3A_248 = arith.constant 0 : index
    %swap3A_249 = arith.constant 0 : index
    %swap3A_250 = vector.load %arg9[%swap3A_247, %swap3A_248, %swap3A_249] : memref<16x128x128xf32, #tpu.memory_space<vmem>>, vector<1x128x128xf32>
    %swap3A_251 = vector.shape_cast %swap3A_250 : vector<1x128x128xf32> to vector<128x128xf32>
    %swap3A_252 = vector.shape_cast %add3A_246 : vector<128x128xf32> to vector<1x128x128xf32>
    tpu.vector_store %arg9[%swap3A_247, %swap3A_248, %swap3A_249], %swap3A_252 {strides = array<i32>} : memref<16x128x128xf32, #tpu.memory_space<vmem>>, vector<1x128x128xf32>,
    %slice3A_253 = vector.extract_strided_slice %convert_element_type3A_24 {offsets = [0, 13], sizes = [640, 1], strides = [1, 1]} : vector<640x16xf32> to vector<640x1xf32>
    %mul3A_254 = vector.broadcast %slice3A_253 : vector<640x1xf32> to vector<640x128xf32>
    %mul3A_255 = arith.mulf %exp3A, %mul3A_254 : vector<640x128xf32>
    %get3A_256 = arith.constant 13 : index
    %get3A_257 = arith.constant 0 : index
    %get3A_258 = arith.constant 0 : index
    %get3A_259 = vector.load %arg9[%get3A_256, %get3A_257, %get3A_258] : memref<16x128x128xf32, #tpu.memory_space<vmem>>, vector<1x128x128xf32>
    %get3A_260 = vector.shape_cast %get3A_259 : vector<1x128x128xf32> to vector<128x128xf32>
    %dot_general3A_261 = arith.constant dense<0.000000e+00> : vector<128x128xf32>
    %dot_general3A_262 = tpu.matmul %mul3A_255, %get3A_10, %dot_general3A_261 {dimension_numbers = #tpu.dot_dimension_numbers<[0], [0], [1], [1], [0, 1, 1, 1], [], []>, transpose_lhs_hint = false} : vector<640x128xf32>, vector<640x128xf32>, vector<128x128xf32> -> vector<128x128xf32>
    %add3A_263 = arith.addf %get3A_260, %dot_general3A_262 : vector<128x128xf32>
    %swap3A_264 = arith.constant 13 : index
    %swap3A_265 = arith.constant 0 : index
    %swap3A_266 = arith.constant 0 : index
    %swap3A_267 = vector.load %arg9[%swap3A_264, %swap3A_265, %swap3A_266] : memref<16x128x128xf32, #tpu.memory_space<vmem>>, vector<1x128x128xf32>
    %swap3A_268 = vector.shape_cast %swap3A_267 : vector<1x128x128xf32> to vector<128x128xf32>
    %swap3A_269 = vector.shape_cast %add3A_263 : vector<128x128xf32> to vector<1x128x128xf32>
    tpu.vector_store %arg9[%swap3A_264, %swap3A_265, %swap3A_266], %swap3A_269 {strides = array<i32>} : memref<16x128x128xf32, #tpu.memory_space<vmem>>, vector<1x128x128xf32>,
    %slice3A_270 = vector.extract_strided_slice %convert_element_type3A_24 {offsets = [0, 14], sizes = [640, 1], strides = [1, 1]} : vector<640x16xf32> to vector<640x1xf32>
    %mul3A_271 = vector.broadcast %slice3A_270 : vector<640x1xf32> to vector<640x128xf32>
    %mul3A_272 = arith.mulf %exp3A, %mul3A_271 : vector<640x128xf32>
    %get3A_273 = arith.constant 14 : index
    %get3A_274 = arith.constant 0 : index
    %get3A_275 = arith.constant 0 : index
    %get3A_276 = vector.load %arg9[%get3A_273, %get3A_274, %get3A_275] : memref<16x128x128xf32, #tpu.memory_space<vmem>>, vector<1x128x128xf32>
    %get3A_277 = vector.shape_cast %get3A_276 : vector<1x128x128xf32> to vector<128x128xf32>
    %dot_general3A_278 = arith.constant dense<0.000000e+00> : vector<128x128xf32>
    %dot_general3A_279 = tpu.matmul %mul3A_272, %get3A_10, %dot_general3A_278 {dimension_numbers = #tpu.dot_dimension_numbers<[0], [0], [1], [1], [0, 1, 1, 1], [], []>, transpose_lhs_hint = false} : vector<640x128xf32>, vector<640x128xf32>, vector<128x128xf32> -> vector<128x128xf32>
    %add3A_280 = arith.addf %get3A_277, %dot_general3A_279 : vector<128x128xf32>
    %swap3A_281 = arith.constant 14 : index
    %swap3A_282 = arith.constant 0 : index
    %swap3A_283 = arith.constant 0 : index
    %swap3A_284 = vector.load %arg9[%swap3A_281, %swap3A_282, %swap3A_283] : memref<16x128x128xf32, #tpu.memory_space<vmem>>, vector<1x128x128xf32>
    %swap3A_285 = vector.shape_cast %swap3A_284 : vector<1x128x128xf32> to vector<128x128xf32>
    %swap3A_286 = vector.shape_cast %add3A_280 : vector<128x128xf32> to vector<1x128x128xf32>
    tpu.vector_store %arg9[%swap3A_281, %swap3A_282, %swap3A_283], %swap3A_286 {strides = array<i32>} : memref<16x128x128xf32, #tpu.memory_space<vmem>>, vector<1x128x128xf32>,
    %slice3A_287 = vector.extract_strided_slice %convert_element_type3A_24 {offsets = [0, 15], sizes = [640, 1], strides = [1, 1]} : vector<640x16xf32> to vector<640x1xf32>
    %mul3A_288 = vector.broadcast %slice3A_287 : vector<640x1xf32> to vector<640x128xf32>
    %mul3A_289 = arith.mulf %exp3A, %mul3A_288 : vector<640x128xf32>
    %get3A_290 = arith.constant 15 : index
    %get3A_291 = arith.constant 0 : index
    %get3A_292 = arith.constant 0 : index
    %get3A_293 = vector.load %arg9[%get3A_290, %get3A_291, %get3A_292] : memref<16x128x128xf32, #tpu.memory_space<vmem>>, vector<1x128x128xf32>
    %get3A_294 = vector.shape_cast %get3A_293 : vector<1x128x128xf32> to vector<128x128xf32>
    %dot_general3A_295 = arith.constant dense<0.000000e+00> : vector<128x128xf32>
    %dot_general3A_296 = tpu.matmul %mul3A_289, %get3A_10, %dot_general3A_295 {dimension_numbers = #tpu.dot_dimension_numbers<[0], [0], [1], [1], [0, 1, 1, 1], [], []>, transpose_lhs_hint = false} : vector<640x128xf32>, vector<640x128xf32>, vector<128x128xf32> -> vector<128x128xf32>
    %add3A_297 = arith.addf %get3A_294, %dot_general3A_296 : vector<128x128xf32>
    %swap3A_298 = arith.constant 15 : index
    %swap3A_299 = arith.constant 0 : index
    %swap3A_300 = arith.constant 0 : index
    %swap3A_301 = vector.load %arg9[%swap3A_298, %swap3A_299, %swap3A_300] : memref<16x128x128xf32, #tpu.memory_space<vmem>>, vector<1x128x128xf32>
    %swap3A_302 = vector.shape_cast %swap3A_301 : vector<1x128x128xf32> to vector<128x128xf32>
    %swap3A_303 = vector.shape_cast %add3A_297 : vector<128x128xf32> to vector<1x128x128xf32>
    tpu.vector_store %arg9[%swap3A_298, %swap3A_299, %swap3A_300], %swap3A_303 {strides = array<i32>} : memref<16x128x128xf32, #tpu.memory_space<vmem>>, vector<1x128x128xf32>,
    %eq3A_304 = arith.constant 15 : i32
    %eq3A_305 = arith.cmpi eq, %arg0, %eq3A_304 : i32
    %convert_element_type3A_306 = arith.extui %eq3A_305 : i1 to i32
    %cond3A_307 = arith.constant 0 : i32
    %cond3A_308 = arith.cmpi ne, %convert_element_type3A_306, %cond3A_307 : i32
    scf.if %cond3A_308 {
      %get3A_309 = arith.constant 0 : index
      %get3A_310 = arith.constant 0 : index
      %get3A_311 = vector.load %arg10[%get3A_309, %get3A_310] : memref<128x16xf32, #tpu.memory_space<vmem>>, vector<128x16xf32>
      %reduce_sum3A = arith.constant dense<0.000000e+00> : vector<128xf32>
      %reduce_sum3A_312 = vector.multi_reduction <add>, %get3A_311, %reduce_sum3A [1] : vector<128x16xf32> to vector<128xf32>
      %broadcast_in_dim3A = vector.shape_cast %reduce_sum3A_312 : vector<128xf32> to vector<128x1xf32>
      %get3A_313 = arith.constant 0 : index
      %get3A_314 = arith.constant 0 : index
      %get3A_315 = vector.load %arg10[%get3A_313, %get3A_314] : memref<128x16xf32, #tpu.memory_space<vmem>>, vector<128x16xf32>
      %sub3A_316 = vector.broadcast %broadcast_in_dim3A : vector<128x1xf32> to vector<128x16xf32>
      %sub3A_317 = arith.subf %sub3A_316, %get3A_315 : vector<128x16xf32>
      %div3A = arith.constant 1.000000e+00 : f32
      %div3A_318 = vector.broadcast %div3A : f32 to vector<128x16xf32>
      %div3A_319 = arith.divf %div3A_318, %sub3A_317 : vector<128x16xf32>
      %swap3A_320 = arith.constant 0 : index
      %swap3A_321 = arith.constant 0 : index
      %swap3A_322 = vector.load %arg7[%swap3A_320, %swap3A_321] : memref<128x16xf32, #tpu.memory_space<vmem>>, vector<128x16xf32>
      tpu.vector_store %arg7[%swap3A_320, %swap3A_321], %div3A_319 {strides = array<i32>} : memref<128x16xf32, #tpu.memory_space<vmem>>, vector<128x16xf32>,
      %get3A_323 = arith.constant 0 : index
      %get3A_324 = arith.constant 0 : index
      %get3A_325 = vector.load %arg8[%get3A_323, %get3A_324] : memref<128x128xf32, #tpu.memory_space<vmem>>, vector<128x128xf32>
      %swap3A_326 = arith.constant 0 : index
      %swap3A_327 = arith.constant 0 : index
      %swap3A_328 = vector.load %arg5[%swap3A_326, %swap3A_327] : memref<128x128xf32, #tpu.memory_space<vmem>>, vector<128x128xf32>
      tpu.vector_store %arg5[%swap3A_326, %swap3A_327], %get3A_325 {strides = array<i32>} : memref<128x128xf32, #tpu.memory_space<vmem>>, vector<128x128xf32>,
      %get3A_329 = arith.constant 0 : index
      %get3A_330 = arith.constant 0 : index
      %get3A_331 = arith.constant 0 : index
      %get3A_332 = vector.load %arg9[%get3A_329, %get3A_330, %get3A_331] : memref<16x128x128xf32, #tpu.memory_space<vmem>>, vector<16x128x128xf32>
      %swap3A_333 = arith.constant 0 : index
      %swap3A_334 = arith.constant 0 : index
      %swap3A_335 = arith.constant 0 : index
      %swap3A_336 = vector.load %arg6[%swap3A_333, %swap3A_334, %swap3A_335] : memref<16x128x128xf32, #tpu.memory_space<vmem>>, vector<16x128x128xf32>
      tpu.vector_store %arg6[%swap3A_333, %swap3A_334, %swap3A_335], %get3A_332 {strides = array<i32>} : memref<16x128x128xf32, #tpu.memory_space<vmem>>, vector<16x128x128xf32>,
    } else {
    }
    return
  }
  func.func @transform_0(%arg0: i32) -> (i32, i32) {
    %c0_i32 = arith.constant 0 : i32
    %c0_i32_0 = arith.constant 0 : i32
    return %arg0, %c0_i32 : i32, i32
  }
  func.func @transform_1(%arg0: i32) -> (i32, i32) {
    %c0_i32 = arith.constant 0 : i32
    %c0_i32_0 = arith.constant 0 : i32
    return %arg0, %c0_i32 : i32, i32
  }
  func.func @transform_2(%arg0: i32) -> (i32, i32) {
    %c0_i32 = arith.constant 0 : i32
    %c0_i32_0 = arith.constant 0 : i32
    %c0_i32_1 = arith.constant 0 : i32
    return %c0_i32, %c0_i32_0 : i32, i32
  }
  func.func @transform_3(%arg0: i32) -> (i32, i32) {
    %c0_i32 = arith.constant 0 : i32
    %c0_i32_0 = arith.constant 0 : i32
    return %arg0, %c0_i32 : i32, i32
  }
  func.func @transform_4(%arg0: i32) -> (i32, i32) {
    %c0_i32 = arith.constant 0 : i32
    %c0_i32_0 = arith.constant 0 : i32
    %c0_i32_1 = arith.constant 0 : i32
    return %c0_i32, %c0_i32_0 : i32, i32
  }
  func.func @transform_5(%arg0: i32) -> (i32, i32, i32) {
    %c0_i32 = arith.constant 0 : i32
    %c0_i32_0 = arith.constant 0 : i32
    %c0_i32_1 = arith.constant 0 : i32
    %c0_i32_2 = arith.constant 0 : i32
    return %c0_i32, %c0_i32_0, %c0_i32_1 : i32, i32, i32
  }
  func.func @transform_6(%arg0: i32) -> (i32, i32) {
    %c0_i32 = arith.constant 0 : i32
    %c0_i32_0 = arith.constant 0 : i32
    %c0_i32_1 = arith.constant 0 : i32
    return %c0_i32, %c0_i32_0 : i32, i32
  }
}

module attributes {stable_mosaic.version = 14 : i64} {
  func.func @body(%arg0: i32, %arg1: memref<8x128xf32, #tpu.memory_space<vmem>>, %arg2: memref<16x8x128xf32, #tpu.memory_space<vmem>>, %arg3: memref<8x16xf32, #tpu.memory_space<vmem>>, %arg4: memref<8x128x10xf32, #tpu.memory_space<vmem>>, %arg5: memref<1x10xf32, #tpu.memory_space<vmem>>, %arg6: memref<16x10xf32, #tpu.memory_space<vmem>>, %arg7: memref<16x10xf32, #tpu.memory_space<vmem>>) attributes {dimension_semantics = [#tpu.dimension_semantics<arbitrary>], iteration_bounds = array<i64: 16>, scalar_prefetch = 0 : i64, scratch_operands = 1 : i64, tpu.core_type = #tpu.core_type<tc>, window_params = [{transform_indices = @transform_0, window_bounds = array<i64: 8, 128>}, {transform_indices = @transform_1, window_bounds = array<i64: 16, 8, 128>}, {transform_indices = @transform_2, window_bounds = array<i64: 8, 16>}, {transform_indices = @transform_3, window_bounds = array<i64: 8, 128, 10>}, {pipeline_mode = #tpu.pipeline_mode<synchronous>, transform_indices = @transform_4, window_bounds = array<i64: 1, 10>}, {pipeline_mode = #tpu.pipeline_mode<synchronous>, transform_indices = @transform_5, window_bounds = array<i64: 16, 10>}]} {
    %eq3A = arith.constant 0 : i32
    %eq3A_0 = arith.cmpi eq, %arg0, %eq3A : i32
    %convert_element_type3A = arith.extui %eq3A_0 : i1 to i32
    %cond3A = arith.constant 0 : i32
    %cond3A_1 = arith.cmpi ne, %convert_element_type3A, %cond3A : i32
    scf.if %cond3A_1 {
      %broadcast_in_dim3A = arith.constant 0.000000e+00 : f32
      %broadcast_in_dim3A_253 = vector.broadcast %broadcast_in_dim3A : f32 to vector<16x10xf32>
      %swap3A_254 = arith.constant 0 : index
      %swap3A_255 = arith.constant 0 : index
      %swap3A_256 = vector.load %arg7[%swap3A_254, %swap3A_255] : memref<16x10xf32, #tpu.memory_space<vmem>>, vector<16x10xf32>
      tpu.vector_store %arg7[%swap3A_254, %swap3A_255], %broadcast_in_dim3A_253 {strides = array<i32>} : memref<16x10xf32, #tpu.memory_space<vmem>>, vector<16x10xf32>,
    } else {
    }
    %iota3A = tpu.iota {dimensions = array<i32: 0>} : vector<16x16xi32>
    %iota3A_2 = tpu.iota {dimensions = array<i32: 1>} : vector<16x16xi32>
    %eq3A_3 = arith.cmpi eq, %iota3A, %iota3A_2 : vector<16x16xi32>
    %convert_element_type3A_4 = arith.extui %eq3A_3 : vector<16x16xi1> to vector<16x16xi32>
    %convert_element_type3A_5 = arith.sitofp %convert_element_type3A_4 : vector<16x16xi32> to vector<16x16xf32>
    %get3A = arith.constant 0 : index
    %get3A_6 = arith.constant 0 : index
    %get3A_7 = vector.load %arg1[%get3A, %get3A_6] : memref<8x128xf32, #tpu.memory_space<vmem>>, vector<1x128xf32>
    %get3A_8 = arith.constant 0 : index
    %get3A_9 = arith.constant 0 : index
    %get3A_10 = arith.constant 0 : index
    %get3A_11 = vector.load %arg2[%get3A_8, %get3A_9, %get3A_10] : memref<16x8x128xf32, #tpu.memory_space<vmem>>, vector<16x1x128xf32>
    %get3A_12 = vector.shape_cast %get3A_11 : vector<16x1x128xf32> to vector<16x128xf32>
    %get3A_13 = arith.constant 0 : index
    %get3A_14 = arith.constant 0 : index
    %get3A_15 = vector.load %arg3[%get3A_13, %get3A_14] : memref<8x16xf32, #tpu.memory_space<vmem>>, vector<1x16xf32>
    %dot_general3A = arith.constant dense<0.000000e+00> : vector<16x1xf32>
    %dot_general3A_16 = tpu.matmul %convert_element_type3A_5, %get3A_15, %dot_general3A {dimension_numbers = #tpu.dot_dimension_numbers<[1], [1], [0], [0], [0, 0, 1, 0], [], []>, transpose_lhs_hint = false} : vector<16x16xf32>, vector<1x16xf32>, vector<16x1xf32> -> vector<16x1xf32>
    %sub3A = vector.broadcast %get3A_7 : vector<1x128xf32> to vector<16x128xf32>
    %sub3A_17 = arith.subf %sub3A, %get3A_12 : vector<16x128xf32>
    %mul3A = vector.broadcast %dot_general3A_16 : vector<16x1xf32> to vector<16x128xf32>
    %mul3A_18 = arith.mulf %sub3A_17, %mul3A : vector<16x128xf32>
    %get3A_19 = arith.constant 0 : index
    %get3A_20 = arith.constant 0 : index
    %get3A_21 = arith.constant 0 : index
    %get3A_22 = vector.load %arg4[%get3A_19, %get3A_20, %get3A_21] : memref<8x128x10xf32, #tpu.memory_space<vmem>>, vector<1x128x10xf32>
    %get3A_23 = vector.shape_cast %get3A_22 : vector<1x128x10xf32> to vector<128x10xf32>
    %get3A_24 = arith.constant 0 : index
    %get3A_25 = arith.constant 0 : index
    %get3A_26 = vector.load %arg7[%get3A_24, %get3A_25] : memref<16x10xf32, #tpu.memory_space<vmem>>, vector<16x10xf32>
    %dot_general3A_27 = arith.constant dense<0.000000e+00> : vector<16x10xf32>
    %dot_general3A_28 = tpu.matmul %mul3A_18, %get3A_23, %dot_general3A_27 {dimension_numbers = #tpu.dot_dimension_numbers<[1], [0], [0], [1], [0, 0, 1, 1], [], []>, transpose_lhs_hint = false} : vector<16x128xf32>, vector<128x10xf32>, vector<16x10xf32> -> vector<16x10xf32>
    %add3A = arith.addf %get3A_26, %dot_general3A_28 : vector<16x10xf32>
    %swap3A = arith.constant 0 : index
    %swap3A_29 = arith.constant 0 : index
    %swap3A_30 = vector.load %arg7[%swap3A, %swap3A_29] : memref<16x10xf32, #tpu.memory_space<vmem>>, vector<16x10xf32>
    tpu.vector_store %arg7[%swap3A, %swap3A_29], %add3A {strides = array<i32>} : memref<16x10xf32, #tpu.memory_space<vmem>>, vector<16x10xf32>,
    %get3A_31 = arith.constant 1 : index
    %get3A_32 = arith.constant 0 : index
    %get3A_33 = vector.load %arg1[%get3A_31, %get3A_32] : memref<8x128xf32, #tpu.memory_space<vmem>>, vector<1x128xf32>
    %get3A_34 = arith.constant 0 : index
    %get3A_35 = arith.constant 1 : index
    %get3A_36 = arith.constant 0 : index
    %get3A_37 = vector.load %arg2[%get3A_34, %get3A_35, %get3A_36] : memref<16x8x128xf32, #tpu.memory_space<vmem>>, vector<16x1x128xf32>
    %get3A_38 = vector.shape_cast %get3A_37 : vector<16x1x128xf32> to vector<16x128xf32>
    %get3A_39 = arith.constant 1 : index
    %get3A_40 = arith.constant 0 : index
    %get3A_41 = vector.load %arg3[%get3A_39, %get3A_40] : memref<8x16xf32, #tpu.memory_space<vmem>>, vector<1x16xf32>
    %dot_general3A_42 = arith.constant dense<0.000000e+00> : vector<16x1xf32>
    %dot_general3A_43 = tpu.matmul %convert_element_type3A_5, %get3A_41, %dot_general3A_42 {dimension_numbers = #tpu.dot_dimension_numbers<[1], [1], [0], [0], [0, 0, 1, 0], [], []>, transpose_lhs_hint = false} : vector<16x16xf32>, vector<1x16xf32>, vector<16x1xf32> -> vector<16x1xf32>
    %sub3A_44 = vector.broadcast %get3A_33 : vector<1x128xf32> to vector<16x128xf32>
    %sub3A_45 = arith.subf %sub3A_44, %get3A_38 : vector<16x128xf32>
    %mul3A_46 = vector.broadcast %dot_general3A_43 : vector<16x1xf32> to vector<16x128xf32>
    %mul3A_47 = arith.mulf %sub3A_45, %mul3A_46 : vector<16x128xf32>
    %get3A_48 = arith.constant 1 : index
    %get3A_49 = arith.constant 0 : index
    %get3A_50 = arith.constant 0 : index
    %get3A_51 = vector.load %arg4[%get3A_48, %get3A_49, %get3A_50] : memref<8x128x10xf32, #tpu.memory_space<vmem>>, vector<1x128x10xf32>
    %get3A_52 = vector.shape_cast %get3A_51 : vector<1x128x10xf32> to vector<128x10xf32>
    %get3A_53 = arith.constant 0 : index
    %get3A_54 = arith.constant 0 : index
    %get3A_55 = vector.load %arg7[%get3A_53, %get3A_54] : memref<16x10xf32, #tpu.memory_space<vmem>>, vector<16x10xf32>
    %dot_general3A_56 = arith.constant dense<0.000000e+00> : vector<16x10xf32>
    %dot_general3A_57 = tpu.matmul %mul3A_47, %get3A_52, %dot_general3A_56 {dimension_numbers = #tpu.dot_dimension_numbers<[1], [0], [0], [1], [0, 0, 1, 1], [], []>, transpose_lhs_hint = false} : vector<16x128xf32>, vector<128x10xf32>, vector<16x10xf32> -> vector<16x10xf32>
    %add3A_58 = arith.addf %get3A_55, %dot_general3A_57 : vector<16x10xf32>
    %swap3A_59 = arith.constant 0 : index
    %swap3A_60 = arith.constant 0 : index
    %swap3A_61 = vector.load %arg7[%swap3A_59, %swap3A_60] : memref<16x10xf32, #tpu.memory_space<vmem>>, vector<16x10xf32>
    tpu.vector_store %arg7[%swap3A_59, %swap3A_60], %add3A_58 {strides = array<i32>} : memref<16x10xf32, #tpu.memory_space<vmem>>, vector<16x10xf32>,
    %get3A_62 = arith.constant 2 : index
    %get3A_63 = arith.constant 0 : index
    %get3A_64 = vector.load %arg1[%get3A_62, %get3A_63] : memref<8x128xf32, #tpu.memory_space<vmem>>, vector<1x128xf32>
    %get3A_65 = arith.constant 0 : index
    %get3A_66 = arith.constant 2 : index
    %get3A_67 = arith.constant 0 : index
    %get3A_68 = vector.load %arg2[%get3A_65, %get3A_66, %get3A_67] : memref<16x8x128xf32, #tpu.memory_space<vmem>>, vector<16x1x128xf32>
    %get3A_69 = vector.shape_cast %get3A_68 : vector<16x1x128xf32> to vector<16x128xf32>
    %get3A_70 = arith.constant 2 : index
    %get3A_71 = arith.constant 0 : index
    %get3A_72 = vector.load %arg3[%get3A_70, %get3A_71] : memref<8x16xf32, #tpu.memory_space<vmem>>, vector<1x16xf32>
    %dot_general3A_73 = arith.constant dense<0.000000e+00> : vector<16x1xf32>
    %dot_general3A_74 = tpu.matmul %convert_element_type3A_5, %get3A_72, %dot_general3A_73 {dimension_numbers = #tpu.dot_dimension_numbers<[1], [1], [0], [0], [0, 0, 1, 0], [], []>, transpose_lhs_hint = false} : vector<16x16xf32>, vector<1x16xf32>, vector<16x1xf32> -> vector<16x1xf32>
    %sub3A_75 = vector.broadcast %get3A_64 : vector<1x128xf32> to vector<16x128xf32>
    %sub3A_76 = arith.subf %sub3A_75, %get3A_69 : vector<16x128xf32>
    %mul3A_77 = vector.broadcast %dot_general3A_74 : vector<16x1xf32> to vector<16x128xf32>
    %mul3A_78 = arith.mulf %sub3A_76, %mul3A_77 : vector<16x128xf32>
    %get3A_79 = arith.constant 2 : index
    %get3A_80 = arith.constant 0 : index
    %get3A_81 = arith.constant 0 : index
    %get3A_82 = vector.load %arg4[%get3A_79, %get3A_80, %get3A_81] : memref<8x128x10xf32, #tpu.memory_space<vmem>>, vector<1x128x10xf32>
    %get3A_83 = vector.shape_cast %get3A_82 : vector<1x128x10xf32> to vector<128x10xf32>
    %get3A_84 = arith.constant 0 : index
    %get3A_85 = arith.constant 0 : index
    %get3A_86 = vector.load %arg7[%get3A_84, %get3A_85] : memref<16x10xf32, #tpu.memory_space<vmem>>, vector<16x10xf32>
    %dot_general3A_87 = arith.constant dense<0.000000e+00> : vector<16x10xf32>
    %dot_general3A_88 = tpu.matmul %mul3A_78, %get3A_83, %dot_general3A_87 {dimension_numbers = #tpu.dot_dimension_numbers<[1], [0], [0], [1], [0, 0, 1, 1], [], []>, transpose_lhs_hint = false} : vector<16x128xf32>, vector<128x10xf32>, vector<16x10xf32> -> vector<16x10xf32>
    %add3A_89 = arith.addf %get3A_86, %dot_general3A_88 : vector<16x10xf32>
    %swap3A_90 = arith.constant 0 : index
    %swap3A_91 = arith.constant 0 : index
    %swap3A_92 = vector.load %arg7[%swap3A_90, %swap3A_91] : memref<16x10xf32, #tpu.memory_space<vmem>>, vector<16x10xf32>
    tpu.vector_store %arg7[%swap3A_90, %swap3A_91], %add3A_89 {strides = array<i32>} : memref<16x10xf32, #tpu.memory_space<vmem>>, vector<16x10xf32>,
    %get3A_93 = arith.constant 3 : index
    %get3A_94 = arith.constant 0 : index
    %get3A_95 = vector.load %arg1[%get3A_93, %get3A_94] : memref<8x128xf32, #tpu.memory_space<vmem>>, vector<1x128xf32>
    %get3A_96 = arith.constant 0 : index
    %get3A_97 = arith.constant 3 : index
    %get3A_98 = arith.constant 0 : index
    %get3A_99 = vector.load %arg2[%get3A_96, %get3A_97, %get3A_98] : memref<16x8x128xf32, #tpu.memory_space<vmem>>, vector<16x1x128xf32>
    %get3A_100 = vector.shape_cast %get3A_99 : vector<16x1x128xf32> to vector<16x128xf32>
    %get3A_101 = arith.constant 3 : index
    %get3A_102 = arith.constant 0 : index
    %get3A_103 = vector.load %arg3[%get3A_101, %get3A_102] : memref<8x16xf32, #tpu.memory_space<vmem>>, vector<1x16xf32>
    %dot_general3A_104 = arith.constant dense<0.000000e+00> : vector<16x1xf32>
    %dot_general3A_105 = tpu.matmul %convert_element_type3A_5, %get3A_103, %dot_general3A_104 {dimension_numbers = #tpu.dot_dimension_numbers<[1], [1], [0], [0], [0, 0, 1, 0], [], []>, transpose_lhs_hint = false} : vector<16x16xf32>, vector<1x16xf32>, vector<16x1xf32> -> vector<16x1xf32>
    %sub3A_106 = vector.broadcast %get3A_95 : vector<1x128xf32> to vector<16x128xf32>
    %sub3A_107 = arith.subf %sub3A_106, %get3A_100 : vector<16x128xf32>
    %mul3A_108 = vector.broadcast %dot_general3A_105 : vector<16x1xf32> to vector<16x128xf32>
    %mul3A_109 = arith.mulf %sub3A_107, %mul3A_108 : vector<16x128xf32>
    %get3A_110 = arith.constant 3 : index
    %get3A_111 = arith.constant 0 : index
    %get3A_112 = arith.constant 0 : index
    %get3A_113 = vector.load %arg4[%get3A_110, %get3A_111, %get3A_112] : memref<8x128x10xf32, #tpu.memory_space<vmem>>, vector<1x128x10xf32>
    %get3A_114 = vector.shape_cast %get3A_113 : vector<1x128x10xf32> to vector<128x10xf32>
    %get3A_115 = arith.constant 0 : index
    %get3A_116 = arith.constant 0 : index
    %get3A_117 = vector.load %arg7[%get3A_115, %get3A_116] : memref<16x10xf32, #tpu.memory_space<vmem>>, vector<16x10xf32>
    %dot_general3A_118 = arith.constant dense<0.000000e+00> : vector<16x10xf32>
    %dot_general3A_119 = tpu.matmul %mul3A_109, %get3A_114, %dot_general3A_118 {dimension_numbers = #tpu.dot_dimension_numbers<[1], [0], [0], [1], [0, 0, 1, 1], [], []>, transpose_lhs_hint = false} : vector<16x128xf32>, vector<128x10xf32>, vector<16x10xf32> -> vector<16x10xf32>
    %add3A_120 = arith.addf %get3A_117, %dot_general3A_119 : vector<16x10xf32>
    %swap3A_121 = arith.constant 0 : index
    %swap3A_122 = arith.constant 0 : index
    %swap3A_123 = vector.load %arg7[%swap3A_121, %swap3A_122] : memref<16x10xf32, #tpu.memory_space<vmem>>, vector<16x10xf32>
    tpu.vector_store %arg7[%swap3A_121, %swap3A_122], %add3A_120 {strides = array<i32>} : memref<16x10xf32, #tpu.memory_space<vmem>>, vector<16x10xf32>,
    %get3A_124 = arith.constant 4 : index
    %get3A_125 = arith.constant 0 : index
    %get3A_126 = vector.load %arg1[%get3A_124, %get3A_125] : memref<8x128xf32, #tpu.memory_space<vmem>>, vector<1x128xf32>
    %get3A_127 = arith.constant 0 : index
    %get3A_128 = arith.constant 4 : index
    %get3A_129 = arith.constant 0 : index
    %get3A_130 = vector.load %arg2[%get3A_127, %get3A_128, %get3A_129] : memref<16x8x128xf32, #tpu.memory_space<vmem>>, vector<16x1x128xf32>
    %get3A_131 = vector.shape_cast %get3A_130 : vector<16x1x128xf32> to vector<16x128xf32>
    %get3A_132 = arith.constant 4 : index
    %get3A_133 = arith.constant 0 : index
    %get3A_134 = vector.load %arg3[%get3A_132, %get3A_133] : memref<8x16xf32, #tpu.memory_space<vmem>>, vector<1x16xf32>
    %dot_general3A_135 = arith.constant dense<0.000000e+00> : vector<16x1xf32>
    %dot_general3A_136 = tpu.matmul %convert_element_type3A_5, %get3A_134, %dot_general3A_135 {dimension_numbers = #tpu.dot_dimension_numbers<[1], [1], [0], [0], [0, 0, 1, 0], [], []>, transpose_lhs_hint = false} : vector<16x16xf32>, vector<1x16xf32>, vector<16x1xf32> -> vector<16x1xf32>
    %sub3A_137 = vector.broadcast %get3A_126 : vector<1x128xf32> to vector<16x128xf32>
    %sub3A_138 = arith.subf %sub3A_137, %get3A_131 : vector<16x128xf32>
    %mul3A_139 = vector.broadcast %dot_general3A_136 : vector<16x1xf32> to vector<16x128xf32>
    %mul3A_140 = arith.mulf %sub3A_138, %mul3A_139 : vector<16x128xf32>
    %get3A_141 = arith.constant 4 : index
    %get3A_142 = arith.constant 0 : index
    %get3A_143 = arith.constant 0 : index
    %get3A_144 = vector.load %arg4[%get3A_141, %get3A_142, %get3A_143] : memref<8x128x10xf32, #tpu.memory_space<vmem>>, vector<1x128x10xf32>
    %get3A_145 = vector.shape_cast %get3A_144 : vector<1x128x10xf32> to vector<128x10xf32>
    %get3A_146 = arith.constant 0 : index
    %get3A_147 = arith.constant 0 : index
    %get3A_148 = vector.load %arg7[%get3A_146, %get3A_147] : memref<16x10xf32, #tpu.memory_space<vmem>>, vector<16x10xf32>
    %dot_general3A_149 = arith.constant dense<0.000000e+00> : vector<16x10xf32>
    %dot_general3A_150 = tpu.matmul %mul3A_140, %get3A_145, %dot_general3A_149 {dimension_numbers = #tpu.dot_dimension_numbers<[1], [0], [0], [1], [0, 0, 1, 1], [], []>, transpose_lhs_hint = false} : vector<16x128xf32>, vector<128x10xf32>, vector<16x10xf32> -> vector<16x10xf32>
    %add3A_151 = arith.addf %get3A_148, %dot_general3A_150 : vector<16x10xf32>
    %swap3A_152 = arith.constant 0 : index
    %swap3A_153 = arith.constant 0 : index
    %swap3A_154 = vector.load %arg7[%swap3A_152, %swap3A_153] : memref<16x10xf32, #tpu.memory_space<vmem>>, vector<16x10xf32>
    tpu.vector_store %arg7[%swap3A_152, %swap3A_153], %add3A_151 {strides = array<i32>} : memref<16x10xf32, #tpu.memory_space<vmem>>, vector<16x10xf32>,
    %get3A_155 = arith.constant 5 : index
    %get3A_156 = arith.constant 0 : index
    %get3A_157 = vector.load %arg1[%get3A_155, %get3A_156] : memref<8x128xf32, #tpu.memory_space<vmem>>, vector<1x128xf32>
    %get3A_158 = arith.constant 0 : index
    %get3A_159 = arith.constant 5 : index
    %get3A_160 = arith.constant 0 : index
    %get3A_161 = vector.load %arg2[%get3A_158, %get3A_159, %get3A_160] : memref<16x8x128xf32, #tpu.memory_space<vmem>>, vector<16x1x128xf32>
    %get3A_162 = vector.shape_cast %get3A_161 : vector<16x1x128xf32> to vector<16x128xf32>
    %get3A_163 = arith.constant 5 : index
    %get3A_164 = arith.constant 0 : index
    %get3A_165 = vector.load %arg3[%get3A_163, %get3A_164] : memref<8x16xf32, #tpu.memory_space<vmem>>, vector<1x16xf32>
    %dot_general3A_166 = arith.constant dense<0.000000e+00> : vector<16x1xf32>
    %dot_general3A_167 = tpu.matmul %convert_element_type3A_5, %get3A_165, %dot_general3A_166 {dimension_numbers = #tpu.dot_dimension_numbers<[1], [1], [0], [0], [0, 0, 1, 0], [], []>, transpose_lhs_hint = false} : vector<16x16xf32>, vector<1x16xf32>, vector<16x1xf32> -> vector<16x1xf32>
    %sub3A_168 = vector.broadcast %get3A_157 : vector<1x128xf32> to vector<16x128xf32>
    %sub3A_169 = arith.subf %sub3A_168, %get3A_162 : vector<16x128xf32>
    %mul3A_170 = vector.broadcast %dot_general3A_167 : vector<16x1xf32> to vector<16x128xf32>
    %mul3A_171 = arith.mulf %sub3A_169, %mul3A_170 : vector<16x128xf32>
    %get3A_172 = arith.constant 5 : index
    %get3A_173 = arith.constant 0 : index
    %get3A_174 = arith.constant 0 : index
    %get3A_175 = vector.load %arg4[%get3A_172, %get3A_173, %get3A_174] : memref<8x128x10xf32, #tpu.memory_space<vmem>>, vector<1x128x10xf32>
    %get3A_176 = vector.shape_cast %get3A_175 : vector<1x128x10xf32> to vector<128x10xf32>
    %get3A_177 = arith.constant 0 : index
    %get3A_178 = arith.constant 0 : index
    %get3A_179 = vector.load %arg7[%get3A_177, %get3A_178] : memref<16x10xf32, #tpu.memory_space<vmem>>, vector<16x10xf32>
    %dot_general3A_180 = arith.constant dense<0.000000e+00> : vector<16x10xf32>
    %dot_general3A_181 = tpu.matmul %mul3A_171, %get3A_176, %dot_general3A_180 {dimension_numbers = #tpu.dot_dimension_numbers<[1], [0], [0], [1], [0, 0, 1, 1], [], []>, transpose_lhs_hint = false} : vector<16x128xf32>, vector<128x10xf32>, vector<16x10xf32> -> vector<16x10xf32>
    %add3A_182 = arith.addf %get3A_179, %dot_general3A_181 : vector<16x10xf32>
    %swap3A_183 = arith.constant 0 : index
    %swap3A_184 = arith.constant 0 : index
    %swap3A_185 = vector.load %arg7[%swap3A_183, %swap3A_184] : memref<16x10xf32, #tpu.memory_space<vmem>>, vector<16x10xf32>
    tpu.vector_store %arg7[%swap3A_183, %swap3A_184], %add3A_182 {strides = array<i32>} : memref<16x10xf32, #tpu.memory_space<vmem>>, vector<16x10xf32>,
    %get3A_186 = arith.constant 6 : index
    %get3A_187 = arith.constant 0 : index
    %get3A_188 = vector.load %arg1[%get3A_186, %get3A_187] : memref<8x128xf32, #tpu.memory_space<vmem>>, vector<1x128xf32>
    %get3A_189 = arith.constant 0 : index
    %get3A_190 = arith.constant 6 : index
    %get3A_191 = arith.constant 0 : index
    %get3A_192 = vector.load %arg2[%get3A_189, %get3A_190, %get3A_191] : memref<16x8x128xf32, #tpu.memory_space<vmem>>, vector<16x1x128xf32>
    %get3A_193 = vector.shape_cast %get3A_192 : vector<16x1x128xf32> to vector<16x128xf32>
    %get3A_194 = arith.constant 6 : index
    %get3A_195 = arith.constant 0 : index
    %get3A_196 = vector.load %arg3[%get3A_194, %get3A_195] : memref<8x16xf32, #tpu.memory_space<vmem>>, vector<1x16xf32>
    %dot_general3A_197 = arith.constant dense<0.000000e+00> : vector<16x1xf32>
    %dot_general3A_198 = tpu.matmul %convert_element_type3A_5, %get3A_196, %dot_general3A_197 {dimension_numbers = #tpu.dot_dimension_numbers<[1], [1], [0], [0], [0, 0, 1, 0], [], []>, transpose_lhs_hint = false} : vector<16x16xf32>, vector<1x16xf32>, vector<16x1xf32> -> vector<16x1xf32>
    %sub3A_199 = vector.broadcast %get3A_188 : vector<1x128xf32> to vector<16x128xf32>
    %sub3A_200 = arith.subf %sub3A_199, %get3A_193 : vector<16x128xf32>
    %mul3A_201 = vector.broadcast %dot_general3A_198 : vector<16x1xf32> to vector<16x128xf32>
    %mul3A_202 = arith.mulf %sub3A_200, %mul3A_201 : vector<16x128xf32>
    %get3A_203 = arith.constant 6 : index
    %get3A_204 = arith.constant 0 : index
    %get3A_205 = arith.constant 0 : index
    %get3A_206 = vector.load %arg4[%get3A_203, %get3A_204, %get3A_205] : memref<8x128x10xf32, #tpu.memory_space<vmem>>, vector<1x128x10xf32>
    %get3A_207 = vector.shape_cast %get3A_206 : vector<1x128x10xf32> to vector<128x10xf32>
    %get3A_208 = arith.constant 0 : index
    %get3A_209 = arith.constant 0 : index
    %get3A_210 = vector.load %arg7[%get3A_208, %get3A_209] : memref<16x10xf32, #tpu.memory_space<vmem>>, vector<16x10xf32>
    %dot_general3A_211 = arith.constant dense<0.000000e+00> : vector<16x10xf32>
    %dot_general3A_212 = tpu.matmul %mul3A_202, %get3A_207, %dot_general3A_211 {dimension_numbers = #tpu.dot_dimension_numbers<[1], [0], [0], [1], [0, 0, 1, 1], [], []>, transpose_lhs_hint = false} : vector<16x128xf32>, vector<128x10xf32>, vector<16x10xf32> -> vector<16x10xf32>
    %add3A_213 = arith.addf %get3A_210, %dot_general3A_212 : vector<16x10xf32>
    %swap3A_214 = arith.constant 0 : index
    %swap3A_215 = arith.constant 0 : index
    %swap3A_216 = vector.load %arg7[%swap3A_214, %swap3A_215] : memref<16x10xf32, #tpu.memory_space<vmem>>, vector<16x10xf32>
    tpu.vector_store %arg7[%swap3A_214, %swap3A_215], %add3A_213 {strides = array<i32>} : memref<16x10xf32, #tpu.memory_space<vmem>>, vector<16x10xf32>,
    %get3A_217 = arith.constant 7 : index
    %get3A_218 = arith.constant 0 : index
    %get3A_219 = vector.load %arg1[%get3A_217, %get3A_218] : memref<8x128xf32, #tpu.memory_space<vmem>>, vector<1x128xf32>
    %get3A_220 = arith.constant 0 : index
    %get3A_221 = arith.constant 7 : index
    %get3A_222 = arith.constant 0 : index
    %get3A_223 = vector.load %arg2[%get3A_220, %get3A_221, %get3A_222] : memref<16x8x128xf32, #tpu.memory_space<vmem>>, vector<16x1x128xf32>
    %get3A_224 = vector.shape_cast %get3A_223 : vector<16x1x128xf32> to vector<16x128xf32>
    %get3A_225 = arith.constant 7 : index
    %get3A_226 = arith.constant 0 : index
    %get3A_227 = vector.load %arg3[%get3A_225, %get3A_226] : memref<8x16xf32, #tpu.memory_space<vmem>>, vector<1x16xf32>
    %dot_general3A_228 = arith.constant dense<0.000000e+00> : vector<16x1xf32>
    %dot_general3A_229 = tpu.matmul %convert_element_type3A_5, %get3A_227, %dot_general3A_228 {dimension_numbers = #tpu.dot_dimension_numbers<[1], [1], [0], [0], [0, 0, 1, 0], [], []>, transpose_lhs_hint = false} : vector<16x16xf32>, vector<1x16xf32>, vector<16x1xf32> -> vector<16x1xf32>
    %sub3A_230 = vector.broadcast %get3A_219 : vector<1x128xf32> to vector<16x128xf32>
    %sub3A_231 = arith.subf %sub3A_230, %get3A_224 : vector<16x128xf32>
    %mul3A_232 = vector.broadcast %dot_general3A_229 : vector<16x1xf32> to vector<16x128xf32>
    %mul3A_233 = arith.mulf %sub3A_231, %mul3A_232 : vector<16x128xf32>
    %get3A_234 = arith.constant 7 : index
    %get3A_235 = arith.constant 0 : index
    %get3A_236 = arith.constant 0 : index
    %get3A_237 = vector.load %arg4[%get3A_234, %get3A_235, %get3A_236] : memref<8x128x10xf32, #tpu.memory_space<vmem>>, vector<1x128x10xf32>
    %get3A_238 = vector.shape_cast %get3A_237 : vector<1x128x10xf32> to vector<128x10xf32>
    %get3A_239 = arith.constant 0 : index
    %get3A_240 = arith.constant 0 : index
    %get3A_241 = vector.load %arg7[%get3A_239, %get3A_240] : memref<16x10xf32, #tpu.memory_space<vmem>>, vector<16x10xf32>
    %dot_general3A_242 = arith.constant dense<0.000000e+00> : vector<16x10xf32>
    %dot_general3A_243 = tpu.matmul %mul3A_233, %get3A_238, %dot_general3A_242 {dimension_numbers = #tpu.dot_dimension_numbers<[1], [0], [0], [1], [0, 0, 1, 1], [], []>, transpose_lhs_hint = false} : vector<16x128xf32>, vector<128x10xf32>, vector<16x10xf32> -> vector<16x10xf32>
    %add3A_244 = arith.addf %get3A_241, %dot_general3A_243 : vector<16x10xf32>
    %swap3A_245 = arith.constant 0 : index
    %swap3A_246 = arith.constant 0 : index
    %swap3A_247 = vector.load %arg7[%swap3A_245, %swap3A_246] : memref<16x10xf32, #tpu.memory_space<vmem>>, vector<16x10xf32>
    tpu.vector_store %arg7[%swap3A_245, %swap3A_246], %add3A_244 {strides = array<i32>} : memref<16x10xf32, #tpu.memory_space<vmem>>, vector<16x10xf32>,
    %eq3A_248 = arith.constant 15 : i32
    %eq3A_249 = arith.cmpi eq, %arg0, %eq3A_248 : i32
    %convert_element_type3A_250 = arith.extui %eq3A_249 : i1 to i32
    %cond3A_251 = arith.constant 0 : i32
    %cond3A_252 = arith.cmpi ne, %convert_element_type3A_250, %cond3A_251 : i32
    scf.if %cond3A_252 {
      %get3A_253 = arith.constant 0 : index
      %get3A_254 = arith.constant 0 : index
      %get3A_255 = vector.load %arg7[%get3A_253, %get3A_254] : memref<16x10xf32, #tpu.memory_space<vmem>>, vector<16x10xf32>
      %get3A_256 = arith.constant 0 : index
      %get3A_257 = arith.constant 0 : index
      %get3A_258 = vector.load %arg5[%get3A_256, %get3A_257] : memref<1x10xf32, #tpu.memory_space<vmem>>, vector<1x10xf32>
      %add3A_259 = vector.broadcast %get3A_258 : vector<1x10xf32> to vector<16x10xf32>
      %add3A_260 = arith.addf %get3A_255, %add3A_259 : vector<16x10xf32>
      %reduce_max3A = arith.constant dense<0xFF800000> : vector<16xf32>
      %reduce_max3A_261 = vector.multi_reduction <maximumf>, %add3A_260, %reduce_max3A [1] : vector<16x10xf32> to vector<16xf32>
      %broadcast_in_dim3A = vector.shape_cast %reduce_max3A_261 : vector<16xf32> to vector<16x1xf32>
      %sub3A_262 = vector.broadcast %broadcast_in_dim3A : vector<16x1xf32> to vector<16x10xf32>
      %sub3A_263 = arith.subf %add3A_260, %sub3A_262 : vector<16x10xf32>
      %exp3A = math.exp %sub3A_263 : vector<16x10xf32>
      %reduce_sum3A = arith.constant dense<0.000000e+00> : vector<16xf32>
      %reduce_sum3A_264 = vector.multi_reduction <add>, %exp3A, %reduce_sum3A [1] : vector<16x10xf32> to vector<16xf32>
      %broadcast_in_dim3A_265 = vector.shape_cast %reduce_sum3A_264 : vector<16xf32> to vector<16x1xf32>
      %div3A = vector.broadcast %broadcast_in_dim3A_265 : vector<16x1xf32> to vector<16x10xf32>
      %div3A_266 = arith.divf %exp3A, %div3A : vector<16x10xf32>
      %swap3A_267 = arith.constant 0 : index
      %swap3A_268 = arith.constant 0 : index
      %swap3A_269 = vector.load %arg6[%swap3A_267, %swap3A_268] : memref<16x10xf32, #tpu.memory_space<vmem>>, vector<16x10xf32>
      tpu.vector_store %arg6[%swap3A_267, %swap3A_268], %div3A_266 {strides = array<i32>} : memref<16x10xf32, #tpu.memory_space<vmem>>, vector<16x10xf32>,
    } else {
    }
    return
  }
  func.func @transform_0(%arg0: i32) -> (i32, i32) {
    %c0_i32 = arith.constant 0 : i32
    %c0_i32_0 = arith.constant 0 : i32
    return %arg0, %c0_i32 : i32, i32
  }
  func.func @transform_1(%arg0: i32) -> (i32, i32, i32) {
    %c0_i32 = arith.constant 0 : i32
    %c0_i32_0 = arith.constant 0 : i32
    %c0_i32_1 = arith.constant 0 : i32
    return %c0_i32, %arg0, %c0_i32_0 : i32, i32, i32
  }
  func.func @transform_2(%arg0: i32) -> (i32, i32) {
    %c0_i32 = arith.constant 0 : i32
    %c0_i32_0 = arith.constant 0 : i32
    return %arg0, %c0_i32 : i32, i32
  }
  func.func @transform_3(%arg0: i32) -> (i32, i32, i32) {
    %c0_i32 = arith.constant 0 : i32
    %c0_i32_0 = arith.constant 0 : i32
    %c0_i32_1 = arith.constant 0 : i32
    return %arg0, %c0_i32, %c0_i32_0 : i32, i32, i32
  }
  func.func @transform_4(%arg0: i32) -> (i32, i32) {
    %c0_i32 = arith.constant 0 : i32
    %c0_i32_0 = arith.constant 0 : i32
    %c0_i32_1 = arith.constant 0 : i32
    return %c0_i32, %c0_i32_0 : i32, i32
  }
  func.func @transform_5(%arg0: i32) -> (i32, i32) {
    %c0_i32 = arith.constant 0 : i32
    %c0_i32_0 = arith.constant 0 : i32
    %c0_i32_1 = arith.constant 0 : i32
    return %c0_i32, %c0_i32_0 : i32, i32
  }
}

</mosaic_0001>

<sc_bundles>
// kernel: kernel.10.cloned.1.call-start
scs
__scs_entry_jumppad:
0x0: {  	(pc) =	sbr.rel $0x88, $3  }
0x1: {  	(tag) =	ssettag $0x0;
	lr =	simm.s32 $0x1  }
0x2: {  	[smem:$0x3F94] =	sst lr;
	_ =	strace $0xD0000000  }
0x3: {  	_ = 	snop  }
0x4: {  	_ = 	snop  }
0x5: {  	_ = 	snop  }
0x6: {  	_ = 	snop  }
0x7: {  	_ = 	snop  }
__scs_overlays_trampoline_lowered:
0x8: {  	[smem:$0x3FA3] =	sst s0  }
0x9: {  	[smem:$0x3FA4] =	sst s1  }
0xa: {  	[smem:$0x3FA5] =	sst s2  }
0xb: {  	[smem:$0x3FA6] =	sst s3  }
0xc: {  	[smem:$0x3FA7] =	sst s4  }
0xd: {  	[smem:$0x3FA8] =	sst s5  }
0xe: {  	[smem:$0x3FA9] =	sst s6  }
0xf: {  	[smem:$0x3FAA] =	sst s7  }
0x10: {  	[smem:$0x3FAB] =	sst s8  }
0x11: {  	[smem:$0x3FAC] =	sst s9;
	s0 =	simm.s32 @!p0 $0x0  }
0x12: {  	s1 =	sld [smem:$0x3F92];
	s0 =	simm.s32 @p0 $0x1  }
0x13: {  	[smem:$0x3FAD] =	sst s0;
	s0 =	simm.s32 @!p1 $0x0  }
0x14: {  	s2 =	sld [smem:$0x3F91];
	s0 =	simm.s32 @p1 $0x1  }
0x15: {  	[smem:$0x3FAE] =	sst s0;
	s0 =	simm.s32 @!p2 $0x0  }
0x16: {  	s3 =	sld [smem:$0x3FDB];
	s0 =	simm.s32 @p2 $0x1  }
0x17: {  	s4 =	simm.s32 $0x1BF5;
	[smem:$0x3FB0] =	sst s0  }
0x18: {  	s0 =	sld [smem:$0x3F93];
	_ =	swait.ge [sflag:s4], $0x0  }
0x19: {  	s7 =	sld [smem:$0x3F94]  }
0x1a: {  	s8 =	sadd.s32 $0xFFFFE003, lr  }
0x1b: {  	s9 =	sadd.s32 $0xFFFFFEF7, lr;
	s5 =	simm.s32 $0xFFFFFFFF;
	p2 =	slt.u32 s8, $0xFFFFF086  }
0x1c: {  	p1 =	slt.u32 s9, $0xF7A;
	s5 =	simm.s32 @!p2 $0x0  }
0x1d: {  	s5 =	simm.s32 @p1 $0x1;
	p0 =	seq.s32 s7, s2  }
0x1e: {  	s7 =	smul.u32 @!p0 $0xF7A, s2;
	p2 =	seq.s32 @!p0 s5, $0x0  }
0x1f: {  	s9 =	smul.u32 $0xF7A, s1;
	s8 =	simm.s32 @!p0 $0x1BF5;
	p2 =	por !p2, p0  }
0x20: {  	[sflag:s8] =	ssyncset.s32 @!p0 $0xFFFFF086;
	s6 =	sadd.s32 @!p0 s3, s7;
	s7 =	simm.s32 @!p0 $0x108  }
0x21: {  	s3 =	sadd.s32 s3, s9;
	s6 =	sadd.s32 @!p0 $0x88, s6;
	s7 =	simm.s32 @p2 $0x1082  }
0x22: {  	[simem:s7], [sflag:s8] =	dma.local @!p0 [hbm:s6], $0xF7A  }
0x23: {  	s9 =	sor.u32 $0xD0000000, s2;
	s6 =	simm.s32 $0x108;
	_ =	swait.ge @!p0 [sflag:s8], $0x0  }
0x24: {  	s3 =	sadd.s32 $0x88, s3;
	s6 =	simm.s32 @!p1 $0x1082;
	[sflag:s4] =	ssyncset.s32 $0xFFFFF086  }
0x25: {  	[simem:s6], [sflag:s4] =	dma.local [hbm:s3], $0xF7A  }
0x26: {  	[smem:$0x3F94] =	sst s1;
	(tag) =	ssettag s2;
	_ =	strace s9  }
0x27: {  	s1 =	sld [smem:$0x3FA4]  }
0x28: {  	s2 =	sld [smem:$0x3FA5]  }
0x29: {  	s4 =	sld [smem:$0x3FA7]  }
0x2a: {  	p0 =	seq.s32 s5, $0x0;
	s5 =	sld [smem:$0x3FA8]  }
0x2b: {  	s6 =	sld [smem:$0x3FA9]  }
0x2c: {  	s7 =	sld [smem:$0x3FAA]  }
0x2d: {  	s3 =	simm.s32 $0x108;
	s8 =	sld [smem:$0x3FAB]  }
0x2e: {  	s3 =	simm.s32 @!p0 $0x1082;
	s9 =	sld [smem:$0x3FAC]  }
0x2f: {  	lr =	sadd.s32 s0, s3;
	s0 =	sld [smem:$0x3FA3]  }
0x30: {  	s3 =	sld [smem:$0x3FA6]  }
0x31: {  	[smem:$0x3FAF] =	sst s10  }
0x32: {  	s10 =	sld [smem:$0x3FAD];
	_ =	sdelay $0x3  }
0x33: {  	p0 =	seq.s32 s10, $0x1;
	s10 =	sld [smem:$0x3FAF];
	_ =	sdelay $0x3  }
0x34: {  	[smem:$0x3FAF] =	sst s10  }
0x35: {  	s10 =	sld [smem:$0x3FAE];
	_ =	sdelay $0x3  }
0x36: {  	p1 =	seq.s32 s10, $0x1;
	s10 =	sld [smem:$0x3FAF];
	_ =	sdelay $0x3  }
0x37: {  	[smem:$0x3FAF] =	sst s10  }
0x38: {  	s10 =	sld [smem:$0x3FB0]  }
0x39: {  	_ = 	snop;
	(pc) =	sbr.ind lr, $3  }
0x3a: {  	_ = 	snop  }
0x3b: {  	_ = 	snop  }
0x3c: {  	p2 =	seq.s32 s10, $0x1;
	s10 =	sld [smem:$0x3FAF]  }
0x3d: {  	_ =	shalt  }
0x3e: {  	_ =	shalt  }
0x3f: {  	_ =	shalt  }
0x40: {  	_ =	shalt  }
0x41: {  	_ =	shalt  }
0x42: {  	_ =	shalt  }
0x43: {  	_ =	shalt  }
0x44: {  	_ =	shalt  }
0x45: {  	_ =	shalt  }
0x46: {  	_ =	shalt  }
0x47: {  	_ =	shalt  }
0x48: {  	_ =	shalt  }
0x49: {  	_ =	shalt  }
0x4a: {  	_ =	shalt  }
0x4b: {  	_ =	shalt  }
0x4c: {  	_ =	shalt  }
0x4d: {  	_ =	shalt  }
0x4e: {  	_ =	shalt  }
0x4f: {  	_ =	shalt  }
0x50: {  	_ =	shalt  }
0x51: {  	_ =	shalt  }
0x52: {  	_ =	shalt  }
0x53: {  	_ =	shalt  }
0x54: {  	_ =	shalt  }
0x55: {  	_ =	shalt  }
0x56: {  	_ =	shalt  }
0x57: {  	_ =	shalt  }
0x58: {  	_ =	shalt  }
0x59: {  	_ =	shalt  }
0x5a: {  	_ =	shalt  }
0x5b: {  	_ =	shalt  }
0x5c: {  	_ =	shalt  }
0x5d: {  	_ =	shalt  }
0x5e: {  	_ =	shalt  }
0x5f: {  	_ =	shalt  }
0x60: {  	_ =	shalt  }
0x61: {  	_ =	shalt  }
0x62: {  	_ =	shalt  }
0x63: {  	_ =	shalt  }
0x64: {  	_ =	shalt  }
0x65: {  	_ =	shalt  }
0x66: {  	_ =	shalt  }
0x67: {  	_ =	shalt  }
0x68: {  	_ =	shalt  }
0x69: {  	_ =	shalt  }
0x6a: {  	_ =	shalt  }
0x6b: {  	_ =	shalt  }
0x6c: {  	_ =	shalt  }
0x6d: {  	_ =	shalt  }
0x6e: {  	_ =	shalt  }
0x6f: {  	_ =	shalt  }
0x70: {  	_ =	shalt  }
0x71: {  	_ =	shalt  }
0x72: {  	_ =	shalt  }
0x73: {  	_ =	shalt  }
0x74: {  	_ =	shalt  }
0x75: {  	_ =	shalt  }
0x76: {  	_ =	shalt  }
0x77: {  	_ =	shalt  }
0x78: {  	_ =	shalt  }
0x79: {  	_ =	shalt  }
0x7a: {  	_ =	shalt  }
0x7b: {  	_ =	shalt  }
0x7c: {  	_ =	shalt  }
0x7d: {  	_ =	shalt  }
0x7e: {  	_ =	shalt  }
0x7f: {  	_ =	shalt  }
0x80: {  	_ =	shalt  }
0x81: {  	_ =	shalt  }
0x82: {  	_ =	shalt  }
0x83: {  	_ =	shalt  }
0x84: {  	_ =	shalt  }
0x85: {  	_ =	shalt  }
0x86: {  	_ =	shalt  }
0x87: {  	_ =	shalt  }
.Lfunc_end0:
.L_simem_size_0:
called_computation_lowered:
.L_overlay_start_0:
0x88: {  	s2 =	sld [smem:$0x3FD9]  }
0x89: {  	s3 =	sld [smem:$0x3FFE];
	_ =	sdelay $0x1  }
0x8a: {  	s1 =	srdreg.scid  }
0x8b: {  	s0 =	sand.u32 $0x1, s1  }
0x8c: {  	s16 =	sshll.u32 s0, $0xA;
	s2 =	sadd.s32 s3, s2  }
0x8d: {  	s2 =	sadd.s32 s2, s16  }
0x8e: {  	[smem:$0x3FBB] =	sst s2  }
0x8f: {  	_ = 	snop  }
0x90: {  	(tm) =	ssettm $0x1  }
0x91: {  	s17 =	sld [smem:$0x3FFB];
	_ =	sdelay $0x3  }
0x92: {  	_ =	strace s17  }
0x93: {  	s2 =	sld [smem:$0x3FFC];
	_ =	sdelay $0x3  }
0x94: {  	_ =	strace s2  }
0x95: {  	s2 =	sld [smem:$0x3FFD];
	_ =	sdelay $0x3  }
0x96: {  	_ =	strace s2  }
0x97: {  	_ =	strace $0x8FFFFFFF  }
0x98: {  	s18 =	sld [smem:$0x3FDB];
	_ =	sdelay $0x1  }
0x99: {  	s19 =	simm.s32 $_scs_section_size  }
0x9a: {  	s4 =	simm.s32 $_size__tile_overlayer_lowered;
	s5 =	simm.s32 $_tile_overlayer_lowered  }
0x9b: {  	s22 =	simm.s32 $0x1BFF;
	s21 =	sshll.u32 s5, $0x1;
	s2 =	sadd.s32 s19, s18  }
0x9c: {  	s6 =	simm.s32 $0x0;
	s20 =	sshll.u32 s4, $0x1;
	s4 =	sadd.s32 s21, s2  }
0x9d: {  	[timem:s6], [sflag:s22] =	dma.local [hbm:s4], s20  }
0x9e: {  	_ =	swait.ge [sflag:s22], s20  }
0x9f: {  	s3 =	ssub.s32 $0x0, s20;
	[sflag:s22] =	ssyncset.done $0x0  }
0xa0: {  	[sflag:s22] =	ssyncadd.s32 s3;
	_ =	sdelay $0x1  }
0xa1: {  	s23 =	simm.s32 $0x1B8B  }
0xa2: {  	_ =	swait.ge [sflag:s23], $0x1  }
0xa3: {  	[sflag:s23] =	ssyncset.done $0x0  }
0xa4: {  	s25 =	simm.s32 $0x1B8E;
	s24 =	sld [smem:$0x3FFE];
	[sflag:s23] =	ssyncadd.s32 $0xFFFFFFFF  }
0xa5: {  	s26 =	simm.s32 $execute0_lowered;
	[smem:$0x3FD2] =	sst s25  }
0xa6: {  	s4 =	sshll.u32 s26, $0x1;
	_ =	strace $0x80000046;
	[dreg:$0x1] =	wrdreg $0xFFFFFFFF  }
0xa7: {  	s28 =	simm.s32 $_size_execute0_lowered;
	s2 =	sadd.s32 s2, s4;
	[dreg:$0x0] =	wrdreg $0x0  }
0xa8: {  	s4 =	sshll.u32 s28, $0x1;
	[dreg:$0x2] =	wrdreg s2  }
0xa9: {  	[dreg:$0x3] =	wrdreg s4  }
0xaa: {  	[dreg:$0x4] =	wrdreg $0xC0  }
0xab: {  	_ =	task [dreg:s6], $0x5FFFF  }
0xac: {  	[dreg:$0x1] =	wrdreg $0xFFFFFFFF  }
0xad: {  	[dreg:$0x0] =	wrdreg $0x60  }
0xae: {  	[dreg:$0x2] =	wrdreg s24  }
0xaf: {  	[dreg:$0x3] =	wrdreg $0x68000  }
0xb0: {  	[dreg:$0x4] =	wrdreg $0x9  }
0xb1: {  	_ =	task.clear_ibuf [dreg:s6], $0x5FFFF;
	_ =	strace $0x90000046  }
0xb2: {  	s29 =	simm.s32 $0x9;
	_ =	strace $0x80000048  }
0xb3: {  	_ =	swait.ge [sflag:s29], $0x1  }
0xb4: {  	[sflag:s29] =	ssyncadd.s32 $0xFFFFFFFF  }
0xb5: {  	_ =	strace $0x90000048  }
0xb6: {  	_ =	sfence  }
0xb7: {  	s30 =	sld [smem:$0x0];
	_ =	sdelay $0x2  }
0xb8: {  	s31 =	sshll.u32 s1, $0xD;
	s1 =	sshrl.u32 s1, $0x2  }
0xb9: {  	s3 =	sand.u32 $0x4000, s31;
	s1 =	sadd.s32 s1, s30  }
0xba: {  	s0 =	sor.u32 s3, s0;
	s1 =	sshll.u32 s1, $0x11  }
0xbb: {  	s0 =	sor.u32 s1, s0  }
0xbc: {  	s0 =	sadd.s32 $0x8F2B, s0  }
0xbd: {  	[sflag:s0] =	ssyncadd.remote.s32 $0x1  }
0xbe: {  	_ =	sfence.sel $0xFFFF  }
0xbf: {  	[dreg:$0x0] =	wrdreg $0xFFFFFFFF;
	(pc) =	sbr.abs _section_cstart, $3  }
0xc0: {  	[dreg:$0x1] =	wrdreg $0xFFFFFFFF  }
0xc1: {  	_ =	task.clear_ibuf [dreg:s6], $0x2FFFF;
	_ =	strace $0x9FFFFFFF  }
0xc2: {  	(tm) =	ssettm $0x7FFFFFFF  }
0xc3: {  	_ =	shalt  }
tec
execute0_lowered:
.L_overlay_start_1:
0x0: {  	(tag) =	ssettag $0x1  }
0x1: {  	s0 =	srdreg.scid;
	s7 =	rddreg [dreg:$0x0]  }
0x2: {  	s2 =	rddreg [dreg:$0x1];
	s6 =	sand.u32 $0x1, s0;
	s0 =	stileid.u32  }
0x3: {  	s3 =	simm.s32 $0x0;
	s13 =	simm.s32 $0x80;
	s8 =	smul.u32 $0x2800, s0  }
0x4: {  	s14 =	simm.s32 $0x0;
	[smem:$0x7FF] =	sst s3;
	s9 =	smul.u32 $0x28000, s6  }
0x5: {  	s5 =	sadd.s32 $0x1BA00, s7;
	s1 =	sshll.u32 s6, $0x4;
	s11 =	smul.u32 $0x50000, s0  }
0x6: {  	s6 =	ssub.s32 $0x2, s6;
	s31 =	sshll.u32 s0, $0x6;
	s4 =	sor.u32 s0, s1  }
0x7: {  	s1 =	rddreg [dreg:$0x2];
	_ =	strace $0x80000047;
	s28 =	sshrl.u32 s6, $0x1  }
0x8: {  	s4 =	smul.u32 $0x500, s4;
	s8 =	sadd.s32 s8, s9;
	s29 =	sshrl.u32 s11, $0x2  }
0x9: {  	s30 =	ssub.s32 s6, s28;
	s6 =	sor.u32 $0x1C01, s31;
	s11 =	simm.s32 $0x1  }
0xa: {  	s8 =	sadd.s32 s8, s7;
	s12 =	sadd.s32 s29, s2;
	s9 =	smax.u32 s30, $0x1  }
0xb: {  	s10 =	sadd.s32 s4, s7;
	s4 =	sadd.s32 $0x19200, s7;
	s8 =	sadd.s32 $0x1C200, s8  }
0xc: {  	s7 =	sadd.s32 $0xF200, s10;
	s10 =	sshrl.u32 s12, $0x3;
	s12 =	simm.s32 $0x2800  }
.LBB2_1:
0xd: {  	[spmem:s10], [sflag:s6] =	dma.local [hbm:s4], $0x2800  }
0xe: {  	_ =	swait.ge [sflag:s11], $0x2800  }
0xf: {  	[sflag:s11] =	ssyncset.done $0x0  }
0x10: {  	[sflag:s11] =	ssyncadd.s32 $0xFFFFD800  }
0x11: {  	[tilespmem:s12], [sflag:$0x1] =	stream.linear.gather [hbm4b:s5+s3], $0x4000, $0x38;
	[tilespmem:$0x1A800] =	vst v63  }
0x12: {  	_ =	swait.ge [sflag:s11], $0x4000  }
0x13: {  	[sflag:s11] =	ssyncset.done $0x0  }
0x14: {  	[sflag:s11] =	ssyncadd.s32 $0xFFFFC000  }
0x15: {  	[tilespmem:s3], [sflag:$0x1] =	stream.linear.gather [hbm4b:s7+s3], $0x2800, $0x38;
	[tilespmem:$0x1A800] =	vst v63  }
0x16: {  	_ =	swait.ge [sflag:s11], $0x2800  }
0x17: {  	[sflag:s11] =	ssyncset.done $0x0  }
0x18: {  	[sflag:s11] =	ssyncadd.s32 $0xFFFFD800  }
0x19: {  	s15 =	simm.s32 $0x0;
	[bflag:$0x0] =	sbarrier.arrive $0xFFFF  }
0x1a: {  	[spmem:s2] =	stream.indirect.scatter.add.f32 [tilespmem:s12], [sflag:$0x1], $0x80, s15, s13, $0xb8;
	[tilespmem:$0x1A800] =	vst v63  }
0x1b: {  	_ =	swait.ge [sflag:s11], $0x4000  }
0x1c: {  	s15 =	simm.s32 $0x200;
	[sflag:s11] =	ssyncset.done $0x0  }
.LBB2_2:
0x1d: {  	s16 =	sshra.s32 s15, $0x2;
	[sflag:s11] =	ssyncadd.s32 $0xFFFFC000;
	p0 =	sne.s32 s15, $0x9E00  }
0x1e: {  	[spmem:s2] =	stream.indirect.scatter.add.f32 [tilespmem:s12], [sflag:$0x1], $0x80, s16, s13, $0xb8;
	[tilespmem:$0x1A800] =	vst v63  }
.Ltmp0:
0x1f: {  	_ = 	snop;
	(pc) =	sbr.rel @p0 .LBB2_2-.Ltmp0, $4  }
0x20: {  	_ = 	snop  }
0x21: {  	s15 =	sadd.s32 $0x200, s15  }
0x22: {  	_ =	swait.ge [sflag:s11], $0x4000  }
0x23: {  	[sflag:s11] =	ssyncset.done $0x0  }
0x24: {  	s14 =	sadd.s32 $0x1, s14  }
0x25: {  	[sflag:s11] =	ssyncadd.s32 $0xFFFFC000;
	p0 =	sne.s32 s14, s9  }
.Ltmp1:
0x26: {  	[bflag:$0x0] =	sbarrier.arrive $0xFFFF;
	(pc) =	sbr.rel @p0 .LBB2_1-.Ltmp1, $4  }
0x27: {  	[hbm:s8], [sflag:s6] =	dma.local [spmem:s10], $0x2800  }
0x28: {  	_ =	swait.ge [sflag:s11], $0x2800  }
0x29: {  	[sflag:s11] =	ssyncset.done $0x0  }
0x2a: {  	[sflag:s11] =	ssyncadd.s32 $0xFFFFD800  }
0x2b: {  	_ =	sfence.sel $0x180000  }
0x2c: {  	[bflag:$0x0] =	sbarrier.arrive $0xFFFF  }
0x2d: {  	p0 =	sne.s32 s0, $0x0;
	_ =	strace $0x90000047  }
0x2e: {  	s0 =	sadd.s32 @!p0 $0x100000, s1;
	[bflag:$0x2] =	sbarrier.arrive $0xFFFF  }
0x2f: {  	[sflag:s0] =	ssyncadd.tile.s32 @!p0 $0x1;
	_ =	shalt  }
.Lfunc_end2:
_tile_overlayer_lowered:
.L_overlay_start_2:
0x30: {  	(tag) =	ssettag $0x2  }
0x31: {  	s0 =	rddreg [dreg:$0x0];
	s2 =	stileid.u32  }
0x32: {  	s1 =	rddreg [dreg:$0x1];
	p0 =	sne.s32 s2, $0x0  }
0x33: {  	s3 =	rddreg [dreg:$0x2];
	[bflag:$0x3] =	sbarrier.arrive $0xFFFF;
	s2 =	simm.s32 @!p0 $0x1C01  }
0x34: {  	[timem:s3], [sflag:s2] =	dma.local @!p0 [hbm:s0], s1  }
0x35: {  	s0 =	simm.s32 @!p0 $0x1  }
0x36: {  	_ =	swait.ge @!p0 [sflag:s0], s1  }
0x37: {  	s1 =	ssub.s32 @!p0 $0x0, s1;
	[sflag:s0] =	ssyncset.done @!p0 $0x0  }
0x38: {  	[sflag:s0] =	ssyncadd.s32 @!p0 s1  }
0x39: {  	[bflag:$0x3] =	sbarrier.arrive $0xFFFF  }
0x3a: {  	_ =	shalt  }

// kernel: kernel.13.cloned.1.call-start
scs
__scs_entry_jumppad:
0x0: {  	(pc) =	sbr.rel $0x88, $3  }
0x1: {  	(tag) =	ssettag $0x0;
	lr =	simm.s32 $0x1  }
0x2: {  	[smem:$0x3F94] =	sst lr;
	_ =	strace $0xD0000000  }
0x3: {  	_ = 	snop  }
0x4: {  	_ = 	snop  }
0x5: {  	_ = 	snop  }
0x6: {  	_ = 	snop  }
0x7: {  	_ = 	snop  }
__scs_overlays_trampoline_lowered:
0x8: {  	[smem:$0x3FA3] =	sst s0  }
0x9: {  	[smem:$0x3FA4] =	sst s1  }
0xa: {  	[smem:$0x3FA5] =	sst s2  }
0xb: {  	[smem:$0x3FA6] =	sst s3  }
0xc: {  	[smem:$0x3FA7] =	sst s4  }
0xd: {  	[smem:$0x3FA8] =	sst s5  }
0xe: {  	[smem:$0x3FA9] =	sst s6  }
0xf: {  	[smem:$0x3FAA] =	sst s7  }
0x10: {  	[smem:$0x3FAB] =	sst s8  }
0x11: {  	[smem:$0x3FAC] =	sst s9;
	s0 =	simm.s32 @!p0 $0x0  }
0x12: {  	s1 =	sld [smem:$0x3F92];
	s0 =	simm.s32 @p0 $0x1  }
0x13: {  	[smem:$0x3FAD] =	sst s0;
	s0 =	simm.s32 @!p1 $0x0  }
0x14: {  	s2 =	sld [smem:$0x3F91];
	s0 =	simm.s32 @p1 $0x1  }
0x15: {  	[smem:$0x3FAE] =	sst s0;
	s0 =	simm.s32 @!p2 $0x0  }
0x16: {  	s3 =	sld [smem:$0x3FDB];
	s0 =	simm.s32 @p2 $0x1  }
0x17: {  	s4 =	simm.s32 $0x1BF5;
	[smem:$0x3FB0] =	sst s0  }
0x18: {  	s0 =	sld [smem:$0x3F93];
	_ =	swait.ge [sflag:s4], $0x0  }
0x19: {  	s7 =	sld [smem:$0x3F94]  }
0x1a: {  	s8 =	sadd.s32 $0xFFFFE003, lr  }
0x1b: {  	s9 =	sadd.s32 $0xFFFFFEF7, lr;
	s5 =	simm.s32 $0xFFFFFFFF;
	p2 =	slt.u32 s8, $0xFFFFF086  }
0x1c: {  	p1 =	slt.u32 s9, $0xF7A;
	s5 =	simm.s32 @!p2 $0x0  }
0x1d: {  	s5 =	simm.s32 @p1 $0x1;
	p0 =	seq.s32 s7, s2  }
0x1e: {  	s7 =	smul.u32 @!p0 $0xF7A, s2;
	p2 =	seq.s32 @!p0 s5, $0x0  }
0x1f: {  	s9 =	smul.u32 $0xF7A, s1;
	s8 =	simm.s32 @!p0 $0x1BF5;
	p2 =	por !p2, p0  }
0x20: {  	[sflag:s8] =	ssyncset.s32 @!p0 $0xFFFFF086;
	s6 =	sadd.s32 @!p0 s3, s7;
	s7 =	simm.s32 @!p0 $0x108  }
0x21: {  	s3 =	sadd.s32 s3, s9;
	s6 =	sadd.s32 @!p0 $0x88, s6;
	s7 =	simm.s32 @p2 $0x1082  }
0x22: {  	[simem:s7], [sflag:s8] =	dma.local @!p0 [hbm:s6], $0xF7A  }
0x23: {  	s9 =	sor.u32 $0xD0000000, s2;
	s6 =	simm.s32 $0x108;
	_ =	swait.ge @!p0 [sflag:s8], $0x0  }
0x24: {  	s3 =	sadd.s32 $0x88, s3;
	s6 =	simm.s32 @!p1 $0x1082;
	[sflag:s4] =	ssyncset.s32 $0xFFFFF086  }
0x25: {  	[simem:s6], [sflag:s4] =	dma.local [hbm:s3], $0xF7A  }
0x26: {  	[smem:$0x3F94] =	sst s1;
	(tag) =	ssettag s2;
	_ =	strace s9  }
0x27: {  	s1 =	sld [smem:$0x3FA4]  }
0x28: {  	s2 =	sld [smem:$0x3FA5]  }
0x29: {  	s4 =	sld [smem:$0x3FA7]  }
0x2a: {  	p0 =	seq.s32 s5, $0x0;
	s5 =	sld [smem:$0x3FA8]  }
0x2b: {  	s6 =	sld [smem:$0x3FA9]  }
0x2c: {  	s7 =	sld [smem:$0x3FAA]  }
0x2d: {  	s3 =	simm.s32 $0x108;
	s8 =	sld [smem:$0x3FAB]  }
0x2e: {  	s3 =	simm.s32 @!p0 $0x1082;
	s9 =	sld [smem:$0x3FAC]  }
0x2f: {  	lr =	sadd.s32 s0, s3;
	s0 =	sld [smem:$0x3FA3]  }
0x30: {  	s3 =	sld [smem:$0x3FA6]  }
0x31: {  	[smem:$0x3FAF] =	sst s10  }
0x32: {  	s10 =	sld [smem:$0x3FAD];
	_ =	sdelay $0x3  }
0x33: {  	p0 =	seq.s32 s10, $0x1;
	s10 =	sld [smem:$0x3FAF];
	_ =	sdelay $0x3  }
0x34: {  	[smem:$0x3FAF] =	sst s10  }
0x35: {  	s10 =	sld [smem:$0x3FAE];
	_ =	sdelay $0x3  }
0x36: {  	p1 =	seq.s32 s10, $0x1;
	s10 =	sld [smem:$0x3FAF];
	_ =	sdelay $0x3  }
0x37: {  	[smem:$0x3FAF] =	sst s10  }
0x38: {  	s10 =	sld [smem:$0x3FB0]  }
0x39: {  	_ = 	snop;
	(pc) =	sbr.ind lr, $3  }
0x3a: {  	_ = 	snop  }
0x3b: {  	_ = 	snop  }
0x3c: {  	p2 =	seq.s32 s10, $0x1;
	s10 =	sld [smem:$0x3FAF]  }
0x3d: {  	_ =	shalt  }
0x3e: {  	_ =	shalt  }
0x3f: {  	_ =	shalt  }
0x40: {  	_ =	shalt  }
0x41: {  	_ =	shalt  }
0x42: {  	_ =	shalt  }
0x43: {  	_ =	shalt  }
0x44: {  	_ =	shalt  }
0x45: {  	_ =	shalt  }
0x46: {  	_ =	shalt  }
0x47: {  	_ =	shalt  }
0x48: {  	_ =	shalt  }
0x49: {  	_ =	shalt  }
0x4a: {  	_ =	shalt  }
0x4b: {  	_ =	shalt  }
0x4c: {  	_ =	shalt  }
0x4d: {  	_ =	shalt  }
0x4e: {  	_ =	shalt  }
0x4f: {  	_ =	shalt  }
0x50: {  	_ =	shalt  }
0x51: {  	_ =	shalt  }
0x52: {  	_ =	shalt  }
0x53: {  	_ =	shalt  }
0x54: {  	_ =	shalt  }
0x55: {  	_ =	shalt  }
0x56: {  	_ =	shalt  }
0x57: {  	_ =	shalt  }
0x58: {  	_ =	shalt  }
0x59: {  	_ =	shalt  }
0x5a: {  	_ =	shalt  }
0x5b: {  	_ =	shalt  }
0x5c: {  	_ =	shalt  }
0x5d: {  	_ =	shalt  }
0x5e: {  	_ =	shalt  }
0x5f: {  	_ =	shalt  }
0x60: {  	_ =	shalt  }
0x61: {  	_ =	shalt  }
0x62: {  	_ =	shalt  }
0x63: {  	_ =	shalt  }
0x64: {  	_ =	shalt  }
0x65: {  	_ =	shalt  }
0x66: {  	_ =	shalt  }
0x67: {  	_ =	shalt  }
0x68: {  	_ =	shalt  }
0x69: {  	_ =	shalt  }
0x6a: {  	_ =	shalt  }
0x6b: {  	_ =	shalt  }
0x6c: {  	_ =	shalt  }
0x6d: {  	_ =	shalt  }
0x6e: {  	_ =	shalt  }
0x6f: {  	_ =	shalt  }
0x70: {  	_ =	shalt  }
0x71: {  	_ =	shalt  }
0x72: {  	_ =	shalt  }
0x73: {  	_ =	shalt  }
0x74: {  	_ =	shalt  }
0x75: {  	_ =	shalt  }
0x76: {  	_ =	shalt  }
0x77: {  	_ =	shalt  }
0x78: {  	_ =	shalt  }
0x79: {  	_ =	shalt  }
0x7a: {  	_ =	shalt  }
0x7b: {  	_ =	shalt  }
0x7c: {  	_ =	shalt  }
0x7d: {  	_ =	shalt  }
0x7e: {  	_ =	shalt  }
0x7f: {  	_ =	shalt  }
0x80: {  	_ =	shalt  }
0x81: {  	_ =	shalt  }
0x82: {  	_ =	shalt  }
0x83: {  	_ =	shalt  }
0x84: {  	_ =	shalt  }
0x85: {  	_ =	shalt  }
0x86: {  	_ =	shalt  }
0x87: {  	_ =	shalt  }
.Lfunc_end0:
.L_simem_size_0:
called_computation.1_lowered:
.L_overlay_start_0:
0x88: {  	s2 =	sld [smem:$0x3FD9]  }
0x89: {  	s3 =	sld [smem:$0x3FFE];
	_ =	sdelay $0x1  }
0x8a: {  	s1 =	srdreg.scid  }
0x8b: {  	s0 =	sand.u32 $0x1, s1  }
0x8c: {  	s16 =	sshll.u32 s0, $0xA;
	s2 =	sadd.s32 s3, s2  }
0x8d: {  	s2 =	sadd.s32 s2, s16  }
0x8e: {  	[smem:$0x3FBB] =	sst s2  }
0x8f: {  	_ = 	snop  }
0x90: {  	(tm) =	ssettm $0x1  }
0x91: {  	s17 =	sld [smem:$0x3FFB];
	_ =	sdelay $0x3  }
0x92: {  	_ =	strace s17  }
0x93: {  	s2 =	sld [smem:$0x3FFC];
	_ =	sdelay $0x3  }
0x94: {  	_ =	strace s2  }
0x95: {  	s2 =	sld [smem:$0x3FFD];
	_ =	sdelay $0x3  }
0x96: {  	_ =	strace s2  }
0x97: {  	_ =	strace $0x8FFFFFFF  }
0x98: {  	s18 =	sld [smem:$0x3FDB];
	_ =	sdelay $0x1  }
0x99: {  	s19 =	simm.s32 $_scs_section_size  }
0x9a: {  	s4 =	simm.s32 $_size__tile_overlayer_lowered;
	s5 =	simm.s32 $_tile_overlayer_lowered  }
0x9b: {  	s22 =	simm.s32 $0x1BFF;
	s21 =	sshll.u32 s5, $0x1;
	s2 =	sadd.s32 s19, s18  }
0x9c: {  	s6 =	simm.s32 $0x0;
	s20 =	sshll.u32 s4, $0x1;
	s4 =	sadd.s32 s21, s2  }
0x9d: {  	[timem:s6], [sflag:s22] =	dma.local [hbm:s4], s20  }
0x9e: {  	_ =	swait.ge [sflag:s22], s20  }
0x9f: {  	s3 =	ssub.s32 $0x0, s20;
	[sflag:s22] =	ssyncset.done $0x0  }
0xa0: {  	[sflag:s22] =	ssyncadd.s32 s3;
	_ =	sdelay $0x1  }
0xa1: {  	s23 =	simm.s32 $0x1B8B  }
0xa2: {  	_ =	swait.ge [sflag:s23], $0x1  }
0xa3: {  	[sflag:s23] =	ssyncset.done $0x0  }
0xa4: {  	s25 =	simm.s32 $0x1B8E;
	s24 =	sld [smem:$0x3FFE];
	[sflag:s23] =	ssyncadd.s32 $0xFFFFFFFF  }
0xa5: {  	s26 =	simm.s32 $execute0_lowered;
	[smem:$0x3FD2] =	sst s25  }
0xa6: {  	s4 =	sshll.u32 s26, $0x1;
	_ =	strace $0x80000049;
	[dreg:$0x1] =	wrdreg $0xFFFFFFFF  }
0xa7: {  	s28 =	simm.s32 $_size_execute0_lowered;
	s2 =	sadd.s32 s2, s4;
	[dreg:$0x0] =	wrdreg $0x0  }
0xa8: {  	s4 =	sshll.u32 s28, $0x1;
	[dreg:$0x2] =	wrdreg s2  }
0xa9: {  	[dreg:$0x3] =	wrdreg s4  }
0xaa: {  	[dreg:$0x4] =	wrdreg $0xC0  }
0xab: {  	_ =	task [dreg:s6], $0x5FFFF  }
0xac: {  	[dreg:$0x1] =	wrdreg $0xFFFFFFFF  }
0xad: {  	[dreg:$0x0] =	wrdreg $0x60  }
0xae: {  	[dreg:$0x2] =	wrdreg s24  }
0xaf: {  	[dreg:$0x3] =	wrdreg $0x90000  }
0xb0: {  	[dreg:$0x4] =	wrdreg $0x9  }
0xb1: {  	_ =	task.clear_ibuf [dreg:s6], $0x5FFFF;
	_ =	strace $0x90000049  }
0xb2: {  	s29 =	simm.s32 $0x9;
	_ =	strace $0x8000004B  }
0xb3: {  	_ =	swait.ge [sflag:s29], $0x1  }
0xb4: {  	[sflag:s29] =	ssyncadd.s32 $0xFFFFFFFF  }
0xb5: {  	_ =	strace $0x9000004B  }
0xb6: {  	_ =	sfence  }
0xb7: {  	s30 =	sld [smem:$0x0];
	_ =	sdelay $0x2  }
0xb8: {  	s31 =	sshll.u32 s1, $0xD;
	s1 =	sshrl.u32 s1, $0x2  }
0xb9: {  	s3 =	sand.u32 $0x4000, s31;
	s1 =	sadd.s32 s1, s30  }
0xba: {  	s0 =	sor.u32 s3, s0;
	s1 =	sshll.u32 s1, $0x11  }
0xbb: {  	s0 =	sor.u32 s1, s0  }
0xbc: {  	s0 =	sadd.s32 $0x8F2B, s0  }
0xbd: {  	[sflag:s0] =	ssyncadd.remote.s32 $0x1  }
0xbe: {  	_ =	sfence.sel $0xFFFF  }
0xbf: {  	[dreg:$0x0] =	wrdreg $0xFFFFFFFF;
	(pc) =	sbr.abs _section_cstart, $3  }
0xc0: {  	[dreg:$0x1] =	wrdreg $0xFFFFFFFF  }
0xc1: {  	_ =	task.clear_ibuf [dreg:s6], $0x2FFFF;
	_ =	strace $0x9FFFFFFF  }
0xc2: {  	(tm) =	ssettm $0x7FFFFFFF  }
0xc3: {  	_ =	shalt  }
tec
execute0_lowered:
.L_overlay_start_1:
0x0: {  	(tag) =	ssettag $0x1  }
0x1: {  	s0 =	rddreg [dreg:$0x0];
	s1 =	srdreg.scid  }
0x2: {  	s9 =	stileid.u32;
	s2 =	rddreg [dreg:$0x1];
	s5 =	simm.s32 $0x0  }
0x3: {  	s15 =	simm.s32 $0x880;
	[smem:$0x7FF] =	sst s5;
	s10 =	sadd.s32 $0x19200, s0  }
0x4: {  	s16 =	simm.s32 $0x900;
	_ =	strace $0x8000004A;
	[dreg:$0x14] =	wrdreg s10  }
0x5: {  	s17 =	simm.s32 $0x980;
	s18 =	simm.s32 $0xA00;
	[dreg:$0x5] =	wrdreg s15  }
0x6: {  	s19 =	simm.s32 $0xA80;
	s20 =	simm.s32 $0xB00;
	[dreg:$0x6] =	wrdreg s16  }
0x7: {  	s21 =	simm.s32 $0xB80;
	s22 =	simm.s32 $0xC00;
	[dreg:$0x7] =	wrdreg s17  }
0x8: {  	s23 =	simm.s32 $0xC80;
	s24 =	simm.s32 $0xD00;
	[dreg:$0x8] =	wrdreg s18  }
0x9: {  	s25 =	simm.s32 $0xD80;
	s26 =	simm.s32 $0xE00;
	[dreg:$0x9] =	wrdreg s19  }
0xa: {  	s28 =	simm.s32 $0xE80;
	s30 =	simm.s32 $0xF00;
	[dreg:$0xa] =	wrdreg s20  }
0xb: {  	s31 =	simm.s32 $0xF80;
	s29 =	simm.s32 $0x0;
	[dreg:$0xb] =	wrdreg s21  }
0xc: {  	s1 =	sand.u32 $0x1, s1;
	s3 =	smul.u32 $0x2800, s9;
	[dreg:$0xc] =	wrdreg s22  }
0xd: {  	s5 =	sadd.s32 $0x43A00, s0;
	s8 =	smul.u32 $0x50000, s9;
	[dreg:$0xd] =	wrdreg s23  }
0xe: {  	s14 =	sshll.u32 s9, $0x6;
	s4 =	smul.u32 $0x28000, s1;
	[dreg:$0xe] =	wrdreg s24  }
0xf: {  	s7 =	ssub.s32 $0x2, s1;
	p0 =	sne.s32 s1, $0x0;
	[dreg:$0xf] =	wrdreg s25  }
0x10: {  	s15 =	simm.s32 $0x1000;
	s16 =	simm.s32 $0x3;
	[dreg:$0x10] =	wrdreg s26  }
0x11: {  	p1 =	seq.s32 s1, $0x0;
	s17 =	simm.s32 $0x2;
	[dreg:$0x11] =	wrdreg s28  }
0x12: {  	s18 =	simm.s32 $0x5000;
	[dreg:$0x12] =	wrdreg s30;
	s19 =	simm.s32 $0x4  }
0x13: {  	[dreg:$0x13] =	wrdreg s31;
	s1 =	simm.s32 $0x0;
	s3 =	sadd.s32 s3, s4  }
0x14: {  	s11 =	sshrl.u32 s7, $0x1;
	s12 =	sshrl.u32 s8, $0x2;
	s6 =	sshrl.u32 s3, $0x3  }
0x15: {  	s8 =	sor.u32 $0x1C05, s14;
	s14 =	simm.s32 $0x80;
	s6 =	sadd.s32 s6, s0  }
0x16: {  	s4 =	sadd.s32 $0x1BA00, s0;
	[dreg:$0x15] =	wrdreg s8;
	s13 =	sadd.s32 $0xF200, s6  }
0x17: {  	s0 =	sadd.s32 s3, s0;
	s6 =	sadd.s32 $0x5200, s6;
	[dreg:$0x3] =	wrdreg s13  }
0x18: {  	s3 =	ssub.s32 s7, s11;
	s0 =	sadd.s32 $0x93A00, s0;
	[dreg:$0x4] =	wrdreg s6  }
0x19: {  	s7 =	sadd.s32 s12, s2;
	s3 =	smax.u32 s3, $0x1;
	[dreg:$0x16] =	wrdreg s0  }
0x1a: {  	s11 =	simm.s32 $0x5;
	[dreg:$0x17] =	wrdreg s3;
	s3 =	sshrl.u32 s7, $0x3  }
0x1b: {  	s12 =	simm.s32 $0x800;
	s13 =	simm.s32 $0x1;
	[dreg:$0x18] =	wrdreg s3  }
.LBB2_1:
0x1c: {  	[dreg:$0x19] =	wrdreg s1  }
0x1d: {  	s0 =	rddreg [dreg:$0x14]  }
0x1e: {  	[spmem:s3], [sflag:s8] =	dma.local [hbm:s0], $0x2800  }
0x1f: {  	_ =	swait.ge [sflag:s11], $0x2800  }
0x20: {  	[sflag:s11] =	ssyncset.done $0x0  }
0x21: {  	[sflag:s11] =	ssyncadd.s32 $0xFFFFD800  }
0x22: {  	[bflag:$0x0] =	sbarrier.arrive $0xFFFF  }
0x23: {  	s3 =	rddreg [dreg:$0x4]  }
0x24: {  	s6 =	simm.s32 $0x0;
	s0 =	sadd.s32 $0x0, s3  }
0x25: {  	[tilespmem:s6], [sflag:$0x5] =	stream.linear.gather [hbm4b:s0+s6], $0x800, $0x38;
	[tilespmem:$0x1D000] =	vst v63  }
0x26: {  	_ =	swait.ge [sflag:s11], $0x800  }
0x27: {  	s7 =	rddreg [dreg:$0x3];
	[sflag:s11] =	ssyncset.done $0x0  }
0x28: {  	[sflag:s11] =	ssyncadd.s32 $0xFFFFF800;
	s0 =	sadd.s32 $0x0, s7  }
0x29: {  	[tilespmem:s12], [sflag:$0x5] =	stream.linear.gather [hbm4b:s0+s6], $0x800, $0x38;
	[tilespmem:$0x1D000] =	vst v63  }
0x2a: {  	_ =	swait.ge [sflag:s11], $0x800  }
0x2b: {  	s21 =	simm.s32 @p0 $0x1000;
	[sflag:s11] =	ssyncset.done $0x0  }
0x2c: {  	s22 =	simm.s32 @p0 $0x80;
	s0 =	simm.s32 @p0 $0x0;
	[sflag:s11] =	ssyncadd.s32 $0xFFFFF800  }
0x2d: {  	[tilespmem:s21], [sflag:$0x1] =	stream.indirect.gather @p0 [hbm4b:s5+s22], $0x80, s0, s22, $0xb8;
	[tilespmem:$0x1D000] =	vst v63  }
0x2e: {  	s0 =	simm.s32 @p0 $0x5000  }
0x2f: {  	[tilespmem:s0], [sflag:$0x2] =	stream.indirect.gather @p0 [hbm4b:s5+s22], $0x80, s22, s22, $0xb8;
	[tilespmem:$0x1D000] =	vst v63  }
0x30: {  	s25 =	simm.s32 @!p0 $0x80;
	s28 =	simm.s32 @!p0 $0x1000;
	s0 =	simm.s32 @!p0 $0x0  }
0x31: {  	[tilespmem:s28], [sflag:$0x1] =	stream.indirect.gather @!p0 [hbm4b:s4+s25], $0x80, s0, s25, $0xb8;
	[tilespmem:$0x1D000] =	vst v63  }
0x32: {  	s0 =	simm.s32 @!p0 $0x5000  }
0x33: {  	[tilespmem:s0], [sflag:$0x2] =	stream.indirect.gather @!p0 [hbm4b:s4+s25], $0x80, s25, s25, $0xb8;
	[tilespmem:$0x1D000] =	vst v63  }
0x34: {  	_ =	swait.ge [sflag:s13], $0x4000  }
0x35: {  	[sflag:s13] =	ssyncset.done $0x0  }
0x36: {  	[sflag:s13] =	ssyncadd.s32 $0xFFFFC000  }
0x37: {  	[spmem:s2] =	stream.indirect.scatter.add.f32 [tilespmem:s15], [sflag:$0x3], $0x80, s12, s14, $0xb8;
	[tilespmem:$0x1D000] =	vst v63  }
0x38: {  	_ =	swait.ge [sflag:s16], $0x4000  }
0x39: {  	[sflag:s16] =	ssyncset.done $0x0  }
0x3a: {  	s0 =	simm.s32 @p0 $0x100;
	[sflag:s16] =	ssyncadd.s32 $0xFFFFC000  }
0x3b: {  	[tilespmem:s21], [sflag:$0x1] =	stream.indirect.gather @p0 [hbm4b:s5+s22], $0x80, s0, s22, $0xb8;
	[tilespmem:$0x1D000] =	vst v63  }
0x3c: {  	s0 =	simm.s32 @!p0 $0x100  }
0x3d: {  	[tilespmem:s28], [sflag:$0x1] =	stream.indirect.gather @!p0 [hbm4b:s4+s25], $0x80, s0, s25, $0xb8;
	[tilespmem:$0x1D000] =	vst v63  }
0x3e: {  	_ =	swait.ge [sflag:s17], $0x4000  }
0x3f: {  	[sflag:s17] =	ssyncset.done $0x0  }
0x40: {  	s8 =	rddreg [dreg:$0x5];
	[sflag:s17] =	ssyncadd.s32 $0xFFFFC000  }
0x41: {  	[spmem:s2] =	stream.indirect.scatter.add.f32 [tilespmem:s18], [sflag:$0x4], $0x80, s8, s14, $0xb8;
	[tilespmem:$0x1D000] =	vst v63  }
0x42: {  	_ =	swait.ge [sflag:s19], $0x4000  }
0x43: {  	s1 =	simm.s32 @p1 $0x5000;
	[sflag:s19] =	ssyncset.done $0x0  }
0x44: {  	s3 =	simm.s32 @p1 $0x180;
	s0 =	simm.s32 @p1 $0x80;
	[sflag:s19] =	ssyncadd.s32 $0xFFFFC000  }
0x45: {  	[tilespmem:s1], [sflag:$0x2] =	stream.indirect.gather @p1 [hbm4b:s4+s0], $0x80, s3, s0, $0xb8;
	[tilespmem:$0x1D000] =	vst v63  }
0x46: {  	s7 =	simm.s32 @!p1 $0x5000;
	s8 =	simm.s32 @!p1 $0x80;
	s3 =	simm.s32 @!p1 $0x180  }
0x47: {  	[tilespmem:s7], [sflag:$0x2] =	stream.indirect.gather @!p1 [hbm4b:s5+s8], $0x80, s3, s8, $0xb8;
	[tilespmem:$0x1D000] =	vst v63  }
0x48: {  	_ =	swait.ge [sflag:s13], $0x4000  }
0x49: {  	[sflag:s13] =	ssyncset.done $0x0  }
0x4a: {  	s9 =	rddreg [dreg:$0x6];
	[sflag:s13] =	ssyncadd.s32 $0xFFFFC000  }
0x4b: {  	[spmem:s2] =	stream.indirect.scatter.add.f32 [tilespmem:s15], [sflag:$0x3], $0x80, s9, s14, $0xb8;
	[tilespmem:$0x1D000] =	vst v63  }
0x4c: {  	_ =	swait.ge [sflag:s16], $0x4000  }
0x4d: {  	[sflag:s16] =	ssyncset.done $0x0  }
0x4e: {  	s20 =	simm.s32 @p1 $0x1000;
	s3 =	simm.s32 @p1 $0x200;
	[sflag:s16] =	ssyncadd.s32 $0xFFFFC000  }
0x4f: {  	[tilespmem:s20], [sflag:$0x1] =	stream.indirect.gather @p1 [hbm4b:s4+s0], $0x80, s3, s0, $0xb8;
	[tilespmem:$0x1D000] =	vst v63  }
0x50: {  	s24 =	simm.s32 @!p1 $0x1000;
	s3 =	simm.s32 @!p1 $0x200  }
0x51: {  	[tilespmem:s24], [sflag:$0x1] =	stream.indirect.gather @!p1 [hbm4b:s5+s8], $0x80, s3, s8, $0xb8;
	[tilespmem:$0x1D000] =	vst v63  }
0x52: {  	_ =	swait.ge [sflag:s17], $0x4000  }
0x53: {  	[sflag:s17] =	ssyncset.done $0x0  }
0x54: {  	s10 =	rddreg [dreg:$0x7];
	[sflag:s17] =	ssyncadd.s32 $0xFFFFC000  }
0x55: {  	[spmem:s2] =	stream.indirect.scatter.add.f32 [tilespmem:s18], [sflag:$0x4], $0x80, s10, s14, $0xb8;
	[tilespmem:$0x1D000] =	vst v63  }
0x56: {  	_ =	swait.ge [sflag:s19], $0x4000  }
0x57: {  	[sflag:s19] =	ssyncset.done $0x0  }
0x58: {  	s3 =	simm.s32 @p1 $0x280;
	[sflag:s19] =	ssyncadd.s32 $0xFFFFC000  }
0x59: {  	[tilespmem:s1], [sflag:$0x2] =	stream.indirect.gather @p1 [hbm4b:s4+s0], $0x80, s3, s0, $0xb8;
	[tilespmem:$0x1D000] =	vst v63  }
0x5a: {  	s3 =	simm.s32 @!p1 $0x280  }
0x5b: {  	[tilespmem:s7], [sflag:$0x2] =	stream.indirect.gather @!p1 [hbm4b:s5+s8], $0x80, s3, s8, $0xb8;
	[tilespmem:$0x1D000] =	vst v63  }
0x5c: {  	_ =	swait.ge [sflag:s13], $0x4000  }
0x5d: {  	[sflag:s13] =	ssyncset.done $0x0  }
0x5e: {  	s23 =	rddreg [dreg:$0x8];
	[sflag:s13] =	ssyncadd.s32 $0xFFFFC000  }
0x5f: {  	[spmem:s2] =	stream.indirect.scatter.add.f32 [tilespmem:s15], [sflag:$0x3], $0x80, s23, s14, $0xb8;
	[tilespmem:$0x1D000] =	vst v63  }
0x60: {  	_ =	swait.ge [sflag:s16], $0x4000  }
0x61: {  	[sflag:s16] =	ssyncset.done $0x0  }
0x62: {  	s3 =	simm.s32 @p1 $0x300;
	[sflag:s16] =	ssyncadd.s32 $0xFFFFC000  }
0x63: {  	[tilespmem:s20], [sflag:$0x1] =	stream.indirect.gather @p1 [hbm4b:s4+s0], $0x80, s3, s0, $0xb8;
	[tilespmem:$0x1D000] =	vst v63  }
0x64: {  	s3 =	simm.s32 @!p1 $0x300  }
0x65: {  	[tilespmem:s24], [sflag:$0x1] =	stream.indirect.gather @!p1 [hbm4b:s5+s8], $0x80, s3, s8, $0xb8;
	[tilespmem:$0x1D000] =	vst v63  }
0x66: {  	_ =	swait.ge [sflag:s17], $0x4000  }
0x67: {  	[sflag:s17] =	ssyncset.done $0x0  }
0x68: {  	s26 =	rddreg [dreg:$0x9];
	[sflag:s17] =	ssyncadd.s32 $0xFFFFC000  }
0x69: {  	[spmem:s2] =	stream.indirect.scatter.add.f32 [tilespmem:s18], [sflag:$0x4], $0x80, s26, s14, $0xb8;
	[tilespmem:$0x1D000] =	vst v63  }
0x6a: {  	_ =	swait.ge [sflag:s19], $0x4000  }
0x6b: {  	[sflag:s19] =	ssyncset.done $0x0  }
0x6c: {  	s3 =	simm.s32 @p1 $0x380;
	[sflag:s19] =	ssyncadd.s32 $0xFFFFC000  }
0x6d: {  	[tilespmem:s1], [sflag:$0x2] =	stream.indirect.gather @p1 [hbm4b:s4+s0], $0x80, s3, s0, $0xb8;
	[tilespmem:$0x1D000] =	vst v63  }
0x6e: {  	s3 =	simm.s32 @!p1 $0x380  }
0x6f: {  	[tilespmem:s7], [sflag:$0x2] =	stream.indirect.gather @!p1 [hbm4b:s5+s8], $0x80, s3, s8, $0xb8;
	[tilespmem:$0x1D000] =	vst v63  }
0x70: {  	_ =	swait.ge [sflag:s13], $0x4000  }
0x71: {  	[sflag:s13] =	ssyncset.done $0x0  }
0x72: {  	s6 =	rddreg [dreg:$0xa];
	[sflag:s13] =	ssyncadd.s32 $0xFFFFC000  }
0x73: {  	[spmem:s2] =	stream.indirect.scatter.add.f32 [tilespmem:s15], [sflag:$0x3], $0x80, s6, s14, $0xb8;
	[tilespmem:$0x1D000] =	vst v63  }
0x74: {  	_ =	swait.ge [sflag:s16], $0x4000  }
0x75: {  	[sflag:s16] =	ssyncset.done $0x0  }
0x76: {  	s3 =	simm.s32 @p1 $0x400;
	[sflag:s16] =	ssyncadd.s32 $0xFFFFC000  }
0x77: {  	[tilespmem:s20], [sflag:$0x1] =	stream.indirect.gather @p1 [hbm4b:s4+s0], $0x80, s3, s0, $0xb8;
	[tilespmem:$0x1D000] =	vst v63  }
0x78: {  	s3 =	simm.s32 @!p1 $0x400  }
0x79: {  	[tilespmem:s24], [sflag:$0x1] =	stream.indirect.gather @!p1 [hbm4b:s5+s8], $0x80, s3, s8, $0xb8;
	[tilespmem:$0x1D000] =	vst v63  }
0x7a: {  	_ =	swait.ge [sflag:s17], $0x4000  }
0x7b: {  	[sflag:s17] =	ssyncset.done $0x0  }
0x7c: {  	s9 =	rddreg [dreg:$0xb];
	[sflag:s17] =	ssyncadd.s32 $0xFFFFC000  }
0x7d: {  	[spmem:s2] =	stream.indirect.scatter.add.f32 [tilespmem:s18], [sflag:$0x4], $0x80, s9, s14, $0xb8;
	[tilespmem:$0x1D000] =	vst v63  }
0x7e: {  	_ =	swait.ge [sflag:s19], $0x4000  }
0x7f: {  	[sflag:s19] =	ssyncset.done $0x0  }
0x80: {  	s3 =	simm.s32 @p1 $0x480;
	[sflag:s19] =	ssyncadd.s32 $0xFFFFC000  }
0x81: {  	[tilespmem:s1], [sflag:$0x2] =	stream.indirect.gather @p1 [hbm4b:s4+s0], $0x80, s3, s0, $0xb8;
	[tilespmem:$0x1D000] =	vst v63  }
0x82: {  	s3 =	simm.s32 @!p1 $0x480  }
0x83: {  	[tilespmem:s7], [sflag:$0x2] =	stream.indirect.gather @!p1 [hbm4b:s5+s8], $0x80, s3, s8, $0xb8;
	[tilespmem:$0x1D000] =	vst v63  }
0x84: {  	_ =	swait.ge [sflag:s13], $0x4000  }
0x85: {  	[sflag:s13] =	ssyncset.done $0x0  }
0x86: {  	s10 =	rddreg [dreg:$0xc];
	[sflag:s13] =	ssyncadd.s32 $0xFFFFC000  }
0x87: {  	[spmem:s2] =	stream.indirect.scatter.add.f32 [tilespmem:s15], [sflag:$0x3], $0x80, s10, s14, $0xb8;
	[tilespmem:$0x1D000] =	vst v63  }
0x88: {  	_ =	swait.ge [sflag:s16], $0x4000  }
0x89: {  	[sflag:s16] =	ssyncset.done $0x0  }
0x8a: {  	s3 =	simm.s32 @p1 $0x500;
	[sflag:s16] =	ssyncadd.s32 $0xFFFFC000  }
0x8b: {  	[tilespmem:s20], [sflag:$0x1] =	stream.indirect.gather @p1 [hbm4b:s4+s0], $0x80, s3, s0, $0xb8;
	[tilespmem:$0x1D000] =	vst v63  }
0x8c: {  	s3 =	simm.s32 @!p1 $0x500  }
0x8d: {  	[tilespmem:s24], [sflag:$0x1] =	stream.indirect.gather @!p1 [hbm4b:s5+s8], $0x80, s3, s8, $0xb8;
	[tilespmem:$0x1D000] =	vst v63  }
0x8e: {  	_ =	swait.ge [sflag:s17], $0x4000  }
0x8f: {  	[sflag:s17] =	ssyncset.done $0x0  }
0x90: {  	s23 =	rddreg [dreg:$0xd];
	[sflag:s17] =	ssyncadd.s32 $0xFFFFC000  }
0x91: {  	[spmem:s2] =	stream.indirect.scatter.add.f32 [tilespmem:s18], [sflag:$0x4], $0x80, s23, s14, $0xb8;
	[tilespmem:$0x1D000] =	vst v63  }
0x92: {  	_ =	swait.ge [sflag:s19], $0x4000  }
0x93: {  	[sflag:s19] =	ssyncset.done $0x0  }
0x94: {  	s3 =	simm.s32 @p1 $0x580;
	[sflag:s19] =	ssyncadd.s32 $0xFFFFC000  }
0x95: {  	[tilespmem:s1], [sflag:$0x2] =	stream.indirect.gather @p1 [hbm4b:s4+s0], $0x80, s3, s0, $0xb8;
	[tilespmem:$0x1D000] =	vst v63  }
0x96: {  	s3 =	simm.s32 @!p1 $0x580  }
0x97: {  	[tilespmem:s7], [sflag:$0x2] =	stream.indirect.gather @!p1 [hbm4b:s5+s8], $0x80, s3, s8, $0xb8;
	[tilespmem:$0x1D000] =	vst v63  }
0x98: {  	_ =	swait.ge [sflag:s13], $0x4000  }
0x99: {  	[sflag:s13] =	ssyncset.done $0x0  }
0x9a: {  	s26 =	rddreg [dreg:$0xe];
	[sflag:s13] =	ssyncadd.s32 $0xFFFFC000  }
0x9b: {  	[spmem:s2] =	stream.indirect.scatter.add.f32 [tilespmem:s15], [sflag:$0x3], $0x80, s26, s14, $0xb8;
	[tilespmem:$0x1D000] =	vst v63  }
0x9c: {  	_ =	swait.ge [sflag:s16], $0x4000  }
0x9d: {  	[sflag:s16] =	ssyncset.done $0x0  }
0x9e: {  	s3 =	simm.s32 @p1 $0x600;
	[sflag:s16] =	ssyncadd.s32 $0xFFFFC000  }
0x9f: {  	[tilespmem:s20], [sflag:$0x1] =	stream.indirect.gather @p1 [hbm4b:s4+s0], $0x80, s3, s0, $0xb8;
	[tilespmem:$0x1D000] =	vst v63  }
0xa0: {  	s3 =	simm.s32 @!p1 $0x600  }
0xa1: {  	[tilespmem:s24], [sflag:$0x1] =	stream.indirect.gather @!p1 [hbm4b:s5+s8], $0x80, s3, s8, $0xb8;
	[tilespmem:$0x1D000] =	vst v63  }
0xa2: {  	_ =	swait.ge [sflag:s17], $0x4000  }
0xa3: {  	[sflag:s17] =	ssyncset.done $0x0  }
0xa4: {  	s6 =	rddreg [dreg:$0xf];
	[sflag:s17] =	ssyncadd.s32 $0xFFFFC000  }
0xa5: {  	[spmem:s2] =	stream.indirect.scatter.add.f32 [tilespmem:s18], [sflag:$0x4], $0x80, s6, s14, $0xb8;
	[tilespmem:$0x1D000] =	vst v63  }
0xa6: {  	_ =	swait.ge [sflag:s19], $0x4000  }
0xa7: {  	[sflag:s19] =	ssyncset.done $0x0  }
0xa8: {  	s3 =	simm.s32 @p1 $0x680;
	[sflag:s19] =	ssyncadd.s32 $0xFFFFC000  }
0xa9: {  	[tilespmem:s1], [sflag:$0x2] =	stream.indirect.gather @p1 [hbm4b:s4+s0], $0x80, s3, s0, $0xb8;
	[tilespmem:$0x1D000] =	vst v63  }
0xaa: {  	s3 =	simm.s32 @!p1 $0x680  }
0xab: {  	[tilespmem:s7], [sflag:$0x2] =	stream.indirect.gather @!p1 [hbm4b:s5+s8], $0x80, s3, s8, $0xb8;
	[tilespmem:$0x1D000] =	vst v63  }
0xac: {  	_ =	swait.ge [sflag:s13], $0x4000  }
0xad: {  	[sflag:s13] =	ssyncset.done $0x0  }
0xae: {  	s9 =	rddreg [dreg:$0x10];
	[sflag:s13] =	ssyncadd.s32 $0xFFFFC000  }
0xaf: {  	[spmem:s2] =	stream.indirect.scatter.add.f32 [tilespmem:s15], [sflag:$0x3], $0x80, s9, s14, $0xb8;
	[tilespmem:$0x1D000] =	vst v63  }
0xb0: {  	_ =	swait.ge [sflag:s16], $0x4000  }
0xb1: {  	[sflag:s16] =	ssyncset.done $0x0  }
0xb2: {  	s30 =	simm.s32 @p1 $0x700;
	[sflag:s16] =	ssyncadd.s32 $0xFFFFC000  }
0xb3: {  	[tilespmem:s20], [sflag:$0x1] =	stream.indirect.gather @p1 [hbm4b:s4+s0], $0x80, s30, s0, $0xb8;
	[tilespmem:$0x1D000] =	vst v63  }
0xb4: {  	s31 =	simm.s32 @!p1 $0x700  }
0xb5: {  	[tilespmem:s24], [sflag:$0x1] =	stream.indirect.gather @!p1 [hbm4b:s5+s8], $0x80, s31, s8, $0xb8;
	[tilespmem:$0x1D000] =	vst v63  }
0xb6: {  	_ =	swait.ge [sflag:s17], $0x4000  }
0xb7: {  	[sflag:s17] =	ssyncset.done $0x0  }
0xb8: {  	s10 =	rddreg [dreg:$0x11];
	[sflag:s17] =	ssyncadd.s32 $0xFFFFC000  }
0xb9: {  	[spmem:s2] =	stream.indirect.scatter.add.f32 [tilespmem:s18], [sflag:$0x4], $0x80, s10, s14, $0xb8;
	[tilespmem:$0x1D000] =	vst v63  }
0xba: {  	_ =	swait.ge [sflag:s19], $0x4000  }
0xbb: {  	[sflag:s19] =	ssyncset.done $0x0  }
0xbc: {  	s6 =	simm.s32 @p1 $0x780;
	[sflag:s19] =	ssyncadd.s32 $0xFFFFC000  }
0xbd: {  	[tilespmem:s1], [sflag:$0x2] =	stream.indirect.gather @p1 [hbm4b:s4+s0], $0x80, s6, s0, $0xb8;
	[tilespmem:$0x1D000] =	vst v63  }
0xbe: {  	s9 =	simm.s32 @!p1 $0x780  }
0xbf: {  	[tilespmem:s7], [sflag:$0x2] =	stream.indirect.gather @!p1 [hbm4b:s5+s8], $0x80, s9, s8, $0xb8;
	[tilespmem:$0x1D000] =	vst v63  }
0xc0: {  	_ =	swait.ge [sflag:s13], $0x4000  }
0xc1: {  	[sflag:s13] =	ssyncset.done $0x0  }
0xc2: {  	s23 =	rddreg [dreg:$0x12];
	[sflag:s13] =	ssyncadd.s32 $0xFFFFC000  }
0xc3: {  	[spmem:s2] =	stream.indirect.scatter.add.f32 [tilespmem:s15], [sflag:$0x3], $0x80, s23, s14, $0xb8;
	[tilespmem:$0x1D000] =	vst v63  }
0xc4: {  	_ =	swait.ge [sflag:s17], $0x4000  }
0xc5: {  	[sflag:s17] =	ssyncset.done $0x0  }
0xc6: {  	s26 =	rddreg [dreg:$0x13];
	[sflag:s17] =	ssyncadd.s32 $0xFFFFC000  }
0xc7: {  	[spmem:s2] =	stream.indirect.scatter.add.f32 [tilespmem:s18], [sflag:$0x4], $0x80, s26, s14, $0xb8;
	[tilespmem:$0x1D000] =	vst v63  }
0xc8: {  	_ =	swait.ge [sflag:s16], $0x4000  }
0xc9: {  	[sflag:s16] =	ssyncset.done $0x0  }
0xca: {  	[sflag:s16] =	ssyncadd.s32 $0xFFFFC000  }
0xcb: {  	s3 =	simm.s32 $0x100;
	_ =	swait.ge [sflag:s19], $0x4000  }
0xcc: {  	s10 =	simm.s32 $0x200;
	[sflag:s19] =	ssyncset.done $0x0;
	s23 =	rddreg [dreg:$0x4]  }
.LBB2_2:
0xcd: {  	[sflag:s19] =	ssyncadd.s32 $0xFFFFC000;
	s23 =	sadd.s32 s3, s23  }
0xce: {  	[tilespmem:s29], [sflag:$0x5] =	stream.linear.gather [hbm4b:s23+s29], $0x800, $0x38;
	[tilespmem:$0x1D000] =	vst v63  }
0xcf: {  	_ =	swait.ge [sflag:s11], $0x800  }
0xd0: {  	s23 =	rddreg [dreg:$0x3];
	[sflag:s11] =	ssyncset.done $0x0  }
0xd1: {  	[sflag:s11] =	ssyncadd.s32 $0xFFFFF800;
	s23 =	sadd.s32 s3, s23  }
0xd2: {  	[tilespmem:s12], [sflag:$0x5] =	stream.linear.gather [hbm4b:s23+s29], $0x800, $0x38;
	[tilespmem:$0x1D000] =	vst v63  }
0xd3: {  	_ =	swait.ge [sflag:s11], $0x800  }
0xd4: {  	[sflag:s11] =	ssyncset.done $0x0  }
0xd5: {  	s23 =	simm.s32 @p0 $0x0;
	[sflag:s11] =	ssyncadd.s32 $0xFFFFF800  }
0xd6: {  	[tilespmem:s21], [sflag:$0x1] =	stream.indirect.gather @p0 [hbm4b:s5+s22], $0x80, s23, s22, $0xb8;
	[tilespmem:$0x1D000] =	vst v63  }
0xd7: {  	s23 =	simm.s32 @p0 $0x5000  }
0xd8: {  	[tilespmem:s23], [sflag:$0x2] =	stream.indirect.gather @p0 [hbm4b:s5+s22], $0x80, s22, s22, $0xb8;
	[tilespmem:$0x1D000] =	vst v63  }
0xd9: {  	s23 =	simm.s32 @!p0 $0x0  }
0xda: {  	[tilespmem:s28], [sflag:$0x1] =	stream.indirect.gather @!p0 [hbm4b:s4+s25], $0x80, s23, s25, $0xb8;
	[tilespmem:$0x1D000] =	vst v63  }
0xdb: {  	s23 =	simm.s32 @!p0 $0x5000  }
0xdc: {  	[tilespmem:s23], [sflag:$0x2] =	stream.indirect.gather @!p0 [hbm4b:s4+s25], $0x80, s25, s25, $0xb8;
	[tilespmem:$0x1D000] =	vst v63  }
0xdd: {  	_ =	swait.ge [sflag:s13], $0x4000  }
0xde: {  	[sflag:s13] =	ssyncset.done $0x0  }
0xdf: {  	[sflag:s13] =	ssyncadd.s32 $0xFFFFC000  }
0xe0: {  	[spmem:s2] =	stream.indirect.scatter.add.f32 [tilespmem:s15], [sflag:$0x3], $0x80, s12, s14, $0xb8;
	[tilespmem:$0x1D000] =	vst v63  }
0xe1: {  	_ =	swait.ge [sflag:s16], $0x4000  }
0xe2: {  	[sflag:s16] =	ssyncset.done $0x0  }
0xe3: {  	s23 =	simm.s32 @p0 $0x100;
	[sflag:s16] =	ssyncadd.s32 $0xFFFFC000  }
0xe4: {  	[tilespmem:s21], [sflag:$0x1] =	stream.indirect.gather @p0 [hbm4b:s5+s22], $0x80, s23, s22, $0xb8;
	[tilespmem:$0x1D000] =	vst v63  }
0xe5: {  	s23 =	simm.s32 @!p0 $0x100  }
0xe6: {  	[tilespmem:s28], [sflag:$0x1] =	stream.indirect.gather @!p0 [hbm4b:s4+s25], $0x80, s23, s25, $0xb8;
	[tilespmem:$0x1D000] =	vst v63  }
0xe7: {  	_ =	swait.ge [sflag:s17], $0x4000  }
0xe8: {  	s26 =	smov.u32 s10;
	[sflag:s17] =	ssyncset.done $0x0  }
0xe9: {  	s3 =	smov.u32 s26;
	s26 =	rddreg [dreg:$0x5];
	[sflag:s17] =	ssyncadd.s32 $0xFFFFC000  }
0xea: {  	[spmem:s2] =	stream.indirect.scatter.add.f32 [tilespmem:s18], [sflag:$0x4], $0x80, s26, s14, $0xb8;
	[tilespmem:$0x1D000] =	vst v63  }
0xeb: {  	_ =	swait.ge [sflag:s19], $0x4000  }
0xec: {  	[sflag:s19] =	ssyncset.done $0x0  }
0xed: {  	s23 =	simm.s32 @p1 $0x180;
	[sflag:s19] =	ssyncadd.s32 $0xFFFFC000  }
0xee: {  	[tilespmem:s1], [sflag:$0x2] =	stream.indirect.gather @p1 [hbm4b:s4+s0], $0x80, s23, s0, $0xb8;
	[tilespmem:$0x1D000] =	vst v63  }
0xef: {  	s23 =	simm.s32 @!p1 $0x180  }
0xf0: {  	[tilespmem:s7], [sflag:$0x2] =	stream.indirect.gather @!p1 [hbm4b:s5+s8], $0x80, s23, s8, $0xb8;
	[tilespmem:$0x1D000] =	vst v63  }
0xf1: {  	_ =	swait.ge [sflag:s13], $0x4000  }
0xf2: {  	[sflag:s13] =	ssyncset.done $0x0  }
0xf3: {  	s26 =	rddreg [dreg:$0x6];
	[sflag:s13] =	ssyncadd.s32 $0xFFFFC000  }
0xf4: {  	[spmem:s2] =	stream.indirect.scatter.add.f32 [tilespmem:s15], [sflag:$0x3], $0x80, s26, s14, $0xb8;
	[tilespmem:$0x1D000] =	vst v63  }
0xf5: {  	_ =	swait.ge [sflag:s16], $0x4000  }
0xf6: {  	[sflag:s16] =	ssyncset.done $0x0  }
0xf7: {  	s23 =	simm.s32 @p1 $0x200;
	[sflag:s16] =	ssyncadd.s32 $0xFFFFC000  }
0xf8: {  	[tilespmem:s20], [sflag:$0x1] =	stream.indirect.gather @p1 [hbm4b:s4+s0], $0x80, s23, s0, $0xb8;
	[tilespmem:$0x1D000] =	vst v63  }
0xf9: {  	s23 =	simm.s32 @!p1 $0x200  }
0xfa: {  	[tilespmem:s24], [sflag:$0x1] =	stream.indirect.gather @!p1 [hbm4b:s5+s8], $0x80, s23, s8, $0xb8;
	[tilespmem:$0x1D000] =	vst v63  }
0xfb: {  	_ =	swait.ge [sflag:s17], $0x4000  }
0xfc: {  	[sflag:s17] =	ssyncset.done $0x0  }
0xfd: {  	s26 =	rddreg [dreg:$0x7];
	[sflag:s17] =	ssyncadd.s32 $0xFFFFC000  }
0xfe: {  	[spmem:s2] =	stream.indirect.scatter.add.f32 [tilespmem:s18], [sflag:$0x4], $0x80, s26, s14, $0xb8;
	[tilespmem:$0x1D000] =	vst v63  }
0xff: {  	_ =	swait.ge [sflag:s19], $0x4000  }
0x100: {  	[sflag:s19] =	ssyncset.done $0x0  }
0x101: {  	s23 =	simm.s32 @p1 $0x280;
	[sflag:s19] =	ssyncadd.s32 $0xFFFFC000  }
0x102: {  	[tilespmem:s1], [sflag:$0x2] =	stream.indirect.gather @p1 [hbm4b:s4+s0], $0x80, s23, s0, $0xb8;
	[tilespmem:$0x1D000] =	vst v63  }
0x103: {  	s23 =	simm.s32 @!p1 $0x280  }
0x104: {  	[tilespmem:s7], [sflag:$0x2] =	stream.indirect.gather @!p1 [hbm4b:s5+s8], $0x80, s23, s8, $0xb8;
	[tilespmem:$0x1D000] =	vst v63  }
0x105: {  	_ =	swait.ge [sflag:s13], $0x4000  }
0x106: {  	[sflag:s13] =	ssyncset.done $0x0  }
0x107: {  	s26 =	rddreg [dreg:$0x8];
	[sflag:s13] =	ssyncadd.s32 $0xFFFFC000  }
0x108: {  	[spmem:s2] =	stream.indirect.scatter.add.f32 [tilespmem:s15], [sflag:$0x3], $0x80, s26, s14, $0xb8;
	[tilespmem:$0x1D000] =	vst v63  }
0x109: {  	_ =	swait.ge [sflag:s16], $0x4000  }
0x10a: {  	[sflag:s16] =	ssyncset.done $0x0  }
0x10b: {  	s23 =	simm.s32 @p1 $0x300;
	[sflag:s16] =	ssyncadd.s32 $0xFFFFC000  }
0x10c: {  	[tilespmem:s20], [sflag:$0x1] =	stream.indirect.gather @p1 [hbm4b:s4+s0], $0x80, s23, s0, $0xb8;
	[tilespmem:$0x1D000] =	vst v63  }
0x10d: {  	s23 =	simm.s32 @!p1 $0x300  }
0x10e: {  	[tilespmem:s24], [sflag:$0x1] =	stream.indirect.gather @!p1 [hbm4b:s5+s8], $0x80, s23, s8, $0xb8;
	[tilespmem:$0x1D000] =	vst v63  }
0x10f: {  	_ =	swait.ge [sflag:s17], $0x4000  }
0x110: {  	[sflag:s17] =	ssyncset.done $0x0  }
0x111: {  	s26 =	rddreg [dreg:$0x9];
	[sflag:s17] =	ssyncadd.s32 $0xFFFFC000  }
0x112: {  	[spmem:s2] =	stream.indirect.scatter.add.f32 [tilespmem:s18], [sflag:$0x4], $0x80, s26, s14, $0xb8;
	[tilespmem:$0x1D000] =	vst v63  }
0x113: {  	_ =	swait.ge [sflag:s19], $0x4000  }
0x114: {  	[sflag:s19] =	ssyncset.done $0x0  }
0x115: {  	s23 =	simm.s32 @p1 $0x380;
	[sflag:s19] =	ssyncadd.s32 $0xFFFFC000  }
0x116: {  	[tilespmem:s1], [sflag:$0x2] =	stream.indirect.gather @p1 [hbm4b:s4+s0], $0x80, s23, s0, $0xb8;
	[tilespmem:$0x1D000] =	vst v63  }
0x117: {  	s23 =	simm.s32 @!p1 $0x380  }
0x118: {  	[tilespmem:s7], [sflag:$0x2] =	stream.indirect.gather @!p1 [hbm4b:s5+s8], $0x80, s23, s8, $0xb8;
	[tilespmem:$0x1D000] =	vst v63  }
0x119: {  	_ =	swait.ge [sflag:s13], $0x4000  }
0x11a: {  	[sflag:s13] =	ssyncset.done $0x0  }
0x11b: {  	s26 =	rddreg [dreg:$0xa];
	[sflag:s13] =	ssyncadd.s32 $0xFFFFC000  }
0x11c: {  	[spmem:s2] =	stream.indirect.scatter.add.f32 [tilespmem:s15], [sflag:$0x3], $0x80, s26, s14, $0xb8;
	[tilespmem:$0x1D000] =	vst v63  }
0x11d: {  	_ =	swait.ge [sflag:s16], $0x4000  }
0x11e: {  	[sflag:s16] =	ssyncset.done $0x0  }
0x11f: {  	s23 =	simm.s32 @p1 $0x400;
	[sflag:s16] =	ssyncadd.s32 $0xFFFFC000  }
0x120: {  	[tilespmem:s20], [sflag:$0x1] =	stream.indirect.gather @p1 [hbm4b:s4+s0], $0x80, s23, s0, $0xb8;
	[tilespmem:$0x1D000] =	vst v63  }
0x121: {  	s23 =	simm.s32 @!p1 $0x400  }
0x122: {  	[tilespmem:s24], [sflag:$0x1] =	stream.indirect.gather @!p1 [hbm4b:s5+s8], $0x80, s23, s8, $0xb8;
	[tilespmem:$0x1D000] =	vst v63  }
0x123: {  	_ =	swait.ge [sflag:s17], $0x4000  }
0x124: {  	[sflag:s17] =	ssyncset.done $0x0  }
0x125: {  	s26 =	rddreg [dreg:$0xb];
	[sflag:s17] =	ssyncadd.s32 $0xFFFFC000  }
0x126: {  	[spmem:s2] =	stream.indirect.scatter.add.f32 [tilespmem:s18], [sflag:$0x4], $0x80, s26, s14, $0xb8;
	[tilespmem:$0x1D000] =	vst v63  }
0x127: {  	_ =	swait.ge [sflag:s19], $0x4000  }
0x128: {  	[sflag:s19] =	ssyncset.done $0x0  }
0x129: {  	s23 =	simm.s32 @p1 $0x480;
	[sflag:s19] =	ssyncadd.s32 $0xFFFFC000  }
0x12a: {  	[tilespmem:s1], [sflag:$0x2] =	stream.indirect.gather @p1 [hbm4b:s4+s0], $0x80, s23, s0, $0xb8;
	[tilespmem:$0x1D000] =	vst v63  }
0x12b: {  	s23 =	simm.s32 @!p1 $0x480  }
0x12c: {  	[tilespmem:s7], [sflag:$0x2] =	stream.indirect.gather @!p1 [hbm4b:s5+s8], $0x80, s23, s8, $0xb8;
	[tilespmem:$0x1D000] =	vst v63  }
0x12d: {  	_ =	swait.ge [sflag:s13], $0x4000  }
0x12e: {  	[sflag:s13] =	ssyncset.done $0x0  }
0x12f: {  	s26 =	rddreg [dreg:$0xc];
	[sflag:s13] =	ssyncadd.s32 $0xFFFFC000  }
0x130: {  	[spmem:s2] =	stream.indirect.scatter.add.f32 [tilespmem:s15], [sflag:$0x3], $0x80, s26, s14, $0xb8;
	[tilespmem:$0x1D000] =	vst v63  }
0x131: {  	_ =	swait.ge [sflag:s16], $0x4000  }
0x132: {  	[sflag:s16] =	ssyncset.done $0x0  }
0x133: {  	s23 =	simm.s32 @p1 $0x500;
	[sflag:s16] =	ssyncadd.s32 $0xFFFFC000  }
0x134: {  	[tilespmem:s20], [sflag:$0x1] =	stream.indirect.gather @p1 [hbm4b:s4+s0], $0x80, s23, s0, $0xb8;
	[tilespmem:$0x1D000] =	vst v63  }
0x135: {  	s23 =	simm.s32 @!p1 $0x500  }
0x136: {  	[tilespmem:s24], [sflag:$0x1] =	stream.indirect.gather @!p1 [hbm4b:s5+s8], $0x80, s23, s8, $0xb8;
	[tilespmem:$0x1D000] =	vst v63  }
0x137: {  	_ =	swait.ge [sflag:s17], $0x4000  }
0x138: {  	[sflag:s17] =	ssyncset.done $0x0  }
0x139: {  	s26 =	rddreg [dreg:$0xd];
	[sflag:s17] =	ssyncadd.s32 $0xFFFFC000  }
0x13a: {  	[spmem:s2] =	stream.indirect.scatter.add.f32 [tilespmem:s18], [sflag:$0x4], $0x80, s26, s14, $0xb8;
	[tilespmem:$0x1D000] =	vst v63  }
0x13b: {  	_ =	swait.ge [sflag:s19], $0x4000  }
0x13c: {  	[sflag:s19] =	ssyncset.done $0x0  }
0x13d: {  	s23 =	simm.s32 @p1 $0x580;
	[sflag:s19] =	ssyncadd.s32 $0xFFFFC000  }
0x13e: {  	[tilespmem:s1], [sflag:$0x2] =	stream.indirect.gather @p1 [hbm4b:s4+s0], $0x80, s23, s0, $0xb8;
	[tilespmem:$0x1D000] =	vst v63  }
0x13f: {  	s23 =	simm.s32 @!p1 $0x580  }
0x140: {  	[tilespmem:s7], [sflag:$0x2] =	stream.indirect.gather @!p1 [hbm4b:s5+s8], $0x80, s23, s8, $0xb8;
	[tilespmem:$0x1D000] =	vst v63  }
0x141: {  	_ =	swait.ge [sflag:s13], $0x4000  }
0x142: {  	[sflag:s13] =	ssyncset.done $0x0  }
0x143: {  	s26 =	rddreg [dreg:$0xe];
	[sflag:s13] =	ssyncadd.s32 $0xFFFFC000  }
0x144: {  	[spmem:s2] =	stream.indirect.scatter.add.f32 [tilespmem:s15], [sflag:$0x3], $0x80, s26, s14, $0xb8;
	[tilespmem:$0x1D000] =	vst v63  }
0x145: {  	_ =	swait.ge [sflag:s16], $0x4000  }
0x146: {  	[sflag:s16] =	ssyncset.done $0x0  }
0x147: {  	s23 =	simm.s32 @p1 $0x600;
	[sflag:s16] =	ssyncadd.s32 $0xFFFFC000  }
0x148: {  	[tilespmem:s20], [sflag:$0x1] =	stream.indirect.gather @p1 [hbm4b:s4+s0], $0x80, s23, s0, $0xb8;
	[tilespmem:$0x1D000] =	vst v63  }
0x149: {  	s23 =	simm.s32 @!p1 $0x600  }
0x14a: {  	[tilespmem:s24], [sflag:$0x1] =	stream.indirect.gather @!p1 [hbm4b:s5+s8], $0x80, s23, s8, $0xb8;
	[tilespmem:$0x1D000] =	vst v63  }
0x14b: {  	_ =	swait.ge [sflag:s17], $0x4000  }
0x14c: {  	[sflag:s17] =	ssyncset.done $0x0  }
0x14d: {  	s26 =	rddreg [dreg:$0xf];
	[sflag:s17] =	ssyncadd.s32 $0xFFFFC000  }
0x14e: {  	[spmem:s2] =	stream.indirect.scatter.add.f32 [tilespmem:s18], [sflag:$0x4], $0x80, s26, s14, $0xb8;
	[tilespmem:$0x1D000] =	vst v63  }
0x14f: {  	_ =	swait.ge [sflag:s19], $0x4000  }
0x150: {  	[sflag:s19] =	ssyncset.done $0x0  }
0x151: {  	s23 =	simm.s32 @p1 $0x680;
	[sflag:s19] =	ssyncadd.s32 $0xFFFFC000  }
0x152: {  	[tilespmem:s1], [sflag:$0x2] =	stream.indirect.gather @p1 [hbm4b:s4+s0], $0x80, s23, s0, $0xb8;
	[tilespmem:$0x1D000] =	vst v63  }
0x153: {  	s23 =	simm.s32 @!p1 $0x680  }
0x154: {  	[tilespmem:s7], [sflag:$0x2] =	stream.indirect.gather @!p1 [hbm4b:s5+s8], $0x80, s23, s8, $0xb8;
	[tilespmem:$0x1D000] =	vst v63  }
0x155: {  	_ =	swait.ge [sflag:s13], $0x4000  }
0x156: {  	[sflag:s13] =	ssyncset.done $0x0  }
0x157: {  	s26 =	rddreg [dreg:$0x10];
	[sflag:s13] =	ssyncadd.s32 $0xFFFFC000  }
0x158: {  	[spmem:s2] =	stream.indirect.scatter.add.f32 [tilespmem:s15], [sflag:$0x3], $0x80, s26, s14, $0xb8;
	[tilespmem:$0x1D000] =	vst v63  }
0x159: {  	_ =	swait.ge [sflag:s16], $0x4000  }
0x15a: {  	[sflag:s16] =	ssyncset.done $0x0  }
0x15b: {  	[sflag:s16] =	ssyncadd.s32 $0xFFFFC000  }
0x15c: {  	[tilespmem:s20], [sflag:$0x1] =	stream.indirect.gather @p1 [hbm4b:s4+s0], $0x80, s30, s0, $0xb8;
	[tilespmem:$0x1D000] =	vst v63  }
0x15d: {  	_ = 	snop  }
0x15e: {  	[tilespmem:s24], [sflag:$0x1] =	stream.indirect.gather @!p1 [hbm4b:s5+s8], $0x80, s31, s8, $0xb8;
	[tilespmem:$0x1D000] =	vst v63  }
0x15f: {  	_ =	swait.ge [sflag:s17], $0x4000  }
0x160: {  	[sflag:s17] =	ssyncset.done $0x0  }
0x161: {  	s26 =	rddreg [dreg:$0x11];
	[sflag:s17] =	ssyncadd.s32 $0xFFFFC000  }
0x162: {  	[spmem:s2] =	stream.indirect.scatter.add.f32 [tilespmem:s18], [sflag:$0x4], $0x80, s26, s14, $0xb8;
	[tilespmem:$0x1D000] =	vst v63  }
0x163: {  	_ =	swait.ge [sflag:s19], $0x4000  }
0x164: {  	[sflag:s19] =	ssyncset.done $0x0  }
0x165: {  	[sflag:s19] =	ssyncadd.s32 $0xFFFFC000  }
0x166: {  	[tilespmem:s1], [sflag:$0x2] =	stream.indirect.gather @p1 [hbm4b:s4+s0], $0x80, s6, s0, $0xb8;
	[tilespmem:$0x1D000] =	vst v63  }
0x167: {  	_ = 	snop  }
0x168: {  	[tilespmem:s7], [sflag:$0x2] =	stream.indirect.gather @!p1 [hbm4b:s5+s8], $0x80, s9, s8, $0xb8;
	[tilespmem:$0x1D000] =	vst v63  }
0x169: {  	_ =	swait.ge [sflag:s13], $0x4000  }
0x16a: {  	[sflag:s13] =	ssyncset.done $0x0  }
0x16b: {  	s26 =	rddreg [dreg:$0x12];
	[sflag:s13] =	ssyncadd.s32 $0xFFFFC000  }
0x16c: {  	[spmem:s2] =	stream.indirect.scatter.add.f32 [tilespmem:s15], [sflag:$0x3], $0x80, s26, s14, $0xb8;
	[tilespmem:$0x1D000] =	vst v63  }
0x16d: {  	_ =	swait.ge [sflag:s17], $0x4000  }
0x16e: {  	s10 =	sadd.s32 $0x100, s10;
	[sflag:s17] =	ssyncset.done $0x0  }
0x16f: {  	p2 =	sne.s32 s10, $0x500;
	s26 =	rddreg [dreg:$0x13];
	[sflag:s17] =	ssyncadd.s32 $0xFFFFC000  }
0x170: {  	[spmem:s2] =	stream.indirect.scatter.add.f32 [tilespmem:s18], [sflag:$0x4], $0x80, s26, s14, $0xb8;
	[tilespmem:$0x1D000] =	vst v63  }
.Ltmp0:
0x171: {  	_ =	swait.ge [sflag:s16], $0x4000;
	(pc) =	sbr.rel @p2 .LBB2_2-.Ltmp0, $4  }
0x172: {  	[sflag:s16] =	ssyncset.done $0x0  }
0x173: {  	[sflag:s16] =	ssyncadd.s32 $0xFFFFC000  }
0x174: {  	_ =	swait.ge [sflag:s19], $0x4000  }
0x175: {  	s23 =	rddreg [dreg:$0x4];
	[sflag:s19] =	ssyncset.done $0x0  }
0x176: {  	[sflag:s19] =	ssyncadd.s32 $0xFFFFC000;
	s0 =	sadd.s32 s3, s23;
	s1 =	simm.s32 $0x0  }
0x177: {  	[tilespmem:s1], [sflag:$0x5] =	stream.linear.gather [hbm4b:s0+s1], $0x800, $0x38;
	[tilespmem:$0x1D000] =	vst v63  }
0x178: {  	_ =	swait.ge [sflag:s11], $0x800  }
0x179: {  	s22 =	rddreg [dreg:$0x3];
	[sflag:s11] =	ssyncset.done $0x0  }
0x17a: {  	[sflag:s11] =	ssyncadd.s32 $0xFFFFF800;
	s0 =	sadd.s32 s3, s22  }
0x17b: {  	[tilespmem:s12], [sflag:$0x5] =	stream.linear.gather [hbm4b:s0+s1], $0x800, $0x38;
	[tilespmem:$0x1D000] =	vst v63  }
0x17c: {  	_ =	swait.ge [sflag:s11], $0x800  }
0x17d: {  	s3 =	simm.s32 @p0 $0x0;
	[sflag:s11] =	ssyncset.done $0x0  }
0x17e: {  	s0 =	simm.s32 @p0 $0x1000;
	s1 =	simm.s32 @p0 $0x80;
	[sflag:s11] =	ssyncadd.s32 $0xFFFFF800  }
0x17f: {  	[tilespmem:s0], [sflag:$0x1] =	stream.indirect.gather @p0 [hbm4b:s5+s1], $0x80, s3, s1, $0xb8;
	[tilespmem:$0x1D000] =	vst v63  }
0x180: {  	s3 =	simm.s32 @p0 $0x5000  }
0x181: {  	[tilespmem:s3], [sflag:$0x2] =	stream.indirect.gather @p0 [hbm4b:s5+s1], $0x80, s1, s1, $0xb8;
	[tilespmem:$0x1D000] =	vst v63  }
0x182: {  	s6 =	simm.s32 @!p0 $0x0;
	s7 =	simm.s32 @!p0 $0x1000;
	s3 =	simm.s32 @!p0 $0x80  }
0x183: {  	[tilespmem:s7], [sflag:$0x1] =	stream.indirect.gather @!p0 [hbm4b:s4+s3], $0x80, s6, s3, $0xb8;
	[tilespmem:$0x1D000] =	vst v63  }
0x184: {  	s6 =	simm.s32 @!p0 $0x5000  }
0x185: {  	[tilespmem:s6], [sflag:$0x2] =	stream.indirect.gather @!p0 [hbm4b:s4+s3], $0x80, s3, s3, $0xb8;
	[tilespmem:$0x1D000] =	vst v63  }
0x186: {  	_ =	swait.ge [sflag:s13], $0x4000  }
0x187: {  	[sflag:s13] =	ssyncset.done $0x0  }
0x188: {  	[sflag:s13] =	ssyncadd.s32 $0xFFFFC000  }
0x189: {  	[spmem:s2] =	stream.indirect.scatter.add.f32 [tilespmem:s15], [sflag:$0x3], $0x80, s12, s14, $0xb8;
	[tilespmem:$0x1D000] =	vst v63  }
0x18a: {  	_ =	swait.ge [sflag:s16], $0x4000  }
0x18b: {  	[sflag:s16] =	ssyncset.done $0x0  }
0x18c: {  	s6 =	simm.s32 @p0 $0x100;
	[sflag:s16] =	ssyncadd.s32 $0xFFFFC000  }
0x18d: {  	[tilespmem:s0], [sflag:$0x1] =	stream.indirect.gather @p0 [hbm4b:s5+s1], $0x80, s6, s1, $0xb8;
	[tilespmem:$0x1D000] =	vst v63  }
0x18e: {  	s0 =	simm.s32 @!p0 $0x100  }
0x18f: {  	[tilespmem:s7], [sflag:$0x1] =	stream.indirect.gather @!p0 [hbm4b:s4+s3], $0x80, s0, s3, $0xb8;
	[tilespmem:$0x1D000] =	vst v63  }
0x190: {  	_ =	swait.ge [sflag:s17], $0x4000  }
0x191: {  	[sflag:s17] =	ssyncset.done $0x0  }
0x192: {  	s23 =	rddreg [dreg:$0x5];
	[sflag:s17] =	ssyncadd.s32 $0xFFFFC000  }
0x193: {  	[spmem:s2] =	stream.indirect.scatter.add.f32 [tilespmem:s18], [sflag:$0x4], $0x80, s23, s14, $0xb8;
	[tilespmem:$0x1D000] =	vst v63  }
0x194: {  	_ =	swait.ge [sflag:s19], $0x4000  }
0x195: {  	s1 =	simm.s32 @p1 $0x80;
	[sflag:s19] =	ssyncset.done $0x0  }
0x196: {  	s0 =	simm.s32 @p1 $0x5000;
	s3 =	simm.s32 @p1 $0x180;
	[sflag:s19] =	ssyncadd.s32 $0xFFFFC000  }
0x197: {  	[tilespmem:s0], [sflag:$0x2] =	stream.indirect.gather @p1 [hbm4b:s4+s1], $0x80, s3, s1, $0xb8;
	[tilespmem:$0x1D000] =	vst v63  }
0x198: {  	s6 =	simm.s32 @!p1 $0x5000;
	s7 =	simm.s32 @!p1 $0x180;
	s3 =	simm.s32 @!p1 $0x80  }
0x199: {  	[tilespmem:s6], [sflag:$0x2] =	stream.indirect.gather @!p1 [hbm4b:s5+s3], $0x80, s7, s3, $0xb8;
	[tilespmem:$0x1D000] =	vst v63  }
0x19a: {  	_ =	swait.ge [sflag:s13], $0x4000  }
0x19b: {  	[sflag:s13] =	ssyncset.done $0x0  }
0x19c: {  	s24 =	rddreg [dreg:$0x6];
	[sflag:s13] =	ssyncadd.s32 $0xFFFFC000  }
0x19d: {  	[spmem:s2] =	stream.indirect.scatter.add.f32 [tilespmem:s15], [sflag:$0x3], $0x80, s24, s14, $0xb8;
	[tilespmem:$0x1D000] =	vst v63  }
0x19e: {  	_ =	swait.ge [sflag:s16], $0x4000  }
0x19f: {  	[sflag:s16] =	ssyncset.done $0x0  }
0x1a0: {  	s8 =	simm.s32 @p1 $0x200;
	s7 =	simm.s32 @p1 $0x1000;
	[sflag:s16] =	ssyncadd.s32 $0xFFFFC000  }
0x1a1: {  	[tilespmem:s7], [sflag:$0x1] =	stream.indirect.gather @p1 [hbm4b:s4+s1], $0x80, s8, s1, $0xb8;
	[tilespmem:$0x1D000] =	vst v63  }
0x1a2: {  	s9 =	simm.s32 @!p1 $0x200;
	s8 =	simm.s32 @!p1 $0x1000  }
0x1a3: {  	[tilespmem:s8], [sflag:$0x1] =	stream.indirect.gather @!p1 [hbm4b:s5+s3], $0x80, s9, s3, $0xb8;
	[tilespmem:$0x1D000] =	vst v63  }
0x1a4: {  	_ =	swait.ge [sflag:s17], $0x4000  }
0x1a5: {  	[sflag:s17] =	ssyncset.done $0x0  }
0x1a6: {  	s25 =	rddreg [dreg:$0x7];
	[sflag:s17] =	ssyncadd.s32 $0xFFFFC000  }
0x1a7: {  	[spmem:s2] =	stream.indirect.scatter.add.f32 [tilespmem:s18], [sflag:$0x4], $0x80, s25, s14, $0xb8;
	[tilespmem:$0x1D000] =	vst v63  }
0x1a8: {  	_ =	swait.ge [sflag:s19], $0x4000  }
0x1a9: {  	[sflag:s19] =	ssyncset.done $0x0  }
0x1aa: {  	s9 =	simm.s32 @p1 $0x280;
	[sflag:s19] =	ssyncadd.s32 $0xFFFFC000  }
0x1ab: {  	[tilespmem:s0], [sflag:$0x2] =	stream.indirect.gather @p1 [hbm4b:s4+s1], $0x80, s9, s1, $0xb8;
	[tilespmem:$0x1D000] =	vst v63  }
0x1ac: {  	s9 =	simm.s32 @!p1 $0x280  }
0x1ad: {  	[tilespmem:s6], [sflag:$0x2] =	stream.indirect.gather @!p1 [hbm4b:s5+s3], $0x80, s9, s3, $0xb8;
	[tilespmem:$0x1D000] =	vst v63  }
0x1ae: {  	_ =	swait.ge [sflag:s13], $0x4000  }
0x1af: {  	[sflag:s13] =	ssyncset.done $0x0  }
0x1b0: {  	s26 =	rddreg [dreg:$0x8];
	[sflag:s13] =	ssyncadd.s32 $0xFFFFC000  }
0x1b1: {  	[spmem:s2] =	stream.indirect.scatter.add.f32 [tilespmem:s15], [sflag:$0x3], $0x80, s26, s14, $0xb8;
	[tilespmem:$0x1D000] =	vst v63  }
0x1b2: {  	_ =	swait.ge [sflag:s16], $0x4000  }
0x1b3: {  	[sflag:s16] =	ssyncset.done $0x0  }
0x1b4: {  	s9 =	simm.s32 @p1 $0x300;
	[sflag:s16] =	ssyncadd.s32 $0xFFFFC000  }
0x1b5: {  	[tilespmem:s7], [sflag:$0x1] =	stream.indirect.gather @p1 [hbm4b:s4+s1], $0x80, s9, s1, $0xb8;
	[tilespmem:$0x1D000] =	vst v63  }
0x1b6: {  	s9 =	simm.s32 @!p1 $0x300  }
0x1b7: {  	[tilespmem:s8], [sflag:$0x1] =	stream.indirect.gather @!p1 [hbm4b:s5+s3], $0x80, s9, s3, $0xb8;
	[tilespmem:$0x1D000] =	vst v63  }
0x1b8: {  	_ =	swait.ge [sflag:s17], $0x4000  }
0x1b9: {  	[sflag:s17] =	ssyncset.done $0x0  }
0x1ba: {  	s28 =	rddreg [dreg:$0x9];
	[sflag:s17] =	ssyncadd.s32 $0xFFFFC000  }
0x1bb: {  	[spmem:s2] =	stream.indirect.scatter.add.f32 [tilespmem:s18], [sflag:$0x4], $0x80, s28, s14, $0xb8;
	[tilespmem:$0x1D000] =	vst v63  }
0x1bc: {  	_ =	swait.ge [sflag:s19], $0x4000  }
0x1bd: {  	[sflag:s19] =	ssyncset.done $0x0  }
0x1be: {  	s9 =	simm.s32 @p1 $0x380;
	[sflag:s19] =	ssyncadd.s32 $0xFFFFC000  }
0x1bf: {  	[tilespmem:s0], [sflag:$0x2] =	stream.indirect.gather @p1 [hbm4b:s4+s1], $0x80, s9, s1, $0xb8;
	[tilespmem:$0x1D000] =	vst v63  }
0x1c0: {  	s9 =	simm.s32 @!p1 $0x380  }
0x1c1: {  	[tilespmem:s6], [sflag:$0x2] =	stream.indirect.gather @!p1 [hbm4b:s5+s3], $0x80, s9, s3, $0xb8;
	[tilespmem:$0x1D000] =	vst v63  }
0x1c2: {  	_ =	swait.ge [sflag:s13], $0x4000  }
0x1c3: {  	[sflag:s13] =	ssyncset.done $0x0  }
0x1c4: {  	s30 =	rddreg [dreg:$0xa];
	[sflag:s13] =	ssyncadd.s32 $0xFFFFC000  }
0x1c5: {  	[spmem:s2] =	stream.indirect.scatter.add.f32 [tilespmem:s15], [sflag:$0x3], $0x80, s30, s14, $0xb8;
	[tilespmem:$0x1D000] =	vst v63  }
0x1c6: {  	_ =	swait.ge [sflag:s16], $0x4000  }
0x1c7: {  	[sflag:s16] =	ssyncset.done $0x0  }
0x1c8: {  	s9 =	simm.s32 @p1 $0x400;
	[sflag:s16] =	ssyncadd.s32 $0xFFFFC000  }
0x1c9: {  	[tilespmem:s7], [sflag:$0x1] =	stream.indirect.gather @p1 [hbm4b:s4+s1], $0x80, s9, s1, $0xb8;
	[tilespmem:$0x1D000] =	vst v63  }
0x1ca: {  	s9 =	simm.s32 @!p1 $0x400  }
0x1cb: {  	[tilespmem:s8], [sflag:$0x1] =	stream.indirect.gather @!p1 [hbm4b:s5+s3], $0x80, s9, s3, $0xb8;
	[tilespmem:$0x1D000] =	vst v63  }
0x1cc: {  	_ =	swait.ge [sflag:s17], $0x4000  }
0x1cd: {  	[sflag:s17] =	ssyncset.done $0x0  }
0x1ce: {  	s31 =	rddreg [dreg:$0xb];
	[sflag:s17] =	ssyncadd.s32 $0xFFFFC000  }
0x1cf: {  	[spmem:s2] =	stream.indirect.scatter.add.f32 [tilespmem:s18], [sflag:$0x4], $0x80, s31, s14, $0xb8;
	[tilespmem:$0x1D000] =	vst v63  }
0x1d0: {  	_ =	swait.ge [sflag:s19], $0x4000  }
0x1d1: {  	[sflag:s19] =	ssyncset.done $0x0  }
0x1d2: {  	s9 =	simm.s32 @p1 $0x480;
	[sflag:s19] =	ssyncadd.s32 $0xFFFFC000  }
0x1d3: {  	[tilespmem:s0], [sflag:$0x2] =	stream.indirect.gather @p1 [hbm4b:s4+s1], $0x80, s9, s1, $0xb8;
	[tilespmem:$0x1D000] =	vst v63  }
0x1d4: {  	s9 =	simm.s32 @!p1 $0x480  }
0x1d5: {  	[tilespmem:s6], [sflag:$0x2] =	stream.indirect.gather @!p1 [hbm4b:s5+s3], $0x80, s9, s3, $0xb8;
	[tilespmem:$0x1D000] =	vst v63  }
0x1d6: {  	_ =	swait.ge [sflag:s13], $0x4000  }
0x1d7: {  	[sflag:s13] =	ssyncset.done $0x0  }
0x1d8: {  	s10 =	rddreg [dreg:$0xc];
	[sflag:s13] =	ssyncadd.s32 $0xFFFFC000  }
0x1d9: {  	[spmem:s2] =	stream.indirect.scatter.add.f32 [tilespmem:s15], [sflag:$0x3], $0x80, s10, s14, $0xb8;
	[tilespmem:$0x1D000] =	vst v63  }
0x1da: {  	_ =	swait.ge [sflag:s16], $0x4000  }
0x1db: {  	[sflag:s16] =	ssyncset.done $0x0  }
0x1dc: {  	s9 =	simm.s32 @p1 $0x500;
	[sflag:s16] =	ssyncadd.s32 $0xFFFFC000  }
0x1dd: {  	[tilespmem:s7], [sflag:$0x1] =	stream.indirect.gather @p1 [hbm4b:s4+s1], $0x80, s9, s1, $0xb8;
	[tilespmem:$0x1D000] =	vst v63  }
0x1de: {  	s9 =	simm.s32 @!p1 $0x500  }
0x1df: {  	[tilespmem:s8], [sflag:$0x1] =	stream.indirect.gather @!p1 [hbm4b:s5+s3], $0x80, s9, s3, $0xb8;
	[tilespmem:$0x1D000] =	vst v63  }
0x1e0: {  	_ =	swait.ge [sflag:s17], $0x4000  }
0x1e1: {  	[sflag:s17] =	ssyncset.done $0x0  }
0x1e2: {  	s20 =	rddreg [dreg:$0xd];
	[sflag:s17] =	ssyncadd.s32 $0xFFFFC000  }
0x1e3: {  	[spmem:s2] =	stream.indirect.scatter.add.f32 [tilespmem:s18], [sflag:$0x4], $0x80, s20, s14, $0xb8;
	[tilespmem:$0x1D000] =	vst v63  }
0x1e4: {  	_ =	swait.ge [sflag:s19], $0x4000  }
0x1e5: {  	[sflag:s19] =	ssyncset.done $0x0  }
0x1e6: {  	s9 =	simm.s32 @p1 $0x580;
	[sflag:s19] =	ssyncadd.s32 $0xFFFFC000  }
0x1e7: {  	[tilespmem:s0], [sflag:$0x2] =	stream.indirect.gather @p1 [hbm4b:s4+s1], $0x80, s9, s1, $0xb8;
	[tilespmem:$0x1D000] =	vst v63  }
0x1e8: {  	s9 =	simm.s32 @!p1 $0x580  }
0x1e9: {  	[tilespmem:s6], [sflag:$0x2] =	stream.indirect.gather @!p1 [hbm4b:s5+s3], $0x80, s9, s3, $0xb8;
	[tilespmem:$0x1D000] =	vst v63  }
0x1ea: {  	_ =	swait.ge [sflag:s13], $0x4000  }
0x1eb: {  	[sflag:s13] =	ssyncset.done $0x0  }
0x1ec: {  	s21 =	rddreg [dreg:$0xe];
	[sflag:s13] =	ssyncadd.s32 $0xFFFFC000  }
0x1ed: {  	[spmem:s2] =	stream.indirect.scatter.add.f32 [tilespmem:s15], [sflag:$0x3], $0x80, s21, s14, $0xb8;
	[tilespmem:$0x1D000] =	vst v63  }
0x1ee: {  	_ =	swait.ge [sflag:s16], $0x4000  }
0x1ef: {  	[sflag:s16] =	ssyncset.done $0x0  }
0x1f0: {  	s9 =	simm.s32 @p1 $0x600;
	[sflag:s16] =	ssyncadd.s32 $0xFFFFC000  }
0x1f1: {  	[tilespmem:s7], [sflag:$0x1] =	stream.indirect.gather @p1 [hbm4b:s4+s1], $0x80, s9, s1, $0xb8;
	[tilespmem:$0x1D000] =	vst v63  }
0x1f2: {  	s9 =	simm.s32 @!p1 $0x600  }
0x1f3: {  	[tilespmem:s8], [sflag:$0x1] =	stream.indirect.gather @!p1 [hbm4b:s5+s3], $0x80, s9, s3, $0xb8;
	[tilespmem:$0x1D000] =	vst v63  }
0x1f4: {  	_ =	swait.ge [sflag:s17], $0x4000  }
0x1f5: {  	[sflag:s17] =	ssyncset.done $0x0  }
0x1f6: {  	s22 =	rddreg [dreg:$0xf];
	[sflag:s17] =	ssyncadd.s32 $0xFFFFC000  }
0x1f7: {  	[spmem:s2] =	stream.indirect.scatter.add.f32 [tilespmem:s18], [sflag:$0x4], $0x80, s22, s14, $0xb8;
	[tilespmem:$0x1D000] =	vst v63  }
0x1f8: {  	_ =	swait.ge [sflag:s19], $0x4000  }
0x1f9: {  	[sflag:s19] =	ssyncset.done $0x0  }
0x1fa: {  	s9 =	simm.s32 @p1 $0x680;
	[sflag:s19] =	ssyncadd.s32 $0xFFFFC000  }
0x1fb: {  	[tilespmem:s0], [sflag:$0x2] =	stream.indirect.gather @p1 [hbm4b:s4+s1], $0x80, s9, s1, $0xb8;
	[tilespmem:$0x1D000] =	vst v63  }
0x1fc: {  	s9 =	simm.s32 @!p1 $0x680  }
0x1fd: {  	[tilespmem:s6], [sflag:$0x2] =	stream.indirect.gather @!p1 [hbm4b:s5+s3], $0x80, s9, s3, $0xb8;
	[tilespmem:$0x1D000] =	vst v63  }
0x1fe: {  	_ =	swait.ge [sflag:s13], $0x4000  }
0x1ff: {  	[sflag:s13] =	ssyncset.done $0x0  }
0x200: {  	s23 =	rddreg [dreg:$0x10];
	[sflag:s13] =	ssyncadd.s32 $0xFFFFC000  }
0x201: {  	[spmem:s2] =	stream.indirect.scatter.add.f32 [tilespmem:s15], [sflag:$0x3], $0x80, s23, s14, $0xb8;
	[tilespmem:$0x1D000] =	vst v63  }
0x202: {  	_ =	swait.ge [sflag:s16], $0x4000  }
0x203: {  	[sflag:s16] =	ssyncset.done $0x0  }
0x204: {  	s9 =	simm.s32 @p1 $0x700;
	[sflag:s16] =	ssyncadd.s32 $0xFFFFC000  }
0x205: {  	[tilespmem:s7], [sflag:$0x1] =	stream.indirect.gather @p1 [hbm4b:s4+s1], $0x80, s9, s1, $0xb8;
	[tilespmem:$0x1D000] =	vst v63  }
0x206: {  	s7 =	simm.s32 @!p1 $0x700  }
0x207: {  	[tilespmem:s8], [sflag:$0x1] =	stream.indirect.gather @!p1 [hbm4b:s5+s3], $0x80, s7, s3, $0xb8;
	[tilespmem:$0x1D000] =	vst v63  }
0x208: {  	_ =	swait.ge [sflag:s17], $0x4000  }
0x209: {  	[sflag:s17] =	ssyncset.done $0x0  }
0x20a: {  	s24 =	rddreg [dreg:$0x11];
	[sflag:s17] =	ssyncadd.s32 $0xFFFFC000  }
0x20b: {  	[spmem:s2] =	stream.indirect.scatter.add.f32 [tilespmem:s18], [sflag:$0x4], $0x80, s24, s14, $0xb8;
	[tilespmem:$0x1D000] =	vst v63  }
0x20c: {  	_ =	swait.ge [sflag:s19], $0x4000  }
0x20d: {  	[sflag:s19] =	ssyncset.done $0x0  }
0x20e: {  	s7 =	simm.s32 @p1 $0x780;
	[sflag:s19] =	ssyncadd.s32 $0xFFFFC000  }
0x20f: {  	[tilespmem:s0], [sflag:$0x2] =	stream.indirect.gather @p1 [hbm4b:s4+s1], $0x80, s7, s1, $0xb8;
	[tilespmem:$0x1D000] =	vst v63  }
0x210: {  	s0 =	simm.s32 @!p1 $0x780  }
0x211: {  	[tilespmem:s6], [sflag:$0x2] =	stream.indirect.gather @!p1 [hbm4b:s5+s3], $0x80, s0, s3, $0xb8;
	[tilespmem:$0x1D000] =	vst v63  }
0x212: {  	_ =	swait.ge [sflag:s13], $0x4000  }
0x213: {  	[sflag:s13] =	ssyncset.done $0x0  }
0x214: {  	s25 =	rddreg [dreg:$0x12];
	[sflag:s13] =	ssyncadd.s32 $0xFFFFC000  }
0x215: {  	[spmem:s2] =	stream.indirect.scatter.add.f32 [tilespmem:s15], [sflag:$0x3], $0x80, s25, s14, $0xb8;
	[tilespmem:$0x1D000] =	vst v63  }
0x216: {  	_ =	swait.ge [sflag:s17], $0x4000  }
0x217: {  	[sflag:s17] =	ssyncset.done $0x0  }
0x218: {  	s26 =	rddreg [dreg:$0x13];
	[sflag:s17] =	ssyncadd.s32 $0xFFFFC000  }
0x219: {  	[spmem:s2] =	stream.indirect.scatter.add.f32 [tilespmem:s18], [sflag:$0x4], $0x80, s26, s14, $0xb8;
	[tilespmem:$0x1D000] =	vst v63  }
0x21a: {  	_ =	swait.ge [sflag:s16], $0x4000  }
0x21b: {  	[sflag:s16] =	ssyncset.done $0x0  }
0x21c: {  	[sflag:s16] =	ssyncadd.s32 $0xFFFFC000  }
0x21d: {  	_ =	swait.ge [sflag:s19], $0x4000  }
0x21e: {  	[sflag:s19] =	ssyncset.done $0x0  }
0x21f: {  	[sflag:s19] =	ssyncadd.s32 $0xFFFFC000  }
0x220: {  	[bflag:$0x0] =	sbarrier.arrive $0xFFFF  }
0x221: {  	s8 =	rddreg [dreg:$0x15]  }
0x222: {  	s28 =	rddreg [dreg:$0x16]  }
0x223: {  	s3 =	rddreg [dreg:$0x18]  }
0x224: {  	[hbm:s28], [sflag:s8] =	dma.local [spmem:s3], $0x2800  }
0x225: {  	_ =	swait.ge [sflag:s11], $0x2800  }
0x226: {  	s30 =	rddreg [dreg:$0x19]  }
0x227: {  	s31 =	rddreg [dreg:$0x17];
	s1 =	sadd.s32 $0x1, s30  }
0x228: {  	p2 =	sne.s32 s1, s31  }
.Ltmp1:
0x229: {  	_ = 	snop;
	(pc) =	sbr.rel @p2 .LBB2_1-.Ltmp1, $3  }
0x22a: {  	_ =	sdelay $0x1  }
0x22b: {  	[sflag:s11] =	ssyncset.done $0x0  }
0x22c: {  	[sflag:s11] =	ssyncadd.s32 $0xFFFFD800  }
0x22d: {  	_ =	sfence.sel $0x180000  }
0x22e: {  	[bflag:$0x0] =	sbarrier.arrive $0xFFFF  }
0x22f: {  	_ =	strace $0x9000004A  }
0x230: {  	s0 =	stileid.u32;
	[bflag:$0x2] =	sbarrier.arrive $0xFFFF  }
0x231: {  	p0 =	sne.s32 s0, $0x0;
	s0 =	rddreg [dreg:$0x2]  }
0x232: {  	s0 =	sadd.s32 @!p0 $0x100000, s0  }
0x233: {  	[sflag:s0] =	ssyncadd.tile.s32 @!p0 $0x1;
	_ =	shalt  }
.Lfunc_end2:
_tile_overlayer_lowered:
.L_overlay_start_2:
0x234: {  	(tag) =	ssettag $0x2  }
0x235: {  	s0 =	rddreg [dreg:$0x0];
	s2 =	stileid.u32  }
0x236: {  	s1 =	rddreg [dreg:$0x1];
	p0 =	sne.s32 s2, $0x0  }
0x237: {  	s3 =	rddreg [dreg:$0x2];
	[bflag:$0x3] =	sbarrier.arrive $0xFFFF;
	s2 =	simm.s32 @!p0 $0x1C05  }
0x238: {  	[timem:s3], [sflag:s2] =	dma.local @!p0 [hbm:s0], s1  }
0x239: {  	s0 =	simm.s32 @!p0 $0x5  }
0x23a: {  	_ =	swait.ge @!p0 [sflag:s0], s1  }
0x23b: {  	s1 =	ssub.s32 @!p0 $0x0, s1;
	[sflag:s0] =	ssyncset.done @!p0 $0x0  }
0x23c: {  	[sflag:s0] =	ssyncadd.s32 @!p0 s1  }
0x23d: {  	[bflag:$0x3] =	sbarrier.arrive $0xFFFF  }
0x23e: {  	_ =	shalt  }

// kernel: kernel.16.cloned.1.call-start
scs
__scs_entry_jumppad:
0x0: {  	(pc) =	sbr.rel $0x88, $3  }
0x1: {  	(tag) =	ssettag $0x0;
	lr =	simm.s32 $0x1  }
0x2: {  	[smem:$0x3F94] =	sst lr;
	_ =	strace $0xD0000000  }
0x3: {  	_ = 	snop  }
0x4: {  	_ = 	snop  }
0x5: {  	_ = 	snop  }
0x6: {  	_ = 	snop  }
0x7: {  	_ = 	snop  }
__scs_overlays_trampoline_lowered:
0x8: {  	[smem:$0x3FA3] =	sst s0  }
0x9: {  	[smem:$0x3FA4] =	sst s1  }
0xa: {  	[smem:$0x3FA5] =	sst s2  }
0xb: {  	[smem:$0x3FA6] =	sst s3  }
0xc: {  	[smem:$0x3FA7] =	sst s4  }
0xd: {  	[smem:$0x3FA8] =	sst s5  }
0xe: {  	[smem:$0x3FA9] =	sst s6  }
0xf: {  	[smem:$0x3FAA] =	sst s7  }
0x10: {  	[smem:$0x3FAB] =	sst s8  }
0x11: {  	[smem:$0x3FAC] =	sst s9;
	s0 =	simm.s32 @!p0 $0x0  }
0x12: {  	s1 =	sld [smem:$0x3F92];
	s0 =	simm.s32 @p0 $0x1  }
0x13: {  	[smem:$0x3FAD] =	sst s0;
	s0 =	simm.s32 @!p1 $0x0  }
0x14: {  	s2 =	sld [smem:$0x3F91];
	s0 =	simm.s32 @p1 $0x1  }
0x15: {  	[smem:$0x3FAE] =	sst s0;
	s0 =	simm.s32 @!p2 $0x0  }
0x16: {  	s3 =	sld [smem:$0x3FDB];
	s0 =	simm.s32 @p2 $0x1  }
0x17: {  	s4 =	simm.s32 $0x1BF5;
	[smem:$0x3FB0] =	sst s0  }
0x18: {  	s0 =	sld [smem:$0x3F93];
	_ =	swait.ge [sflag:s4], $0x0  }
0x19: {  	s7 =	sld [smem:$0x3F94]  }
0x1a: {  	s8 =	sadd.s32 $0xFFFFE003, lr  }
0x1b: {  	s9 =	sadd.s32 $0xFFFFFEF7, lr;
	s5 =	simm.s32 $0xFFFFFFFF;
	p2 =	slt.u32 s8, $0xFFFFF086  }
0x1c: {  	p1 =	slt.u32 s9, $0xF7A;
	s5 =	simm.s32 @!p2 $0x0  }
0x1d: {  	s5 =	simm.s32 @p1 $0x1;
	p0 =	seq.s32 s7, s2  }
0x1e: {  	s7 =	smul.u32 @!p0 $0xF7A, s2;
	p2 =	seq.s32 @!p0 s5, $0x0  }
0x1f: {  	s9 =	smul.u32 $0xF7A, s1;
	s8 =	simm.s32 @!p0 $0x1BF5;
	p2 =	por !p2, p0  }
0x20: {  	[sflag:s8] =	ssyncset.s32 @!p0 $0xFFFFF086;
	s6 =	sadd.s32 @!p0 s3, s7;
	s7 =	simm.s32 @!p0 $0x108  }
0x21: {  	s3 =	sadd.s32 s3, s9;
	s6 =	sadd.s32 @!p0 $0x88, s6;
	s7 =	simm.s32 @p2 $0x1082  }
0x22: {  	[simem:s7], [sflag:s8] =	dma.local @!p0 [hbm:s6], $0xF7A  }
0x23: {  	s9 =	sor.u32 $0xD0000000, s2;
	s6 =	simm.s32 $0x108;
	_ =	swait.ge @!p0 [sflag:s8], $0x0  }
0x24: {  	s3 =	sadd.s32 $0x88, s3;
	s6 =	simm.s32 @!p1 $0x1082;
	[sflag:s4] =	ssyncset.s32 $0xFFFFF086  }
0x25: {  	[simem:s6], [sflag:s4] =	dma.local [hbm:s3], $0xF7A  }
0x26: {  	[smem:$0x3F94] =	sst s1;
	(tag) =	ssettag s2;
	_ =	strace s9  }
0x27: {  	s1 =	sld [smem:$0x3FA4]  }
0x28: {  	s2 =	sld [smem:$0x3FA5]  }
0x29: {  	s4 =	sld [smem:$0x3FA7]  }
0x2a: {  	p0 =	seq.s32 s5, $0x0;
	s5 =	sld [smem:$0x3FA8]  }
0x2b: {  	s6 =	sld [smem:$0x3FA9]  }
0x2c: {  	s7 =	sld [smem:$0x3FAA]  }
0x2d: {  	s3 =	simm.s32 $0x108;
	s8 =	sld [smem:$0x3FAB]  }
0x2e: {  	s3 =	simm.s32 @!p0 $0x1082;
	s9 =	sld [smem:$0x3FAC]  }
0x2f: {  	lr =	sadd.s32 s0, s3;
	s0 =	sld [smem:$0x3FA3]  }
0x30: {  	s3 =	sld [smem:$0x3FA6]  }
0x31: {  	[smem:$0x3FAF] =	sst s10  }
0x32: {  	s10 =	sld [smem:$0x3FAD];
	_ =	sdelay $0x3  }
0x33: {  	p0 =	seq.s32 s10, $0x1;
	s10 =	sld [smem:$0x3FAF];
	_ =	sdelay $0x3  }
0x34: {  	[smem:$0x3FAF] =	sst s10  }
0x35: {  	s10 =	sld [smem:$0x3FAE];
	_ =	sdelay $0x3  }
0x36: {  	p1 =	seq.s32 s10, $0x1;
	s10 =	sld [smem:$0x3FAF];
	_ =	sdelay $0x3  }
0x37: {  	[smem:$0x3FAF] =	sst s10  }
0x38: {  	s10 =	sld [smem:$0x3FB0]  }
0x39: {  	_ = 	snop;
	(pc) =	sbr.ind lr, $3  }
0x3a: {  	_ = 	snop  }
0x3b: {  	_ = 	snop  }
0x3c: {  	p2 =	seq.s32 s10, $0x1;
	s10 =	sld [smem:$0x3FAF]  }
0x3d: {  	_ =	shalt  }
0x3e: {  	_ =	shalt  }
0x3f: {  	_ =	shalt  }
0x40: {  	_ =	shalt  }
0x41: {  	_ =	shalt  }
0x42: {  	_ =	shalt  }
0x43: {  	_ =	shalt  }
0x44: {  	_ =	shalt  }
0x45: {  	_ =	shalt  }
0x46: {  	_ =	shalt  }
0x47: {  	_ =	shalt  }
0x48: {  	_ =	shalt  }
0x49: {  	_ =	shalt  }
0x4a: {  	_ =	shalt  }
0x4b: {  	_ =	shalt  }
0x4c: {  	_ =	shalt  }
0x4d: {  	_ =	shalt  }
0x4e: {  	_ =	shalt  }
0x4f: {  	_ =	shalt  }
0x50: {  	_ =	shalt  }
0x51: {  	_ =	shalt  }
0x52: {  	_ =	shalt  }
0x53: {  	_ =	shalt  }
0x54: {  	_ =	shalt  }
0x55: {  	_ =	shalt  }
0x56: {  	_ =	shalt  }
0x57: {  	_ =	shalt  }
0x58: {  	_ =	shalt  }
0x59: {  	_ =	shalt  }
0x5a: {  	_ =	shalt  }
0x5b: {  	_ =	shalt  }
0x5c: {  	_ =	shalt  }
0x5d: {  	_ =	shalt  }
0x5e: {  	_ =	shalt  }
0x5f: {  	_ =	shalt  }
0x60: {  	_ =	shalt  }
0x61: {  	_ =	shalt  }
0x62: {  	_ =	shalt  }
0x63: {  	_ =	shalt  }
0x64: {  	_ =	shalt  }
0x65: {  	_ =	shalt  }
0x66: {  	_ =	shalt  }
0x67: {  	_ =	shalt  }
0x68: {  	_ =	shalt  }
0x69: {  	_ =	shalt  }
0x6a: {  	_ =	shalt  }
0x6b: {  	_ =	shalt  }
0x6c: {  	_ =	shalt  }
0x6d: {  	_ =	shalt  }
0x6e: {  	_ =	shalt  }
0x6f: {  	_ =	shalt  }
0x70: {  	_ =	shalt  }
0x71: {  	_ =	shalt  }
0x72: {  	_ =	shalt  }
0x73: {  	_ =	shalt  }
0x74: {  	_ =	shalt  }
0x75: {  	_ =	shalt  }
0x76: {  	_ =	shalt  }
0x77: {  	_ =	shalt  }
0x78: {  	_ =	shalt  }
0x79: {  	_ =	shalt  }
0x7a: {  	_ =	shalt  }
0x7b: {  	_ =	shalt  }
0x7c: {  	_ =	shalt  }
0x7d: {  	_ =	shalt  }
0x7e: {  	_ =	shalt  }
0x7f: {  	_ =	shalt  }
0x80: {  	_ =	shalt  }
0x81: {  	_ =	shalt  }
0x82: {  	_ =	shalt  }
0x83: {  	_ =	shalt  }
0x84: {  	_ =	shalt  }
0x85: {  	_ =	shalt  }
0x86: {  	_ =	shalt  }
0x87: {  	_ =	shalt  }
.Lfunc_end0:
.L_simem_size_0:
called_computation.2_lowered:
.L_overlay_start_0:
0x88: {  	s2 =	sld [smem:$0x3FD9]  }
0x89: {  	s3 =	sld [smem:$0x3FFE];
	_ =	sdelay $0x1  }
0x8a: {  	s1 =	srdreg.scid  }
0x8b: {  	s0 =	sand.u32 $0x1, s1  }
0x8c: {  	s16 =	sshll.u32 s0, $0xA;
	s2 =	sadd.s32 s3, s2  }
0x8d: {  	s2 =	sadd.s32 s2, s16  }
0x8e: {  	[smem:$0x3FBB] =	sst s2  }
0x8f: {  	_ = 	snop  }
0x90: {  	(tm) =	ssettm $0x1  }
0x91: {  	s17 =	sld [smem:$0x3FFB];
	_ =	sdelay $0x3  }
0x92: {  	_ =	strace s17  }
0x93: {  	s2 =	sld [smem:$0x3FFC];
	_ =	sdelay $0x3  }
0x94: {  	_ =	strace s2  }
0x95: {  	s2 =	sld [smem:$0x3FFD];
	_ =	sdelay $0x3  }
0x96: {  	_ =	strace s2  }
0x97: {  	_ =	strace $0x8FFFFFFF  }
0x98: {  	s18 =	sld [smem:$0x3FDB];
	_ =	sdelay $0x1  }
0x99: {  	s19 =	simm.s32 $_scs_section_size  }
0x9a: {  	s4 =	simm.s32 $_size__tile_overlayer_lowered;
	s5 =	simm.s32 $_tile_overlayer_lowered  }
0x9b: {  	s22 =	simm.s32 $0x1BFF;
	s21 =	sshll.u32 s5, $0x1;
	s2 =	sadd.s32 s19, s18  }
0x9c: {  	s6 =	simm.s32 $0x0;
	s20 =	sshll.u32 s4, $0x1;
	s4 =	sadd.s32 s21, s2  }
0x9d: {  	[timem:s6], [sflag:s22] =	dma.local [hbm:s4], s20  }
0x9e: {  	_ =	swait.ge [sflag:s22], s20  }
0x9f: {  	s3 =	ssub.s32 $0x0, s20;
	[sflag:s22] =	ssyncset.done $0x0  }
0xa0: {  	[sflag:s22] =	ssyncadd.s32 s3;
	_ =	sdelay $0x1  }
0xa1: {  	s23 =	simm.s32 $0x1B8B  }
0xa2: {  	_ =	swait.ge [sflag:s23], $0x1  }
0xa3: {  	[sflag:s23] =	ssyncset.done $0x0  }
0xa4: {  	s25 =	simm.s32 $0x1B8E;
	s24 =	sld [smem:$0x3FFE];
	[sflag:s23] =	ssyncadd.s32 $0xFFFFFFFF  }
0xa5: {  	s26 =	simm.s32 $execute0_lowered;
	[smem:$0x3FD2] =	sst s25  }
0xa6: {  	s4 =	sshll.u32 s26, $0x1;
	_ =	strace $0x8000004C;
	[dreg:$0x1] =	wrdreg $0xFFFFFFFF  }
0xa7: {  	s28 =	simm.s32 $_size_execute0_lowered;
	s2 =	sadd.s32 s2, s4;
	[dreg:$0x0] =	wrdreg $0x0  }
0xa8: {  	s4 =	sshll.u32 s28, $0x1;
	[dreg:$0x2] =	wrdreg s2  }
0xa9: {  	[dreg:$0x3] =	wrdreg s4  }
0xaa: {  	[dreg:$0x4] =	wrdreg $0xC0  }
0xab: {  	_ =	task [dreg:s6], $0x5FFFF  }
0xac: {  	[dreg:$0x1] =	wrdreg $0xFFFFFFFF  }
0xad: {  	[dreg:$0x0] =	wrdreg $0x60  }
0xae: {  	[dreg:$0x2] =	wrdreg s24  }
0xaf: {  	[dreg:$0x3] =	wrdreg $0x90000  }
0xb0: {  	[dreg:$0x4] =	wrdreg $0x9  }
0xb1: {  	_ =	task.clear_ibuf [dreg:s6], $0x5FFFF;
	_ =	strace $0x9000004C  }
0xb2: {  	s29 =	simm.s32 $0x9;
	_ =	strace $0x8000004E  }
0xb3: {  	_ =	swait.ge [sflag:s29], $0x1  }
0xb4: {  	[sflag:s29] =	ssyncadd.s32 $0xFFFFFFFF  }
0xb5: {  	_ =	strace $0x9000004E  }
0xb6: {  	_ =	sfence  }
0xb7: {  	s30 =	sld [smem:$0x0];
	_ =	sdelay $0x2  }
0xb8: {  	s31 =	sshll.u32 s1, $0xD;
	s1 =	sshrl.u32 s1, $0x2  }
0xb9: {  	s3 =	sand.u32 $0x4000, s31;
	s1 =	sadd.s32 s1, s30  }
0xba: {  	s0 =	sor.u32 s3, s0;
	s1 =	sshll.u32 s1, $0x11  }
0xbb: {  	s0 =	sor.u32 s1, s0  }
0xbc: {  	s0 =	sadd.s32 $0x8F2B, s0  }
0xbd: {  	[sflag:s0] =	ssyncadd.remote.s32 $0x1  }
0xbe: {  	_ =	sfence.sel $0xFFFF  }
0xbf: {  	[dreg:$0x0] =	wrdreg $0xFFFFFFFF;
	(pc) =	sbr.abs _section_cstart, $3  }
0xc0: {  	[dreg:$0x1] =	wrdreg $0xFFFFFFFF  }
0xc1: {  	_ =	task.clear_ibuf [dreg:s6], $0x2FFFF;
	_ =	strace $0x9FFFFFFF  }
0xc2: {  	(tm) =	ssettm $0x7FFFFFFF  }
0xc3: {  	_ =	shalt  }
tec
execute0_lowered:
.L_overlay_start_1:
0x0: {  	(tag) =	ssettag $0x1  }
0x1: {  	s0 =	rddreg [dreg:$0x0]  }
0x2: {  	s2 =	rddreg [dreg:$0x1]  }
0x3: {  	s9 =	stileid.u32;
	s4 =	simm.s32 $0x0;
	s3 =	srdreg.scid  }
0x4: {  	s14 =	simm.s32 $0x880;
	[smem:$0x7FF] =	sst s4;
	s10 =	sadd.s32 $0x19200, s0  }
0x5: {  	s15 =	simm.s32 $0x900;
	_ =	strace $0x8000004D;
	[dreg:$0x14] =	wrdreg s10  }
0x6: {  	s16 =	simm.s32 $0x980;
	s18 =	simm.s32 $0xA00;
	[dreg:$0x5] =	wrdreg s14  }
0x7: {  	s19 =	simm.s32 $0xA80;
	s20 =	simm.s32 $0xB00;
	[dreg:$0x6] =	wrdreg s15  }
0x8: {  	s21 =	simm.s32 $0xB80;
	s22 =	simm.s32 $0xC00;
	[dreg:$0x7] =	wrdreg s16  }
0x9: {  	s23 =	simm.s32 $0xC80;
	s24 =	simm.s32 $0xD00;
	[dreg:$0x8] =	wrdreg s18  }
0xa: {  	s25 =	simm.s32 $0xD80;
	s26 =	simm.s32 $0xE00;
	[dreg:$0x9] =	wrdreg s19  }
0xb: {  	s28 =	simm.s32 $0xE80;
	s30 =	simm.s32 $0xF00;
	[dreg:$0xa] =	wrdreg s20  }
0xc: {  	s29 =	simm.s32 $0x0;
	s1 =	smul.u32 $0xA00, s9;
	[dreg:$0xb] =	wrdreg s21  }
0xd: {  	s3 =	sand.u32 $0x1, s3;
	s6 =	smul.u32 $0x2800, s9;
	[dreg:$0xc] =	wrdreg s22  }
0xe: {  	s4 =	sadd.s32 $0x1BA00, s0;
	s5 =	sadd.s32 $0x43A00, s0;
	[dreg:$0xd] =	wrdreg s23  }
0xf: {  	s8 =	smul.u32 $0x50000, s9;
	s13 =	sshll.u32 s9, $0x6;
	[dreg:$0xe] =	wrdreg s24  }
0x10: {  	s7 =	smul.u32 $0x28000, s3;
	s31 =	ssub.s32 $0x2, s3;
	[dreg:$0xf] =	wrdreg s25  }
0x11: {  	p0 =	sne.s32 s3, $0x0;
	s14 =	simm.s32 $0x80;
	[dreg:$0x10] =	wrdreg s26  }
0x12: {  	s15 =	simm.s32 $0x1000;
	s16 =	simm.s32 $0x3;
	[dreg:$0x11] =	wrdreg s28  }
0x13: {  	p1 =	seq.s32 s3, $0x0;
	s18 =	simm.s32 $0x5000;
	[dreg:$0x12] =	wrdreg s30  }
0x14: {  	s19 =	simm.s32 $0x4;
	s1 =	sadd.s32 s1, s0;
	s10 =	sshrl.u32 s31, $0x1  }
0x15: {  	s11 =	sshrl.u32 s8, $0x2;
	s8 =	sor.u32 $0x1C05, s13;
	s6 =	sadd.s32 s6, s7  }
0x16: {  	s12 =	sadd.s32 $0xF200, s1;
	s7 =	sadd.s32 s11, s2;
	[dreg:$0x15] =	wrdreg s8  }
0x17: {  	s1 =	sadd.s32 $0x5200, s1;
	s0 =	sadd.s32 s6, s0;
	[dreg:$0x3] =	wrdreg s12  }
0x18: {  	s6 =	ssub.s32 s31, s10;
	[dreg:$0x4] =	wrdreg s1;
	s31 =	simm.s32 $0xF80  }
0x19: {  	s3 =	simm.s32 $0x0;
	s1 =	sshrl.u32 s7, $0x3;
	[dreg:$0x13] =	wrdreg s31  }
0x1a: {  	s13 =	simm.s32 $0x1;
	s0 =	sadd.s32 $0x93A00, s0;
	[dreg:$0x18] =	wrdreg s1  }
0x1b: {  	s11 =	simm.s32 $0x5;
	s17 =	smax.u32 s6, $0x1;
	[dreg:$0x16] =	wrdreg s0  }
0x1c: {  	s12 =	simm.s32 $0x800;
	[dreg:$0x17] =	wrdreg s17;
	s17 =	simm.s32 $0x2  }
.LBB2_1:
0x1d: {  	[dreg:$0x19] =	wrdreg s3  }
0x1e: {  	s0 =	rddreg [dreg:$0x14]  }
0x1f: {  	[spmem:s1], [sflag:s8] =	dma.local [hbm:s0], $0x2800  }
0x20: {  	_ =	swait.ge [sflag:s11], $0x2800  }
0x21: {  	[sflag:s11] =	ssyncset.done $0x0  }
0x22: {  	[sflag:s11] =	ssyncadd.s32 $0xFFFFD800  }
0x23: {  	[bflag:$0x0] =	sbarrier.arrive $0xFFFF  }
0x24: {  	s3 =	rddreg [dreg:$0x4]  }
0x25: {  	s6 =	simm.s32 $0x0;
	s0 =	sadd.s32 $0x0, s3  }
0x26: {  	[tilespmem:s6], [sflag:$0x5] =	stream.linear.gather [hbm4b:s0+s6], $0x800, $0x38;
	[tilespmem:$0x1D000] =	vst v63  }
0x27: {  	_ =	swait.ge [sflag:s11], $0x800  }
0x28: {  	s7 =	rddreg [dreg:$0x3];
	[sflag:s11] =	ssyncset.done $0x0  }
0x29: {  	[sflag:s11] =	ssyncadd.s32 $0xFFFFF800;
	s0 =	sadd.s32 $0x0, s7  }
0x2a: {  	[tilespmem:s12], [sflag:$0x5] =	stream.linear.gather [hbm4b:s0+s6], $0x800, $0x38;
	[tilespmem:$0x1D000] =	vst v63  }
0x2b: {  	_ =	swait.ge [sflag:s11], $0x800  }
0x2c: {  	s21 =	simm.s32 @p0 $0x1000;
	[sflag:s11] =	ssyncset.done $0x0  }
0x2d: {  	s22 =	simm.s32 @p0 $0x80;
	s0 =	simm.s32 @p0 $0x0;
	[sflag:s11] =	ssyncadd.s32 $0xFFFFF800  }
0x2e: {  	[tilespmem:s21], [sflag:$0x1] =	stream.indirect.gather @p0 [hbm4b:s5+s22], $0x80, s0, s22, $0xb8;
	[tilespmem:$0x1D000] =	vst v63  }
0x2f: {  	s0 =	simm.s32 @p0 $0x5000  }
0x30: {  	[tilespmem:s0], [sflag:$0x2] =	stream.indirect.gather @p0 [hbm4b:s5+s22], $0x80, s22, s22, $0xb8;
	[tilespmem:$0x1D000] =	vst v63  }
0x31: {  	s25 =	simm.s32 @!p0 $0x80;
	s28 =	simm.s32 @!p0 $0x1000;
	s0 =	simm.s32 @!p0 $0x0  }
0x32: {  	[tilespmem:s28], [sflag:$0x1] =	stream.indirect.gather @!p0 [hbm4b:s4+s25], $0x80, s0, s25, $0xb8;
	[tilespmem:$0x1D000] =	vst v63  }
0x33: {  	s0 =	simm.s32 @!p0 $0x5000  }
0x34: {  	[tilespmem:s0], [sflag:$0x2] =	stream.indirect.gather @!p0 [hbm4b:s4+s25], $0x80, s25, s25, $0xb8;
	[tilespmem:$0x1D000] =	vst v63  }
0x35: {  	_ =	swait.ge [sflag:s13], $0x4000  }
0x36: {  	[sflag:s13] =	ssyncset.done $0x0  }
0x37: {  	[sflag:s13] =	ssyncadd.s32 $0xFFFFC000  }
0x38: {  	[spmem:s2] =	stream.indirect.scatter.add.f32 [tilespmem:s15], [sflag:$0x3], $0x80, s12, s14, $0xb8;
	[tilespmem:$0x1D000] =	vst v63  }
0x39: {  	_ =	swait.ge [sflag:s16], $0x4000  }
0x3a: {  	[sflag:s16] =	ssyncset.done $0x0  }
0x3b: {  	s0 =	simm.s32 @p0 $0x100;
	[sflag:s16] =	ssyncadd.s32 $0xFFFFC000  }
0x3c: {  	[tilespmem:s21], [sflag:$0x1] =	stream.indirect.gather @p0 [hbm4b:s5+s22], $0x80, s0, s22, $0xb8;
	[tilespmem:$0x1D000] =	vst v63  }
0x3d: {  	s0 =	simm.s32 @!p0 $0x100  }
0x3e: {  	[tilespmem:s28], [sflag:$0x1] =	stream.indirect.gather @!p0 [hbm4b:s4+s25], $0x80, s0, s25, $0xb8;
	[tilespmem:$0x1D000] =	vst v63  }
0x3f: {  	_ =	swait.ge [sflag:s17], $0x4000  }
0x40: {  	[sflag:s17] =	ssyncset.done $0x0  }
0x41: {  	s8 =	rddreg [dreg:$0x5];
	[sflag:s17] =	ssyncadd.s32 $0xFFFFC000  }
0x42: {  	[spmem:s2] =	stream.indirect.scatter.add.f32 [tilespmem:s18], [sflag:$0x4], $0x80, s8, s14, $0xb8;
	[tilespmem:$0x1D000] =	vst v63  }
0x43: {  	_ =	swait.ge [sflag:s19], $0x4000  }
0x44: {  	s1 =	simm.s32 @p1 $0x80;
	[sflag:s19] =	ssyncset.done $0x0  }
0x45: {  	s3 =	simm.s32 @p1 $0x180;
	s0 =	simm.s32 @p1 $0x5000;
	[sflag:s19] =	ssyncadd.s32 $0xFFFFC000  }
0x46: {  	[tilespmem:s0], [sflag:$0x2] =	stream.indirect.gather @p1 [hbm4b:s4+s1], $0x80, s3, s1, $0xb8;
	[tilespmem:$0x1D000] =	vst v63  }
0x47: {  	s7 =	simm.s32 @!p1 $0x5000;
	s8 =	simm.s32 @!p1 $0x80;
	s3 =	simm.s32 @!p1 $0x180  }
0x48: {  	[tilespmem:s7], [sflag:$0x2] =	stream.indirect.gather @!p1 [hbm4b:s5+s8], $0x80, s3, s8, $0xb8;
	[tilespmem:$0x1D000] =	vst v63  }
0x49: {  	_ =	swait.ge [sflag:s13], $0x4000  }
0x4a: {  	[sflag:s13] =	ssyncset.done $0x0  }
0x4b: {  	s9 =	rddreg [dreg:$0x6];
	[sflag:s13] =	ssyncadd.s32 $0xFFFFC000  }
0x4c: {  	[spmem:s2] =	stream.indirect.scatter.add.f32 [tilespmem:s15], [sflag:$0x3], $0x80, s9, s14, $0xb8;
	[tilespmem:$0x1D000] =	vst v63  }
0x4d: {  	_ =	swait.ge [sflag:s16], $0x4000  }
0x4e: {  	[sflag:s16] =	ssyncset.done $0x0  }
0x4f: {  	s20 =	simm.s32 @p1 $0x1000;
	s3 =	simm.s32 @p1 $0x200;
	[sflag:s16] =	ssyncadd.s32 $0xFFFFC000  }
0x50: {  	[tilespmem:s20], [sflag:$0x1] =	stream.indirect.gather @p1 [hbm4b:s4+s1], $0x80, s3, s1, $0xb8;
	[tilespmem:$0x1D000] =	vst v63  }
0x51: {  	s24 =	simm.s32 @!p1 $0x1000;
	s3 =	simm.s32 @!p1 $0x200  }
0x52: {  	[tilespmem:s24], [sflag:$0x1] =	stream.indirect.gather @!p1 [hbm4b:s5+s8], $0x80, s3, s8, $0xb8;
	[tilespmem:$0x1D000] =	vst v63  }
0x53: {  	_ =	swait.ge [sflag:s17], $0x4000  }
0x54: {  	[sflag:s17] =	ssyncset.done $0x0  }
0x55: {  	s10 =	rddreg [dreg:$0x7];
	[sflag:s17] =	ssyncadd.s32 $0xFFFFC000  }
0x56: {  	[spmem:s2] =	stream.indirect.scatter.add.f32 [tilespmem:s18], [sflag:$0x4], $0x80, s10, s14, $0xb8;
	[tilespmem:$0x1D000] =	vst v63  }
0x57: {  	_ =	swait.ge [sflag:s19], $0x4000  }
0x58: {  	[sflag:s19] =	ssyncset.done $0x0  }
0x59: {  	s3 =	simm.s32 @p1 $0x280;
	[sflag:s19] =	ssyncadd.s32 $0xFFFFC000  }
0x5a: {  	[tilespmem:s0], [sflag:$0x2] =	stream.indirect.gather @p1 [hbm4b:s4+s1], $0x80, s3, s1, $0xb8;
	[tilespmem:$0x1D000] =	vst v63  }
0x5b: {  	s3 =	simm.s32 @!p1 $0x280  }
0x5c: {  	[tilespmem:s7], [sflag:$0x2] =	stream.indirect.gather @!p1 [hbm4b:s5+s8], $0x80, s3, s8, $0xb8;
	[tilespmem:$0x1D000] =	vst v63  }
0x5d: {  	_ =	swait.ge [sflag:s13], $0x4000  }
0x5e: {  	[sflag:s13] =	ssyncset.done $0x0  }
0x5f: {  	s23 =	rddreg [dreg:$0x8];
	[sflag:s13] =	ssyncadd.s32 $0xFFFFC000  }
0x60: {  	[spmem:s2] =	stream.indirect.scatter.add.f32 [tilespmem:s15], [sflag:$0x3], $0x80, s23, s14, $0xb8;
	[tilespmem:$0x1D000] =	vst v63  }
0x61: {  	_ =	swait.ge [sflag:s16], $0x4000  }
0x62: {  	[sflag:s16] =	ssyncset.done $0x0  }
0x63: {  	s3 =	simm.s32 @p1 $0x300;
	[sflag:s16] =	ssyncadd.s32 $0xFFFFC000  }
0x64: {  	[tilespmem:s20], [sflag:$0x1] =	stream.indirect.gather @p1 [hbm4b:s4+s1], $0x80, s3, s1, $0xb8;
	[tilespmem:$0x1D000] =	vst v63  }
0x65: {  	s3 =	simm.s32 @!p1 $0x300  }
0x66: {  	[tilespmem:s24], [sflag:$0x1] =	stream.indirect.gather @!p1 [hbm4b:s5+s8], $0x80, s3, s8, $0xb8;
	[tilespmem:$0x1D000] =	vst v63  }
0x67: {  	_ =	swait.ge [sflag:s17], $0x4000  }
0x68: {  	[sflag:s17] =	ssyncset.done $0x0  }
0x69: {  	s26 =	rddreg [dreg:$0x9];
	[sflag:s17] =	ssyncadd.s32 $0xFFFFC000  }
0x6a: {  	[spmem:s2] =	stream.indirect.scatter.add.f32 [tilespmem:s18], [sflag:$0x4], $0x80, s26, s14, $0xb8;
	[tilespmem:$0x1D000] =	vst v63  }
0x6b: {  	_ =	swait.ge [sflag:s19], $0x4000  }
0x6c: {  	[sflag:s19] =	ssyncset.done $0x0  }
0x6d: {  	s3 =	simm.s32 @p1 $0x380;
	[sflag:s19] =	ssyncadd.s32 $0xFFFFC000  }
0x6e: {  	[tilespmem:s0], [sflag:$0x2] =	stream.indirect.gather @p1 [hbm4b:s4+s1], $0x80, s3, s1, $0xb8;
	[tilespmem:$0x1D000] =	vst v63  }
0x6f: {  	s3 =	simm.s32 @!p1 $0x380  }
0x70: {  	[tilespmem:s7], [sflag:$0x2] =	stream.indirect.gather @!p1 [hbm4b:s5+s8], $0x80, s3, s8, $0xb8;
	[tilespmem:$0x1D000] =	vst v63  }
0x71: {  	_ =	swait.ge [sflag:s13], $0x4000  }
0x72: {  	[sflag:s13] =	ssyncset.done $0x0  }
0x73: {  	s6 =	rddreg [dreg:$0xa];
	[sflag:s13] =	ssyncadd.s32 $0xFFFFC000  }
0x74: {  	[spmem:s2] =	stream.indirect.scatter.add.f32 [tilespmem:s15], [sflag:$0x3], $0x80, s6, s14, $0xb8;
	[tilespmem:$0x1D000] =	vst v63  }
0x75: {  	_ =	swait.ge [sflag:s16], $0x4000  }
0x76: {  	[sflag:s16] =	ssyncset.done $0x0  }
0x77: {  	s3 =	simm.s32 @p1 $0x400;
	[sflag:s16] =	ssyncadd.s32 $0xFFFFC000  }
0x78: {  	[tilespmem:s20], [sflag:$0x1] =	stream.indirect.gather @p1 [hbm4b:s4+s1], $0x80, s3, s1, $0xb8;
	[tilespmem:$0x1D000] =	vst v63  }
0x79: {  	s3 =	simm.s32 @!p1 $0x400  }
0x7a: {  	[tilespmem:s24], [sflag:$0x1] =	stream.indirect.gather @!p1 [hbm4b:s5+s8], $0x80, s3, s8, $0xb8;
	[tilespmem:$0x1D000] =	vst v63  }
0x7b: {  	_ =	swait.ge [sflag:s17], $0x4000  }
0x7c: {  	[sflag:s17] =	ssyncset.done $0x0  }
0x7d: {  	s9 =	rddreg [dreg:$0xb];
	[sflag:s17] =	ssyncadd.s32 $0xFFFFC000  }
0x7e: {  	[spmem:s2] =	stream.indirect.scatter.add.f32 [tilespmem:s18], [sflag:$0x4], $0x80, s9, s14, $0xb8;
	[tilespmem:$0x1D000] =	vst v63  }
0x7f: {  	_ =	swait.ge [sflag:s19], $0x4000  }
0x80: {  	[sflag:s19] =	ssyncset.done $0x0  }
0x81: {  	s3 =	simm.s32 @p1 $0x480;
	[sflag:s19] =	ssyncadd.s32 $0xFFFFC000  }
0x82: {  	[tilespmem:s0], [sflag:$0x2] =	stream.indirect.gather @p1 [hbm4b:s4+s1], $0x80, s3, s1, $0xb8;
	[tilespmem:$0x1D000] =	vst v63  }
0x83: {  	s3 =	simm.s32 @!p1 $0x480  }
0x84: {  	[tilespmem:s7], [sflag:$0x2] =	stream.indirect.gather @!p1 [hbm4b:s5+s8], $0x80, s3, s8, $0xb8;
	[tilespmem:$0x1D000] =	vst v63  }
0x85: {  	_ =	swait.ge [sflag:s13], $0x4000  }
0x86: {  	[sflag:s13] =	ssyncset.done $0x0  }
0x87: {  	s10 =	rddreg [dreg:$0xc];
	[sflag:s13] =	ssyncadd.s32 $0xFFFFC000  }
0x88: {  	[spmem:s2] =	stream.indirect.scatter.add.f32 [tilespmem:s15], [sflag:$0x3], $0x80, s10, s14, $0xb8;
	[tilespmem:$0x1D000] =	vst v63  }
0x89: {  	_ =	swait.ge [sflag:s16], $0x4000  }
0x8a: {  	[sflag:s16] =	ssyncset.done $0x0  }
0x8b: {  	s3 =	simm.s32 @p1 $0x500;
	[sflag:s16] =	ssyncadd.s32 $0xFFFFC000  }
0x8c: {  	[tilespmem:s20], [sflag:$0x1] =	stream.indirect.gather @p1 [hbm4b:s4+s1], $0x80, s3, s1, $0xb8;
	[tilespmem:$0x1D000] =	vst v63  }
0x8d: {  	s3 =	simm.s32 @!p1 $0x500  }
0x8e: {  	[tilespmem:s24], [sflag:$0x1] =	stream.indirect.gather @!p1 [hbm4b:s5+s8], $0x80, s3, s8, $0xb8;
	[tilespmem:$0x1D000] =	vst v63  }
0x8f: {  	_ =	swait.ge [sflag:s17], $0x4000  }
0x90: {  	[sflag:s17] =	ssyncset.done $0x0  }
0x91: {  	s23 =	rddreg [dreg:$0xd];
	[sflag:s17] =	ssyncadd.s32 $0xFFFFC000  }
0x92: {  	[spmem:s2] =	stream.indirect.scatter.add.f32 [tilespmem:s18], [sflag:$0x4], $0x80, s23, s14, $0xb8;
	[tilespmem:$0x1D000] =	vst v63  }
0x93: {  	_ =	swait.ge [sflag:s19], $0x4000  }
0x94: {  	[sflag:s19] =	ssyncset.done $0x0  }
0x95: {  	s3 =	simm.s32 @p1 $0x580;
	[sflag:s19] =	ssyncadd.s32 $0xFFFFC000  }
0x96: {  	[tilespmem:s0], [sflag:$0x2] =	stream.indirect.gather @p1 [hbm4b:s4+s1], $0x80, s3, s1, $0xb8;
	[tilespmem:$0x1D000] =	vst v63  }
0x97: {  	s3 =	simm.s32 @!p1 $0x580  }
0x98: {  	[tilespmem:s7], [sflag:$0x2] =	stream.indirect.gather @!p1 [hbm4b:s5+s8], $0x80, s3, s8, $0xb8;
	[tilespmem:$0x1D000] =	vst v63  }
0x99: {  	_ =	swait.ge [sflag:s13], $0x4000  }
0x9a: {  	[sflag:s13] =	ssyncset.done $0x0  }
0x9b: {  	s26 =	rddreg [dreg:$0xe];
	[sflag:s13] =	ssyncadd.s32 $0xFFFFC000  }
0x9c: {  	[spmem:s2] =	stream.indirect.scatter.add.f32 [tilespmem:s15], [sflag:$0x3], $0x80, s26, s14, $0xb8;
	[tilespmem:$0x1D000] =	vst v63  }
0x9d: {  	_ =	swait.ge [sflag:s16], $0x4000  }
0x9e: {  	[sflag:s16] =	ssyncset.done $0x0  }
0x9f: {  	s3 =	simm.s32 @p1 $0x600;
	[sflag:s16] =	ssyncadd.s32 $0xFFFFC000  }
0xa0: {  	[tilespmem:s20], [sflag:$0x1] =	stream.indirect.gather @p1 [hbm4b:s4+s1], $0x80, s3, s1, $0xb8;
	[tilespmem:$0x1D000] =	vst v63  }
0xa1: {  	s3 =	simm.s32 @!p1 $0x600  }
0xa2: {  	[tilespmem:s24], [sflag:$0x1] =	stream.indirect.gather @!p1 [hbm4b:s5+s8], $0x80, s3, s8, $0xb8;
	[tilespmem:$0x1D000] =	vst v63  }
0xa3: {  	_ =	swait.ge [sflag:s17], $0x4000  }
0xa4: {  	[sflag:s17] =	ssyncset.done $0x0  }
0xa5: {  	s6 =	rddreg [dreg:$0xf];
	[sflag:s17] =	ssyncadd.s32 $0xFFFFC000  }
0xa6: {  	[spmem:s2] =	stream.indirect.scatter.add.f32 [tilespmem:s18], [sflag:$0x4], $0x80, s6, s14, $0xb8;
	[tilespmem:$0x1D000] =	vst v63  }
0xa7: {  	_ =	swait.ge [sflag:s19], $0x4000  }
0xa8: {  	[sflag:s19] =	ssyncset.done $0x0  }
0xa9: {  	s3 =	simm.s32 @p1 $0x680;
	[sflag:s19] =	ssyncadd.s32 $0xFFFFC000  }
0xaa: {  	[tilespmem:s0], [sflag:$0x2] =	stream.indirect.gather @p1 [hbm4b:s4+s1], $0x80, s3, s1, $0xb8;
	[tilespmem:$0x1D000] =	vst v63  }
0xab: {  	s3 =	simm.s32 @!p1 $0x680  }
0xac: {  	[tilespmem:s7], [sflag:$0x2] =	stream.indirect.gather @!p1 [hbm4b:s5+s8], $0x80, s3, s8, $0xb8;
	[tilespmem:$0x1D000] =	vst v63  }
0xad: {  	_ =	swait.ge [sflag:s13], $0x4000  }
0xae: {  	[sflag:s13] =	ssyncset.done $0x0  }
0xaf: {  	s9 =	rddreg [dreg:$0x10];
	[sflag:s13] =	ssyncadd.s32 $0xFFFFC000  }
0xb0: {  	[spmem:s2] =	stream.indirect.scatter.add.f32 [tilespmem:s15], [sflag:$0x3], $0x80, s9, s14, $0xb8;
	[tilespmem:$0x1D000] =	vst v63  }
0xb1: {  	_ =	swait.ge [sflag:s16], $0x4000  }
0xb2: {  	[sflag:s16] =	ssyncset.done $0x0  }
0xb3: {  	s30 =	simm.s32 @p1 $0x700;
	[sflag:s16] =	ssyncadd.s32 $0xFFFFC000  }
0xb4: {  	[tilespmem:s20], [sflag:$0x1] =	stream.indirect.gather @p1 [hbm4b:s4+s1], $0x80, s30, s1, $0xb8;
	[tilespmem:$0x1D000] =	vst v63  }
0xb5: {  	s31 =	simm.s32 @!p1 $0x700  }
0xb6: {  	[tilespmem:s24], [sflag:$0x1] =	stream.indirect.gather @!p1 [hbm4b:s5+s8], $0x80, s31, s8, $0xb8;
	[tilespmem:$0x1D000] =	vst v63  }
0xb7: {  	_ =	swait.ge [sflag:s17], $0x4000  }
0xb8: {  	[sflag:s17] =	ssyncset.done $0x0  }
0xb9: {  	s10 =	rddreg [dreg:$0x11];
	[sflag:s17] =	ssyncadd.s32 $0xFFFFC000  }
0xba: {  	[spmem:s2] =	stream.indirect.scatter.add.f32 [tilespmem:s18], [sflag:$0x4], $0x80, s10, s14, $0xb8;
	[tilespmem:$0x1D000] =	vst v63  }
0xbb: {  	_ =	swait.ge [sflag:s19], $0x4000  }
0xbc: {  	[sflag:s19] =	ssyncset.done $0x0  }
0xbd: {  	s6 =	simm.s32 @p1 $0x780;
	[sflag:s19] =	ssyncadd.s32 $0xFFFFC000  }
0xbe: {  	[tilespmem:s0], [sflag:$0x2] =	stream.indirect.gather @p1 [hbm4b:s4+s1], $0x80, s6, s1, $0xb8;
	[tilespmem:$0x1D000] =	vst v63  }
0xbf: {  	s9 =	simm.s32 @!p1 $0x780  }
0xc0: {  	[tilespmem:s7], [sflag:$0x2] =	stream.indirect.gather @!p1 [hbm4b:s5+s8], $0x80, s9, s8, $0xb8;
	[tilespmem:$0x1D000] =	vst v63  }
0xc1: {  	_ =	swait.ge [sflag:s13], $0x4000  }
0xc2: {  	[sflag:s13] =	ssyncset.done $0x0  }
0xc3: {  	s23 =	rddreg [dreg:$0x12];
	[sflag:s13] =	ssyncadd.s32 $0xFFFFC000  }
0xc4: {  	[spmem:s2] =	stream.indirect.scatter.add.f32 [tilespmem:s15], [sflag:$0x3], $0x80, s23, s14, $0xb8;
	[tilespmem:$0x1D000] =	vst v63  }
0xc5: {  	_ =	swait.ge [sflag:s17], $0x4000  }
0xc6: {  	[sflag:s17] =	ssyncset.done $0x0  }
0xc7: {  	s26 =	rddreg [dreg:$0x13];
	[sflag:s17] =	ssyncadd.s32 $0xFFFFC000  }
0xc8: {  	[spmem:s2] =	stream.indirect.scatter.add.f32 [tilespmem:s18], [sflag:$0x4], $0x80, s26, s14, $0xb8;
	[tilespmem:$0x1D000] =	vst v63  }
0xc9: {  	_ =	swait.ge [sflag:s16], $0x4000  }
0xca: {  	[sflag:s16] =	ssyncset.done $0x0  }
0xcb: {  	[sflag:s16] =	ssyncadd.s32 $0xFFFFC000  }
0xcc: {  	s3 =	simm.s32 $0x100;
	_ =	swait.ge [sflag:s19], $0x4000  }
0xcd: {  	s10 =	simm.s32 $0x200;
	[sflag:s19] =	ssyncset.done $0x0;
	s23 =	rddreg [dreg:$0x4]  }
.LBB2_2:
0xce: {  	[sflag:s19] =	ssyncadd.s32 $0xFFFFC000;
	s23 =	sadd.s32 s3, s23  }
0xcf: {  	[tilespmem:s29], [sflag:$0x5] =	stream.linear.gather [hbm4b:s23+s29], $0x800, $0x38;
	[tilespmem:$0x1D000] =	vst v63  }
0xd0: {  	_ =	swait.ge [sflag:s11], $0x800  }
0xd1: {  	s23 =	rddreg [dreg:$0x3];
	[sflag:s11] =	ssyncset.done $0x0  }
0xd2: {  	[sflag:s11] =	ssyncadd.s32 $0xFFFFF800;
	s23 =	sadd.s32 s3, s23  }
0xd3: {  	[tilespmem:s12], [sflag:$0x5] =	stream.linear.gather [hbm4b:s23+s29], $0x800, $0x38;
	[tilespmem:$0x1D000] =	vst v63  }
0xd4: {  	_ =	swait.ge [sflag:s11], $0x800  }
0xd5: {  	[sflag:s11] =	ssyncset.done $0x0  }
0xd6: {  	s23 =	simm.s32 @p0 $0x0;
	[sflag:s11] =	ssyncadd.s32 $0xFFFFF800  }
0xd7: {  	[tilespmem:s21], [sflag:$0x1] =	stream.indirect.gather @p0 [hbm4b:s5+s22], $0x80, s23, s22, $0xb8;
	[tilespmem:$0x1D000] =	vst v63  }
0xd8: {  	s23 =	simm.s32 @p0 $0x5000  }
0xd9: {  	[tilespmem:s23], [sflag:$0x2] =	stream.indirect.gather @p0 [hbm4b:s5+s22], $0x80, s22, s22, $0xb8;
	[tilespmem:$0x1D000] =	vst v63  }
0xda: {  	s23 =	simm.s32 @!p0 $0x0  }
0xdb: {  	[tilespmem:s28], [sflag:$0x1] =	stream.indirect.gather @!p0 [hbm4b:s4+s25], $0x80, s23, s25, $0xb8;
	[tilespmem:$0x1D000] =	vst v63  }
0xdc: {  	s23 =	simm.s32 @!p0 $0x5000  }
0xdd: {  	[tilespmem:s23], [sflag:$0x2] =	stream.indirect.gather @!p0 [hbm4b:s4+s25], $0x80, s25, s25, $0xb8;
	[tilespmem:$0x1D000] =	vst v63  }
0xde: {  	_ =	swait.ge [sflag:s13], $0x4000  }
0xdf: {  	[sflag:s13] =	ssyncset.done $0x0  }
0xe0: {  	[sflag:s13] =	ssyncadd.s32 $0xFFFFC000  }
0xe1: {  	[spmem:s2] =	stream.indirect.scatter.add.f32 [tilespmem:s15], [sflag:$0x3], $0x80, s12, s14, $0xb8;
	[tilespmem:$0x1D000] =	vst v63  }
0xe2: {  	_ =	swait.ge [sflag:s16], $0x4000  }
0xe3: {  	[sflag:s16] =	ssyncset.done $0x0  }
0xe4: {  	s23 =	simm.s32 @p0 $0x100;
	[sflag:s16] =	ssyncadd.s32 $0xFFFFC000  }
0xe5: {  	[tilespmem:s21], [sflag:$0x1] =	stream.indirect.gather @p0 [hbm4b:s5+s22], $0x80, s23, s22, $0xb8;
	[tilespmem:$0x1D000] =	vst v63  }
0xe6: {  	s23 =	simm.s32 @!p0 $0x100  }
0xe7: {  	[tilespmem:s28], [sflag:$0x1] =	stream.indirect.gather @!p0 [hbm4b:s4+s25], $0x80, s23, s25, $0xb8;
	[tilespmem:$0x1D000] =	vst v63  }
0xe8: {  	_ =	swait.ge [sflag:s17], $0x4000  }
0xe9: {  	s26 =	smov.u32 s10;
	[sflag:s17] =	ssyncset.done $0x0  }
0xea: {  	s3 =	smov.u32 s26;
	s26 =	rddreg [dreg:$0x5];
	[sflag:s17] =	ssyncadd.s32 $0xFFFFC000  }
0xeb: {  	[spmem:s2] =	stream.indirect.scatter.add.f32 [tilespmem:s18], [sflag:$0x4], $0x80, s26, s14, $0xb8;
	[tilespmem:$0x1D000] =	vst v63  }
0xec: {  	_ =	swait.ge [sflag:s19], $0x4000  }
0xed: {  	[sflag:s19] =	ssyncset.done $0x0  }
0xee: {  	s23 =	simm.s32 @p1 $0x180;
	[sflag:s19] =	ssyncadd.s32 $0xFFFFC000  }
0xef: {  	[tilespmem:s0], [sflag:$0x2] =	stream.indirect.gather @p1 [hbm4b:s4+s1], $0x80, s23, s1, $0xb8;
	[tilespmem:$0x1D000] =	vst v63  }
0xf0: {  	s23 =	simm.s32 @!p1 $0x180  }
0xf1: {  	[tilespmem:s7], [sflag:$0x2] =	stream.indirect.gather @!p1 [hbm4b:s5+s8], $0x80, s23, s8, $0xb8;
	[tilespmem:$0x1D000] =	vst v63  }
0xf2: {  	_ =	swait.ge [sflag:s13], $0x4000  }
0xf3: {  	[sflag:s13] =	ssyncset.done $0x0  }
0xf4: {  	s26 =	rddreg [dreg:$0x6];
	[sflag:s13] =	ssyncadd.s32 $0xFFFFC000  }
0xf5: {  	[spmem:s2] =	stream.indirect.scatter.add.f32 [tilespmem:s15], [sflag:$0x3], $0x80, s26, s14, $0xb8;
	[tilespmem:$0x1D000] =	vst v63  }
0xf6: {  	_ =	swait.ge [sflag:s16], $0x4000  }
0xf7: {  	[sflag:s16] =	ssyncset.done $0x0  }
0xf8: {  	s23 =	simm.s32 @p1 $0x200;
	[sflag:s16] =	ssyncadd.s32 $0xFFFFC000  }
0xf9: {  	[tilespmem:s20], [sflag:$0x1] =	stream.indirect.gather @p1 [hbm4b:s4+s1], $0x80, s23, s1, $0xb8;
	[tilespmem:$0x1D000] =	vst v63  }
0xfa: {  	s23 =	simm.s32 @!p1 $0x200  }
0xfb: {  	[tilespmem:s24], [sflag:$0x1] =	stream.indirect.gather @!p1 [hbm4b:s5+s8], $0x80, s23, s8, $0xb8;
	[tilespmem:$0x1D000] =	vst v63  }
0xfc: {  	_ =	swait.ge [sflag:s17], $0x4000  }
0xfd: {  	[sflag:s17] =	ssyncset.done $0x0  }
0xfe: {  	s26 =	rddreg [dreg:$0x7];
	[sflag:s17] =	ssyncadd.s32 $0xFFFFC000  }
0xff: {  	[spmem:s2] =	stream.indirect.scatter.add.f32 [tilespmem:s18], [sflag:$0x4], $0x80, s26, s14, $0xb8;
	[tilespmem:$0x1D000] =	vst v63  }
0x100: {  	_ =	swait.ge [sflag:s19], $0x4000  }
0x101: {  	[sflag:s19] =	ssyncset.done $0x0  }
0x102: {  	s23 =	simm.s32 @p1 $0x280;
	[sflag:s19] =	ssyncadd.s32 $0xFFFFC000  }
0x103: {  	[tilespmem:s0], [sflag:$0x2] =	stream.indirect.gather @p1 [hbm4b:s4+s1], $0x80, s23, s1, $0xb8;
	[tilespmem:$0x1D000] =	vst v63  }
0x104: {  	s23 =	simm.s32 @!p1 $0x280  }
0x105: {  	[tilespmem:s7], [sflag:$0x2] =	stream.indirect.gather @!p1 [hbm4b:s5+s8], $0x80, s23, s8, $0xb8;
	[tilespmem:$0x1D000] =	vst v63  }
0x106: {  	_ =	swait.ge [sflag:s13], $0x4000  }
0x107: {  	[sflag:s13] =	ssyncset.done $0x0  }
0x108: {  	s26 =	rddreg [dreg:$0x8];
	[sflag:s13] =	ssyncadd.s32 $0xFFFFC000  }
0x109: {  	[spmem:s2] =	stream.indirect.scatter.add.f32 [tilespmem:s15], [sflag:$0x3], $0x80, s26, s14, $0xb8;
	[tilespmem:$0x1D000] =	vst v63  }
0x10a: {  	_ =	swait.ge [sflag:s16], $0x4000  }
0x10b: {  	[sflag:s16] =	ssyncset.done $0x0  }
0x10c: {  	s23 =	simm.s32 @p1 $0x300;
	[sflag:s16] =	ssyncadd.s32 $0xFFFFC000  }
0x10d: {  	[tilespmem:s20], [sflag:$0x1] =	stream.indirect.gather @p1 [hbm4b:s4+s1], $0x80, s23, s1, $0xb8;
	[tilespmem:$0x1D000] =	vst v63  }
0x10e: {  	s23 =	simm.s32 @!p1 $0x300  }
0x10f: {  	[tilespmem:s24], [sflag:$0x1] =	stream.indirect.gather @!p1 [hbm4b:s5+s8], $0x80, s23, s8, $0xb8;
	[tilespmem:$0x1D000] =	vst v63  }
0x110: {  	_ =	swait.ge [sflag:s17], $0x4000  }
0x111: {  	[sflag:s17] =	ssyncset.done $0x0  }
0x112: {  	s26 =	rddreg [dreg:$0x9];
	[sflag:s17] =	ssyncadd.s32 $0xFFFFC000  }
0x113: {  	[spmem:s2] =	stream.indirect.scatter.add.f32 [tilespmem:s18], [sflag:$0x4], $0x80, s26, s14, $0xb8;
	[tilespmem:$0x1D000] =	vst v63  }
0x114: {  	_ =	swait.ge [sflag:s19], $0x4000  }
0x115: {  	[sflag:s19] =	ssyncset.done $0x0  }
0x116: {  	s23 =	simm.s32 @p1 $0x380;
	[sflag:s19] =	ssyncadd.s32 $0xFFFFC000  }
0x117: {  	[tilespmem:s0], [sflag:$0x2] =	stream.indirect.gather @p1 [hbm4b:s4+s1], $0x80, s23, s1, $0xb8;
	[tilespmem:$0x1D000] =	vst v63  }
0x118: {  	s23 =	simm.s32 @!p1 $0x380  }
0x119: {  	[tilespmem:s7], [sflag:$0x2] =	stream.indirect.gather @!p1 [hbm4b:s5+s8], $0x80, s23, s8, $0xb8;
	[tilespmem:$0x1D000] =	vst v63  }
0x11a: {  	_ =	swait.ge [sflag:s13], $0x4000  }
0x11b: {  	[sflag:s13] =	ssyncset.done $0x0  }
0x11c: {  	s26 =	rddreg [dreg:$0xa];
	[sflag:s13] =	ssyncadd.s32 $0xFFFFC000  }
0x11d: {  	[spmem:s2] =	stream.indirect.scatter.add.f32 [tilespmem:s15], [sflag:$0x3], $0x80, s26, s14, $0xb8;
	[tilespmem:$0x1D000] =	vst v63  }
0x11e: {  	_ =	swait.ge [sflag:s16], $0x4000  }
0x11f: {  	[sflag:s16] =	ssyncset.done $0x0  }
0x120: {  	s23 =	simm.s32 @p1 $0x400;
	[sflag:s16] =	ssyncadd.s32 $0xFFFFC000  }
0x121: {  	[tilespmem:s20], [sflag:$0x1] =	stream.indirect.gather @p1 [hbm4b:s4+s1], $0x80, s23, s1, $0xb8;
	[tilespmem:$0x1D000] =	vst v63  }
0x122: {  	s23 =	simm.s32 @!p1 $0x400  }
0x123: {  	[tilespmem:s24], [sflag:$0x1] =	stream.indirect.gather @!p1 [hbm4b:s5+s8], $0x80, s23, s8, $0xb8;
	[tilespmem:$0x1D000] =	vst v63  }
0x124: {  	_ =	swait.ge [sflag:s17], $0x4000  }
0x125: {  	[sflag:s17] =	ssyncset.done $0x0  }
0x126: {  	s26 =	rddreg [dreg:$0xb];
	[sflag:s17] =	ssyncadd.s32 $0xFFFFC000  }
0x127: {  	[spmem:s2] =	stream.indirect.scatter.add.f32 [tilespmem:s18], [sflag:$0x4], $0x80, s26, s14, $0xb8;
	[tilespmem:$0x1D000] =	vst v63  }
0x128: {  	_ =	swait.ge [sflag:s19], $0x4000  }
0x129: {  	[sflag:s19] =	ssyncset.done $0x0  }
0x12a: {  	s23 =	simm.s32 @p1 $0x480;
	[sflag:s19] =	ssyncadd.s32 $0xFFFFC000  }
0x12b: {  	[tilespmem:s0], [sflag:$0x2] =	stream.indirect.gather @p1 [hbm4b:s4+s1], $0x80, s23, s1, $0xb8;
	[tilespmem:$0x1D000] =	vst v63  }
0x12c: {  	s23 =	simm.s32 @!p1 $0x480  }
0x12d: {  	[tilespmem:s7], [sflag:$0x2] =	stream.indirect.gather @!p1 [hbm4b:s5+s8], $0x80, s23, s8, $0xb8;
	[tilespmem:$0x1D000] =	vst v63  }
0x12e: {  	_ =	swait.ge [sflag:s13], $0x4000  }
0x12f: {  	[sflag:s13] =	ssyncset.done $0x0  }
0x130: {  	s26 =	rddreg [dreg:$0xc];
	[sflag:s13] =	ssyncadd.s32 $0xFFFFC000  }
0x131: {  	[spmem:s2] =	stream.indirect.scatter.add.f32 [tilespmem:s15], [sflag:$0x3], $0x80, s26, s14, $0xb8;
	[tilespmem:$0x1D000] =	vst v63  }
0x132: {  	_ =	swait.ge [sflag:s16], $0x4000  }
0x133: {  	[sflag:s16] =	ssyncset.done $0x0  }
0x134: {  	s23 =	simm.s32 @p1 $0x500;
	[sflag:s16] =	ssyncadd.s32 $0xFFFFC000  }
0x135: {  	[tilespmem:s20], [sflag:$0x1] =	stream.indirect.gather @p1 [hbm4b:s4+s1], $0x80, s23, s1, $0xb8;
	[tilespmem:$0x1D000] =	vst v63  }
0x136: {  	s23 =	simm.s32 @!p1 $0x500  }
0x137: {  	[tilespmem:s24], [sflag:$0x1] =	stream.indirect.gather @!p1 [hbm4b:s5+s8], $0x80, s23, s8, $0xb8;
	[tilespmem:$0x1D000] =	vst v63  }
0x138: {  	_ =	swait.ge [sflag:s17], $0x4000  }
0x139: {  	[sflag:s17] =	ssyncset.done $0x0  }
0x13a: {  	s26 =	rddreg [dreg:$0xd];
	[sflag:s17] =	ssyncadd.s32 $0xFFFFC000  }
0x13b: {  	[spmem:s2] =	stream.indirect.scatter.add.f32 [tilespmem:s18], [sflag:$0x4], $0x80, s26, s14, $0xb8;
	[tilespmem:$0x1D000] =	vst v63  }
0x13c: {  	_ =	swait.ge [sflag:s19], $0x4000  }
0x13d: {  	[sflag:s19] =	ssyncset.done $0x0  }
0x13e: {  	s23 =	simm.s32 @p1 $0x580;
	[sflag:s19] =	ssyncadd.s32 $0xFFFFC000  }
0x13f: {  	[tilespmem:s0], [sflag:$0x2] =	stream.indirect.gather @p1 [hbm4b:s4+s1], $0x80, s23, s1, $0xb8;
	[tilespmem:$0x1D000] =	vst v63  }
0x140: {  	s23 =	simm.s32 @!p1 $0x580  }
0x141: {  	[tilespmem:s7], [sflag:$0x2] =	stream.indirect.gather @!p1 [hbm4b:s5+s8], $0x80, s23, s8, $0xb8;
	[tilespmem:$0x1D000] =	vst v63  }
0x142: {  	_ =	swait.ge [sflag:s13], $0x4000  }
0x143: {  	[sflag:s13] =	ssyncset.done $0x0  }
0x144: {  	s26 =	rddreg [dreg:$0xe];
	[sflag:s13] =	ssyncadd.s32 $0xFFFFC000  }
0x145: {  	[spmem:s2] =	stream.indirect.scatter.add.f32 [tilespmem:s15], [sflag:$0x3], $0x80, s26, s14, $0xb8;
	[tilespmem:$0x1D000] =	vst v63  }
0x146: {  	_ =	swait.ge [sflag:s16], $0x4000  }
0x147: {  	[sflag:s16] =	ssyncset.done $0x0  }
0x148: {  	s23 =	simm.s32 @p1 $0x600;
	[sflag:s16] =	ssyncadd.s32 $0xFFFFC000  }
0x149: {  	[tilespmem:s20], [sflag:$0x1] =	stream.indirect.gather @p1 [hbm4b:s4+s1], $0x80, s23, s1, $0xb8;
	[tilespmem:$0x1D000] =	vst v63  }
0x14a: {  	s23 =	simm.s32 @!p1 $0x600  }
0x14b: {  	[tilespmem:s24], [sflag:$0x1] =	stream.indirect.gather @!p1 [hbm4b:s5+s8], $0x80, s23, s8, $0xb8;
	[tilespmem:$0x1D000] =	vst v63  }
0x14c: {  	_ =	swait.ge [sflag:s17], $0x4000  }
0x14d: {  	[sflag:s17] =	ssyncset.done $0x0  }
0x14e: {  	s26 =	rddreg [dreg:$0xf];
	[sflag:s17] =	ssyncadd.s32 $0xFFFFC000  }
0x14f: {  	[spmem:s2] =	stream.indirect.scatter.add.f32 [tilespmem:s18], [sflag:$0x4], $0x80, s26, s14, $0xb8;
	[tilespmem:$0x1D000] =	vst v63  }
0x150: {  	_ =	swait.ge [sflag:s19], $0x4000  }
0x151: {  	[sflag:s19] =	ssyncset.done $0x0  }
0x152: {  	s23 =	simm.s32 @p1 $0x680;
	[sflag:s19] =	ssyncadd.s32 $0xFFFFC000  }
0x153: {  	[tilespmem:s0], [sflag:$0x2] =	stream.indirect.gather @p1 [hbm4b:s4+s1], $0x80, s23, s1, $0xb8;
	[tilespmem:$0x1D000] =	vst v63  }
0x154: {  	s23 =	simm.s32 @!p1 $0x680  }
0x155: {  	[tilespmem:s7], [sflag:$0x2] =	stream.indirect.gather @!p1 [hbm4b:s5+s8], $0x80, s23, s8, $0xb8;
	[tilespmem:$0x1D000] =	vst v63  }
0x156: {  	_ =	swait.ge [sflag:s13], $0x4000  }
0x157: {  	[sflag:s13] =	ssyncset.done $0x0  }
0x158: {  	s26 =	rddreg [dreg:$0x10];
	[sflag:s13] =	ssyncadd.s32 $0xFFFFC000  }
0x159: {  	[spmem:s2] =	stream.indirect.scatter.add.f32 [tilespmem:s15], [sflag:$0x3], $0x80, s26, s14, $0xb8;
	[tilespmem:$0x1D000] =	vst v63  }
0x15a: {  	_ =	swait.ge [sflag:s16], $0x4000  }
0x15b: {  	[sflag:s16] =	ssyncset.done $0x0  }
0x15c: {  	[sflag:s16] =	ssyncadd.s32 $0xFFFFC000  }
0x15d: {  	[tilespmem:s20], [sflag:$0x1] =	stream.indirect.gather @p1 [hbm4b:s4+s1], $0x80, s30, s1, $0xb8;
	[tilespmem:$0x1D000] =	vst v63  }
0x15e: {  	_ = 	snop  }
0x15f: {  	[tilespmem:s24], [sflag:$0x1] =	stream.indirect.gather @!p1 [hbm4b:s5+s8], $0x80, s31, s8, $0xb8;
	[tilespmem:$0x1D000] =	vst v63  }
0x160: {  	_ =	swait.ge [sflag:s17], $0x4000  }
0x161: {  	[sflag:s17] =	ssyncset.done $0x0  }
0x162: {  	s26 =	rddreg [dreg:$0x11];
	[sflag:s17] =	ssyncadd.s32 $0xFFFFC000  }
0x163: {  	[spmem:s2] =	stream.indirect.scatter.add.f32 [tilespmem:s18], [sflag:$0x4], $0x80, s26, s14, $0xb8;
	[tilespmem:$0x1D000] =	vst v63  }
0x164: {  	_ =	swait.ge [sflag:s19], $0x4000  }
0x165: {  	[sflag:s19] =	ssyncset.done $0x0  }
0x166: {  	[sflag:s19] =	ssyncadd.s32 $0xFFFFC000  }
0x167: {  	[tilespmem:s0], [sflag:$0x2] =	stream.indirect.gather @p1 [hbm4b:s4+s1], $0x80, s6, s1, $0xb8;
	[tilespmem:$0x1D000] =	vst v63  }
0x168: {  	_ = 	snop  }
0x169: {  	[tilespmem:s7], [sflag:$0x2] =	stream.indirect.gather @!p1 [hbm4b:s5+s8], $0x80, s9, s8, $0xb8;
	[tilespmem:$0x1D000] =	vst v63  }
0x16a: {  	_ =	swait.ge [sflag:s13], $0x4000  }
0x16b: {  	[sflag:s13] =	ssyncset.done $0x0  }
0x16c: {  	s26 =	rddreg [dreg:$0x12];
	[sflag:s13] =	ssyncadd.s32 $0xFFFFC000  }
0x16d: {  	[spmem:s2] =	stream.indirect.scatter.add.f32 [tilespmem:s15], [sflag:$0x3], $0x80, s26, s14, $0xb8;
	[tilespmem:$0x1D000] =	vst v63  }
0x16e: {  	_ =	swait.ge [sflag:s17], $0x4000  }
0x16f: {  	s10 =	sadd.s32 $0x100, s10;
	[sflag:s17] =	ssyncset.done $0x0  }
0x170: {  	p2 =	sne.s32 s10, $0xA00;
	s26 =	rddreg [dreg:$0x13];
	[sflag:s17] =	ssyncadd.s32 $0xFFFFC000  }
0x171: {  	[spmem:s2] =	stream.indirect.scatter.add.f32 [tilespmem:s18], [sflag:$0x4], $0x80, s26, s14, $0xb8;
	[tilespmem:$0x1D000] =	vst v63  }
.Ltmp0:
0x172: {  	_ =	swait.ge [sflag:s16], $0x4000;
	(pc) =	sbr.rel @p2 .LBB2_2-.Ltmp0, $4  }
0x173: {  	[sflag:s16] =	ssyncset.done $0x0  }
0x174: {  	[sflag:s16] =	ssyncadd.s32 $0xFFFFC000  }
0x175: {  	_ =	swait.ge [sflag:s19], $0x4000  }
0x176: {  	s23 =	rddreg [dreg:$0x4];
	[sflag:s19] =	ssyncset.done $0x0  }
0x177: {  	[sflag:s19] =	ssyncadd.s32 $0xFFFFC000;
	s0 =	sadd.s32 s3, s23;
	s1 =	simm.s32 $0x0  }
0x178: {  	[tilespmem:s1], [sflag:$0x5] =	stream.linear.gather [hbm4b:s0+s1], $0x800, $0x38;
	[tilespmem:$0x1D000] =	vst v63  }
0x179: {  	_ =	swait.ge [sflag:s11], $0x800  }
0x17a: {  	s22 =	rddreg [dreg:$0x3];
	[sflag:s11] =	ssyncset.done $0x0  }
0x17b: {  	[sflag:s11] =	ssyncadd.s32 $0xFFFFF800;
	s0 =	sadd.s32 s3, s22  }
0x17c: {  	[tilespmem:s12], [sflag:$0x5] =	stream.linear.gather [hbm4b:s0+s1], $0x800, $0x38;
	[tilespmem:$0x1D000] =	vst v63  }
0x17d: {  	_ =	swait.ge [sflag:s11], $0x800  }
0x17e: {  	s3 =	simm.s32 @p0 $0x0;
	[sflag:s11] =	ssyncset.done $0x0  }
0x17f: {  	s0 =	simm.s32 @p0 $0x1000;
	s1 =	simm.s32 @p0 $0x80;
	[sflag:s11] =	ssyncadd.s32 $0xFFFFF800  }
0x180: {  	[tilespmem:s0], [sflag:$0x1] =	stream.indirect.gather @p0 [hbm4b:s5+s1], $0x80, s3, s1, $0xb8;
	[tilespmem:$0x1D000] =	vst v63  }
0x181: {  	s3 =	simm.s32 @p0 $0x5000  }
0x182: {  	[tilespmem:s3], [sflag:$0x2] =	stream.indirect.gather @p0 [hbm4b:s5+s1], $0x80, s1, s1, $0xb8;
	[tilespmem:$0x1D000] =	vst v63  }
0x183: {  	s6 =	simm.s32 @!p0 $0x0;
	s7 =	simm.s32 @!p0 $0x1000;
	s3 =	simm.s32 @!p0 $0x80  }
0x184: {  	[tilespmem:s7], [sflag:$0x1] =	stream.indirect.gather @!p0 [hbm4b:s4+s3], $0x80, s6, s3, $0xb8;
	[tilespmem:$0x1D000] =	vst v63  }
0x185: {  	s6 =	simm.s32 @!p0 $0x5000  }
0x186: {  	[tilespmem:s6], [sflag:$0x2] =	stream.indirect.gather @!p0 [hbm4b:s4+s3], $0x80, s3, s3, $0xb8;
	[tilespmem:$0x1D000] =	vst v63  }
0x187: {  	_ =	swait.ge [sflag:s13], $0x4000  }
0x188: {  	[sflag:s13] =	ssyncset.done $0x0  }
0x189: {  	[sflag:s13] =	ssyncadd.s32 $0xFFFFC000  }
0x18a: {  	[spmem:s2] =	stream.indirect.scatter.add.f32 [tilespmem:s15], [sflag:$0x3], $0x80, s12, s14, $0xb8;
	[tilespmem:$0x1D000] =	vst v63  }
0x18b: {  	_ =	swait.ge [sflag:s16], $0x4000  }
0x18c: {  	[sflag:s16] =	ssyncset.done $0x0  }
0x18d: {  	s6 =	simm.s32 @p0 $0x100;
	[sflag:s16] =	ssyncadd.s32 $0xFFFFC000  }
0x18e: {  	[tilespmem:s0], [sflag:$0x1] =	stream.indirect.gather @p0 [hbm4b:s5+s1], $0x80, s6, s1, $0xb8;
	[tilespmem:$0x1D000] =	vst v63  }
0x18f: {  	s0 =	simm.s32 @!p0 $0x100  }
0x190: {  	[tilespmem:s7], [sflag:$0x1] =	stream.indirect.gather @!p0 [hbm4b:s4+s3], $0x80, s0, s3, $0xb8;
	[tilespmem:$0x1D000] =	vst v63  }
0x191: {  	_ =	swait.ge [sflag:s17], $0x4000  }
0x192: {  	[sflag:s17] =	ssyncset.done $0x0  }
0x193: {  	s23 =	rddreg [dreg:$0x5];
	[sflag:s17] =	ssyncadd.s32 $0xFFFFC000  }
0x194: {  	[spmem:s2] =	stream.indirect.scatter.add.f32 [tilespmem:s18], [sflag:$0x4], $0x80, s23, s14, $0xb8;
	[tilespmem:$0x1D000] =	vst v63  }
0x195: {  	_ =	swait.ge [sflag:s19], $0x4000  }
0x196: {  	s1 =	simm.s32 @p1 $0x80;
	[sflag:s19] =	ssyncset.done $0x0  }
0x197: {  	s0 =	simm.s32 @p1 $0x5000;
	s3 =	simm.s32 @p1 $0x180;
	[sflag:s19] =	ssyncadd.s32 $0xFFFFC000  }
0x198: {  	[tilespmem:s0], [sflag:$0x2] =	stream.indirect.gather @p1 [hbm4b:s4+s1], $0x80, s3, s1, $0xb8;
	[tilespmem:$0x1D000] =	vst v63  }
0x199: {  	s6 =	simm.s32 @!p1 $0x5000;
	s7 =	simm.s32 @!p1 $0x180;
	s3 =	simm.s32 @!p1 $0x80  }
0x19a: {  	[tilespmem:s6], [sflag:$0x2] =	stream.indirect.gather @!p1 [hbm4b:s5+s3], $0x80, s7, s3, $0xb8;
	[tilespmem:$0x1D000] =	vst v63  }
0x19b: {  	_ =	swait.ge [sflag:s13], $0x4000  }
0x19c: {  	[sflag:s13] =	ssyncset.done $0x0  }
0x19d: {  	s24 =	rddreg [dreg:$0x6];
	[sflag:s13] =	ssyncadd.s32 $0xFFFFC000  }
0x19e: {  	[spmem:s2] =	stream.indirect.scatter.add.f32 [tilespmem:s15], [sflag:$0x3], $0x80, s24, s14, $0xb8;
	[tilespmem:$0x1D000] =	vst v63  }
0x19f: {  	_ =	swait.ge [sflag:s16], $0x4000  }
0x1a0: {  	[sflag:s16] =	ssyncset.done $0x0  }
0x1a1: {  	s8 =	simm.s32 @p1 $0x200;
	s7 =	simm.s32 @p1 $0x1000;
	[sflag:s16] =	ssyncadd.s32 $0xFFFFC000  }
0x1a2: {  	[tilespmem:s7], [sflag:$0x1] =	stream.indirect.gather @p1 [hbm4b:s4+s1], $0x80, s8, s1, $0xb8;
	[tilespmem:$0x1D000] =	vst v63  }
0x1a3: {  	s9 =	simm.s32 @!p1 $0x200;
	s8 =	simm.s32 @!p1 $0x1000  }
0x1a4: {  	[tilespmem:s8], [sflag:$0x1] =	stream.indirect.gather @!p1 [hbm4b:s5+s3], $0x80, s9, s3, $0xb8;
	[tilespmem:$0x1D000] =	vst v63  }
0x1a5: {  	_ =	swait.ge [sflag:s17], $0x4000  }
0x1a6: {  	[sflag:s17] =	ssyncset.done $0x0  }
0x1a7: {  	s25 =	rddreg [dreg:$0x7];
	[sflag:s17] =	ssyncadd.s32 $0xFFFFC000  }
0x1a8: {  	[spmem:s2] =	stream.indirect.scatter.add.f32 [tilespmem:s18], [sflag:$0x4], $0x80, s25, s14, $0xb8;
	[tilespmem:$0x1D000] =	vst v63  }
0x1a9: {  	_ =	swait.ge [sflag:s19], $0x4000  }
0x1aa: {  	[sflag:s19] =	ssyncset.done $0x0  }
0x1ab: {  	s9 =	simm.s32 @p1 $0x280;
	[sflag:s19] =	ssyncadd.s32 $0xFFFFC000  }
0x1ac: {  	[tilespmem:s0], [sflag:$0x2] =	stream.indirect.gather @p1 [hbm4b:s4+s1], $0x80, s9, s1, $0xb8;
	[tilespmem:$0x1D000] =	vst v63  }
0x1ad: {  	s9 =	simm.s32 @!p1 $0x280  }
0x1ae: {  	[tilespmem:s6], [sflag:$0x2] =	stream.indirect.gather @!p1 [hbm4b:s5+s3], $0x80, s9, s3, $0xb8;
	[tilespmem:$0x1D000] =	vst v63  }
0x1af: {  	_ =	swait.ge [sflag:s13], $0x4000  }
0x1b0: {  	[sflag:s13] =	ssyncset.done $0x0  }
0x1b1: {  	s26 =	rddreg [dreg:$0x8];
	[sflag:s13] =	ssyncadd.s32 $0xFFFFC000  }
0x1b2: {  	[spmem:s2] =	stream.indirect.scatter.add.f32 [tilespmem:s15], [sflag:$0x3], $0x80, s26, s14, $0xb8;
	[tilespmem:$0x1D000] =	vst v63  }
0x1b3: {  	_ =	swait.ge [sflag:s16], $0x4000  }
0x1b4: {  	[sflag:s16] =	ssyncset.done $0x0  }
0x1b5: {  	s9 =	simm.s32 @p1 $0x300;
	[sflag:s16] =	ssyncadd.s32 $0xFFFFC000  }
0x1b6: {  	[tilespmem:s7], [sflag:$0x1] =	stream.indirect.gather @p1 [hbm4b:s4+s1], $0x80, s9, s1, $0xb8;
	[tilespmem:$0x1D000] =	vst v63  }
0x1b7: {  	s9 =	simm.s32 @!p1 $0x300  }
0x1b8: {  	[tilespmem:s8], [sflag:$0x1] =	stream.indirect.gather @!p1 [hbm4b:s5+s3], $0x80, s9, s3, $0xb8;
	[tilespmem:$0x1D000] =	vst v63  }
0x1b9: {  	_ =	swait.ge [sflag:s17], $0x4000  }
0x1ba: {  	[sflag:s17] =	ssyncset.done $0x0  }
0x1bb: {  	s28 =	rddreg [dreg:$0x9];
	[sflag:s17] =	ssyncadd.s32 $0xFFFFC000  }
0x1bc: {  	[spmem:s2] =	stream.indirect.scatter.add.f32 [tilespmem:s18], [sflag:$0x4], $0x80, s28, s14, $0xb8;
	[tilespmem:$0x1D000] =	vst v63  }
0x1bd: {  	_ =	swait.ge [sflag:s19], $0x4000  }
0x1be: {  	[sflag:s19] =	ssyncset.done $0x0  }
0x1bf: {  	s9 =	simm.s32 @p1 $0x380;
	[sflag:s19] =	ssyncadd.s32 $0xFFFFC000  }
0x1c0: {  	[tilespmem:s0], [sflag:$0x2] =	stream.indirect.gather @p1 [hbm4b:s4+s1], $0x80, s9, s1, $0xb8;
	[tilespmem:$0x1D000] =	vst v63  }
0x1c1: {  	s9 =	simm.s32 @!p1 $0x380  }
0x1c2: {  	[tilespmem:s6], [sflag:$0x2] =	stream.indirect.gather @!p1 [hbm4b:s5+s3], $0x80, s9, s3, $0xb8;
	[tilespmem:$0x1D000] =	vst v63  }
0x1c3: {  	_ =	swait.ge [sflag:s13], $0x4000  }
0x1c4: {  	[sflag:s13] =	ssyncset.done $0x0  }
0x1c5: {  	s30 =	rddreg [dreg:$0xa];
	[sflag:s13] =	ssyncadd.s32 $0xFFFFC000  }
0x1c6: {  	[spmem:s2] =	stream.indirect.scatter.add.f32 [tilespmem:s15], [sflag:$0x3], $0x80, s30, s14, $0xb8;
	[tilespmem:$0x1D000] =	vst v63  }
0x1c7: {  	_ =	swait.ge [sflag:s16], $0x4000  }
0x1c8: {  	[sflag:s16] =	ssyncset.done $0x0  }
0x1c9: {  	s9 =	simm.s32 @p1 $0x400;
	[sflag:s16] =	ssyncadd.s32 $0xFFFFC000  }
0x1ca: {  	[tilespmem:s7], [sflag:$0x1] =	stream.indirect.gather @p1 [hbm4b:s4+s1], $0x80, s9, s1, $0xb8;
	[tilespmem:$0x1D000] =	vst v63  }
0x1cb: {  	s9 =	simm.s32 @!p1 $0x400  }
0x1cc: {  	[tilespmem:s8], [sflag:$0x1] =	stream.indirect.gather @!p1 [hbm4b:s5+s3], $0x80, s9, s3, $0xb8;
	[tilespmem:$0x1D000] =	vst v63  }
0x1cd: {  	_ =	swait.ge [sflag:s17], $0x4000  }
0x1ce: {  	[sflag:s17] =	ssyncset.done $0x0  }
0x1cf: {  	s31 =	rddreg [dreg:$0xb];
	[sflag:s17] =	ssyncadd.s32 $0xFFFFC000  }
0x1d0: {  	[spmem:s2] =	stream.indirect.scatter.add.f32 [tilespmem:s18], [sflag:$0x4], $0x80, s31, s14, $0xb8;
	[tilespmem:$0x1D000] =	vst v63  }
0x1d1: {  	_ =	swait.ge [sflag:s19], $0x4000  }
0x1d2: {  	[sflag:s19] =	ssyncset.done $0x0  }
0x1d3: {  	s9 =	simm.s32 @p1 $0x480;
	[sflag:s19] =	ssyncadd.s32 $0xFFFFC000  }
0x1d4: {  	[tilespmem:s0], [sflag:$0x2] =	stream.indirect.gather @p1 [hbm4b:s4+s1], $0x80, s9, s1, $0xb8;
	[tilespmem:$0x1D000] =	vst v63  }
0x1d5: {  	s9 =	simm.s32 @!p1 $0x480  }
0x1d6: {  	[tilespmem:s6], [sflag:$0x2] =	stream.indirect.gather @!p1 [hbm4b:s5+s3], $0x80, s9, s3, $0xb8;
	[tilespmem:$0x1D000] =	vst v63  }
0x1d7: {  	_ =	swait.ge [sflag:s13], $0x4000  }
0x1d8: {  	[sflag:s13] =	ssyncset.done $0x0  }
0x1d9: {  	s10 =	rddreg [dreg:$0xc];
	[sflag:s13] =	ssyncadd.s32 $0xFFFFC000  }
0x1da: {  	[spmem:s2] =	stream.indirect.scatter.add.f32 [tilespmem:s15], [sflag:$0x3], $0x80, s10, s14, $0xb8;
	[tilespmem:$0x1D000] =	vst v63  }
0x1db: {  	_ =	swait.ge [sflag:s16], $0x4000  }
0x1dc: {  	[sflag:s16] =	ssyncset.done $0x0  }
0x1dd: {  	s9 =	simm.s32 @p1 $0x500;
	[sflag:s16] =	ssyncadd.s32 $0xFFFFC000  }
0x1de: {  	[tilespmem:s7], [sflag:$0x1] =	stream.indirect.gather @p1 [hbm4b:s4+s1], $0x80, s9, s1, $0xb8;
	[tilespmem:$0x1D000] =	vst v63  }
0x1df: {  	s9 =	simm.s32 @!p1 $0x500  }
0x1e0: {  	[tilespmem:s8], [sflag:$0x1] =	stream.indirect.gather @!p1 [hbm4b:s5+s3], $0x80, s9, s3, $0xb8;
	[tilespmem:$0x1D000] =	vst v63  }
0x1e1: {  	_ =	swait.ge [sflag:s17], $0x4000  }
0x1e2: {  	[sflag:s17] =	ssyncset.done $0x0  }
0x1e3: {  	s20 =	rddreg [dreg:$0xd];
	[sflag:s17] =	ssyncadd.s32 $0xFFFFC000  }
0x1e4: {  	[spmem:s2] =	stream.indirect.scatter.add.f32 [tilespmem:s18], [sflag:$0x4], $0x80, s20, s14, $0xb8;
	[tilespmem:$0x1D000] =	vst v63  }
0x1e5: {  	_ =	swait.ge [sflag:s19], $0x4000  }
0x1e6: {  	[sflag:s19] =	ssyncset.done $0x0  }
0x1e7: {  	s9 =	simm.s32 @p1 $0x580;
	[sflag:s19] =	ssyncadd.s32 $0xFFFFC000  }
0x1e8: {  	[tilespmem:s0], [sflag:$0x2] =	stream.indirect.gather @p1 [hbm4b:s4+s1], $0x80, s9, s1, $0xb8;
	[tilespmem:$0x1D000] =	vst v63  }
0x1e9: {  	s9 =	simm.s32 @!p1 $0x580  }
0x1ea: {  	[tilespmem:s6], [sflag:$0x2] =	stream.indirect.gather @!p1 [hbm4b:s5+s3], $0x80, s9, s3, $0xb8;
	[tilespmem:$0x1D000] =	vst v63  }
0x1eb: {  	_ =	swait.ge [sflag:s13], $0x4000  }
0x1ec: {  	[sflag:s13] =	ssyncset.done $0x0  }
0x1ed: {  	s21 =	rddreg [dreg:$0xe];
	[sflag:s13] =	ssyncadd.s32 $0xFFFFC000  }
0x1ee: {  	[spmem:s2] =	stream.indirect.scatter.add.f32 [tilespmem:s15], [sflag:$0x3], $0x80, s21, s14, $0xb8;
	[tilespmem:$0x1D000] =	vst v63  }
0x1ef: {  	_ =	swait.ge [sflag:s16], $0x4000  }
0x1f0: {  	[sflag:s16] =	ssyncset.done $0x0  }
0x1f1: {  	s9 =	simm.s32 @p1 $0x600;
	[sflag:s16] =	ssyncadd.s32 $0xFFFFC000  }
0x1f2: {  	[tilespmem:s7], [sflag:$0x1] =	stream.indirect.gather @p1 [hbm4b:s4+s1], $0x80, s9, s1, $0xb8;
	[tilespmem:$0x1D000] =	vst v63  }
0x1f3: {  	s9 =	simm.s32 @!p1 $0x600  }
0x1f4: {  	[tilespmem:s8], [sflag:$0x1] =	stream.indirect.gather @!p1 [hbm4b:s5+s3], $0x80, s9, s3, $0xb8;
	[tilespmem:$0x1D000] =	vst v63  }
0x1f5: {  	_ =	swait.ge [sflag:s17], $0x4000  }
0x1f6: {  	[sflag:s17] =	ssyncset.done $0x0  }
0x1f7: {  	s22 =	rddreg [dreg:$0xf];
	[sflag:s17] =	ssyncadd.s32 $0xFFFFC000  }
0x1f8: {  	[spmem:s2] =	stream.indirect.scatter.add.f32 [tilespmem:s18], [sflag:$0x4], $0x80, s22, s14, $0xb8;
	[tilespmem:$0x1D000] =	vst v63  }
0x1f9: {  	_ =	swait.ge [sflag:s19], $0x4000  }
0x1fa: {  	[sflag:s19] =	ssyncset.done $0x0  }
0x1fb: {  	s9 =	simm.s32 @p1 $0x680;
	[sflag:s19] =	ssyncadd.s32 $0xFFFFC000  }
0x1fc: {  	[tilespmem:s0], [sflag:$0x2] =	stream.indirect.gather @p1 [hbm4b:s4+s1], $0x80, s9, s1, $0xb8;
	[tilespmem:$0x1D000] =	vst v63  }
0x1fd: {  	s9 =	simm.s32 @!p1 $0x680  }
0x1fe: {  	[tilespmem:s6], [sflag:$0x2] =	stream.indirect.gather @!p1 [hbm4b:s5+s3], $0x80, s9, s3, $0xb8;
	[tilespmem:$0x1D000] =	vst v63  }
0x1ff: {  	_ =	swait.ge [sflag:s13], $0x4000  }
0x200: {  	[sflag:s13] =	ssyncset.done $0x0  }
0x201: {  	s23 =	rddreg [dreg:$0x10];
	[sflag:s13] =	ssyncadd.s32 $0xFFFFC000  }
0x202: {  	[spmem:s2] =	stream.indirect.scatter.add.f32 [tilespmem:s15], [sflag:$0x3], $0x80, s23, s14, $0xb8;
	[tilespmem:$0x1D000] =	vst v63  }
0x203: {  	_ =	swait.ge [sflag:s16], $0x4000  }
0x204: {  	[sflag:s16] =	ssyncset.done $0x0  }
0x205: {  	s9 =	simm.s32 @p1 $0x700;
	[sflag:s16] =	ssyncadd.s32 $0xFFFFC000  }
0x206: {  	[tilespmem:s7], [sflag:$0x1] =	stream.indirect.gather @p1 [hbm4b:s4+s1], $0x80, s9, s1, $0xb8;
	[tilespmem:$0x1D000] =	vst v63  }
0x207: {  	s7 =	simm.s32 @!p1 $0x700  }
0x208: {  	[tilespmem:s8], [sflag:$0x1] =	stream.indirect.gather @!p1 [hbm4b:s5+s3], $0x80, s7, s3, $0xb8;
	[tilespmem:$0x1D000] =	vst v63  }
0x209: {  	_ =	swait.ge [sflag:s17], $0x4000  }
0x20a: {  	[sflag:s17] =	ssyncset.done $0x0  }
0x20b: {  	s24 =	rddreg [dreg:$0x11];
	[sflag:s17] =	ssyncadd.s32 $0xFFFFC000  }
0x20c: {  	[spmem:s2] =	stream.indirect.scatter.add.f32 [tilespmem:s18], [sflag:$0x4], $0x80, s24, s14, $0xb8;
	[tilespmem:$0x1D000] =	vst v63  }
0x20d: {  	_ =	swait.ge [sflag:s19], $0x4000  }
0x20e: {  	[sflag:s19] =	ssyncset.done $0x0  }
0x20f: {  	s7 =	simm.s32 @p1 $0x780;
	[sflag:s19] =	ssyncadd.s32 $0xFFFFC000  }
0x210: {  	[tilespmem:s0], [sflag:$0x2] =	stream.indirect.gather @p1 [hbm4b:s4+s1], $0x80, s7, s1, $0xb8;
	[tilespmem:$0x1D000] =	vst v63  }
0x211: {  	s0 =	simm.s32 @!p1 $0x780  }
0x212: {  	[tilespmem:s6], [sflag:$0x2] =	stream.indirect.gather @!p1 [hbm4b:s5+s3], $0x80, s0, s3, $0xb8;
	[tilespmem:$0x1D000] =	vst v63  }
0x213: {  	_ =	swait.ge [sflag:s13], $0x4000  }
0x214: {  	[sflag:s13] =	ssyncset.done $0x0  }
0x215: {  	s25 =	rddreg [dreg:$0x12];
	[sflag:s13] =	ssyncadd.s32 $0xFFFFC000  }
0x216: {  	[spmem:s2] =	stream.indirect.scatter.add.f32 [tilespmem:s15], [sflag:$0x3], $0x80, s25, s14, $0xb8;
	[tilespmem:$0x1D000] =	vst v63  }
0x217: {  	_ =	swait.ge [sflag:s17], $0x4000  }
0x218: {  	[sflag:s17] =	ssyncset.done $0x0  }
0x219: {  	s26 =	rddreg [dreg:$0x13];
	[sflag:s17] =	ssyncadd.s32 $0xFFFFC000  }
0x21a: {  	[spmem:s2] =	stream.indirect.scatter.add.f32 [tilespmem:s18], [sflag:$0x4], $0x80, s26, s14, $0xb8;
	[tilespmem:$0x1D000] =	vst v63  }
0x21b: {  	_ =	swait.ge [sflag:s16], $0x4000  }
0x21c: {  	[sflag:s16] =	ssyncset.done $0x0  }
0x21d: {  	[sflag:s16] =	ssyncadd.s32 $0xFFFFC000  }
0x21e: {  	_ =	swait.ge [sflag:s19], $0x4000  }
0x21f: {  	[sflag:s19] =	ssyncset.done $0x0  }
0x220: {  	[sflag:s19] =	ssyncadd.s32 $0xFFFFC000  }
0x221: {  	[bflag:$0x0] =	sbarrier.arrive $0xFFFF  }
0x222: {  	s8 =	rddreg [dreg:$0x15]  }
0x223: {  	s28 =	rddreg [dreg:$0x16]  }
0x224: {  	s1 =	rddreg [dreg:$0x18]  }
0x225: {  	[hbm:s28], [sflag:s8] =	dma.local [spmem:s1], $0x2800  }
0x226: {  	_ =	swait.ge [sflag:s11], $0x2800  }
0x227: {  	s30 =	rddreg [dreg:$0x19]  }
0x228: {  	s31 =	rddreg [dreg:$0x17];
	s3 =	sadd.s32 $0x1, s30  }
0x229: {  	p2 =	sne.s32 s3, s31  }
.Ltmp1:
0x22a: {  	_ = 	snop;
	(pc) =	sbr.rel @p2 .LBB2_1-.Ltmp1, $3  }
0x22b: {  	_ =	sdelay $0x1  }
0x22c: {  	[sflag:s11] =	ssyncset.done $0x0  }
0x22d: {  	[sflag:s11] =	ssyncadd.s32 $0xFFFFD800  }
0x22e: {  	_ =	sfence.sel $0x180000  }
0x22f: {  	[bflag:$0x0] =	sbarrier.arrive $0xFFFF  }
0x230: {  	_ =	strace $0x9000004D  }
0x231: {  	s0 =	stileid.u32;
	[bflag:$0x2] =	sbarrier.arrive $0xFFFF  }
0x232: {  	p0 =	sne.s32 s0, $0x0;
	s0 =	rddreg [dreg:$0x2]  }
0x233: {  	s0 =	sadd.s32 @!p0 $0x100000, s0  }
0x234: {  	[sflag:s0] =	ssyncadd.tile.s32 @!p0 $0x1;
	_ =	shalt  }
.Lfunc_end2:
_tile_overlayer_lowered:
.L_overlay_start_2:
0x235: {  	(tag) =	ssettag $0x2  }
0x236: {  	s0 =	rddreg [dreg:$0x0];
	s2 =	stileid.u32  }
0x237: {  	s1 =	rddreg [dreg:$0x1];
	p0 =	sne.s32 s2, $0x0  }
0x238: {  	s3 =	rddreg [dreg:$0x2];
	[bflag:$0x3] =	sbarrier.arrive $0xFFFF;
	s2 =	simm.s32 @!p0 $0x1C05  }
0x239: {  	[timem:s3], [sflag:s2] =	dma.local @!p0 [hbm:s0], s1  }
0x23a: {  	s0 =	simm.s32 @!p0 $0x5  }
0x23b: {  	_ =	swait.ge @!p0 [sflag:s0], s1  }
0x23c: {  	s1 =	ssub.s32 @!p0 $0x0, s1;
	[sflag:s0] =	ssyncset.done @!p0 $0x0  }
0x23d: {  	[sflag:s0] =	ssyncadd.s32 @!p0 s1  }
0x23e: {  	[bflag:$0x3] =	sbarrier.arrive $0xFFFF  }
0x23f: {  	_ =	shalt  }

</sc_bundles>
